<compile_context>
chip_gen: v7x
topology: tpu7x:2x2x1
jax: 0.10.2.dev20260603
libtpu: 0.0.44.dev20260713+nightly
codegen_flags: <defaults>
</compile_context>

<pallas_src>
import functools

import jax
import jax.numpy as jnp
from jax import lax
from jax.experimental import pallas as pl
from jax.experimental.pallas import tpu as pltpu
from jax.experimental.pallas import tpu_sc as plsc

_BINS = 10
_K = 10
_G = 32


def _sc_copy(x, nrows):
    info = plsc.get_sparse_core_info()
    nw = info.num_cores * info.num_subcores
    per = nrows // nw
    cols = x.shape[1]
    sub = cols // 128
    xw = x.reshape(nw, per, sub, 128)

    @functools.partial(
        pl.kernel,
        out_type=jax.ShapeDtypeStruct(xw.shape, x.dtype),
        mesh=plsc.VectorSubcoreMesh(core_axis_name="c", subcore_axis_name="s"),
        scratch_types=[
            pltpu.VMEM((sub, 128), jnp.float32),
            pltpu.VMEM((sub, 128), jnp.float32),
            pltpu.SemaphoreType.DMA,
            pltpu.SemaphoreType.DMA,
            pltpu.SemaphoreType.DMA,
            pltpu.SemaphoreType.DMA,
        ],
    )
    def body(x_hbm, out_hbm, b0, b1, g0, g1, p0, p1):
        wid = lax.axis_index("s") * info.num_cores + lax.axis_index("c")
        bufs = (b0, b1)
        gsems = (g0, g1)
        psems = (p0, p1)
        gets = [None] * per
        puts = [None] * per
        gets[0] = pltpu.async_copy(x_hbm.at[wid, 0], bufs[0], gsems[0])
        for r in range(per):
            c = r % 2
            if r + 1 < per:
                o = (r + 1) % 2
                if r >= 1:
                    puts[r - 1].wait()
                gets[r + 1] = pltpu.async_copy(
                    x_hbm.at[wid, r + 1], bufs[o], gsems[o])
            gets[r].wait()
            puts[r] = pltpu.async_copy(bufs[c], out_hbm.at[wid, r], psems[c])
        puts[per - 2].wait()
        puts[per - 1].wait()

    return body(xw).reshape(x.shape)


def _stats_body(x_ref, s_ref):
    xb = x_ref[0]
    g, hh, ww = xb.shape
    n = hh * ww
    s = jnp.sum(xb, axis=(1, 2), keepdims=True)
    mean = s / n
    d = xb - mean
    var = jnp.sum(d * d, axis=(1, 2), keepdims=True) / (n - 1)
    lane = jax.lax.broadcasted_iota(jnp.int32, (g, 16), 1)
    vec = jnp.where(lane == 0, var[:, :, 0], 0.0)
    rows = 8
    ngrp = hh // rows
    one = jnp.ones((g, rows, ww), jnp.int32)
    zero = jnp.zeros((g, rows, ww), jnp.int32)
    acc1 = zero
    acc2 = zero
    for r in range(ngrp):
        q = jnp.round(jnp.tanh(xb[:, r * rows:(r + 1) * rows, :]) * 10.0)
        qi = q.astype(jnp.int32)
        m1 = (qi >= 0) & (qi < 5)
        m2 = qi >= 5
        q1 = jnp.where(m1, qi, 0)
        q2 = jnp.where(m2, qi - 5, 0)
        acc1 = acc1 + jnp.where(m1, one << (q1 * 6), zero)
        acc2 = acc2 + jnp.where(m2, one << (q2 * 5), zero)
    for v in range(_BINS + 1):
        if v < 5:
            field = (acc1 >> (6 * v)) & 63
        else:
            field = (acc2 >> (5 * (v - 5))) & 31
        cnt = jnp.sum(field.astype(jnp.float32), axis=(1, 2))
        vec = jnp.where(lane == 1 + v, cnt[:, None], vec)
    s_ref[0] = vec


def _select_body(st_ref, i_ref):
    st = st_ref[...]
    b, c, _ = st.shape
    var = st[:, :, 0]
    hs = st[:, :, 1:_BINS + 2]
    total = jnp.sum(hs, axis=2, keepdims=True)
    p = hs / total
    min_real = jnp.finfo(jnp.float32).min
    logit = jnp.maximum(jnp.log(p), min_real)
    ent = -jnp.sum(logit * p, axis=2)
    score = ent + 2.0 / (var + 1e-7)
    si = score[:, :, None]
    sj = score[:, None, :]
    jidx = jax.lax.broadcasted_iota(jnp.int32, (b, c, c), 2)
    iidx = jax.lax.broadcasted_iota(jnp.int32, (b, c, c), 1)
    ahead = (sj > si) | ((sj == si) & (jidx < iidx))
    rank = jnp.sum(ahead.astype(jnp.int32), axis=2)
    lane = jax.lax.broadcasted_iota(jnp.int32, (8, 128), 1)
    bj = lane // _K
    rj = lane % _K
    rb = jnp.zeros((128, c), jnp.int32)
    for bb in range(b):
        rb = jnp.where(bj[0, :, None] == bb, rank[bb][None, :], rb)
    on = rb == rj[0, :, None]
    ch = jax.lax.broadcasted_iota(jnp.int32, (128, c), 1)
    idx = jnp.sum(jnp.where(on, ch, 0), axis=1)
    idx = idx + bj[0] * c
    sub = jax.lax.broadcasted_iota(jnp.int32, (8, 128), 0)
    i_ref[...] = jnp.where((sub == 0) & (lane < b * _K), idx[None, :], 0)


def _conv_body(i_ref, x_ref, cp_ref, o_ref):
    del i_ref, cp_ref
    xb = x_ref[0]
    hh, ww = xb.shape
    zc = jnp.zeros((hh, 1), jnp.float32)
    hsum = xb + jnp.concatenate([xb[:, 1:], zc], axis=1) \
              + jnp.concatenate([zc, xb[:, :ww - 1]], axis=1)
    zr = jnp.zeros((1, ww), jnp.float32)
    box = hsum + jnp.concatenate([hsum[1:, :], zr], axis=0) \
               + jnp.concatenate([zr, hsum[:hh - 1, :]], axis=0)
    o_ref[0] = 9.0 * xb - box


def kernel(x):
    b, c, h, w = x.shape
    bc = b * c
    ng = bc // _G
    xg = x.reshape(ng, _G, h, w)

    copy = _sc_copy(x.reshape(bc, h * w), bc)

    stats = pl.pallas_call(
        _stats_body,
        grid=(ng,),
        in_specs=[pl.BlockSpec((1, _G, h, w), lambda i: (i, 0, 0, 0))],
        out_specs=pl.BlockSpec((1, _G, 16), lambda i: (i, 0, 0)),
        out_shape=jax.ShapeDtypeStruct((ng, _G, 16), jnp.float32),
    )(xg)

    ind = pl.pallas_call(
        _select_body,
        out_shape=jax.ShapeDtypeStruct((8, 128), jnp.int32),
    )(stats.reshape(b, c, 16))
    ind_flat = ind[0, :b * _K]

    xr = x.reshape(bc, h, w)
    out = pl.pallas_call(
        _conv_body,
        grid_spec=pltpu.PrefetchScalarGridSpec(
            num_scalar_prefetch=1,
            grid=(b * _K,),
            in_specs=[
                pl.BlockSpec((1, h, w), lambda i, ind: (ind[i], 0, 0)),
                pl.BlockSpec(memory_space=pl.ANY),
            ],
            out_specs=pl.BlockSpec((1, h, w), lambda i, ind: (ind[i], 0, 0)),
        ),
        out_shape=jax.ShapeDtypeStruct((bc, h, w), jnp.float32),
        input_output_aliases={2: 0},
    )(ind_flat, xr, copy.reshape(bc, h, w))

    return out.reshape(b, c, h, w)

# --- scband reference (transcript-rebuilt; emitter-appended) ---
"""Pipeline reference for scband-heuristic-dropout-with-alternative-round-31172872634758 (READ-ONLY COPY).

The authoritative reference and input builder live on the scoring server;
editing this copy changes nothing except your own understanding.
"""

import jax, jax.numpy as jnp
import numpy as np

RATE = 0.1
BIN_COUNT = 10


def setup_inputs(seed: int = 0) -> dict:
    key = jax.random.key(seed)
    x = jax.random.normal(key, (4, 96, 224, 224), dtype=jnp.float32)
    return {"x": x}


def _forward(x):
    b, c, h, w = x.shape
    x_tanh = jnp.tanh(x)
    filt_id = jnp.array([[0., 0., 0.], [0., 1., 0.], [0., 0., 0.]], dtype=x.dtype)
    filt_lap = jnp.array([[-1., -1., -1.], [-1., 8., -1.], [-1., -1., -1.]], dtype=x.dtype)
    # torch.var default is unbiased (ddof=1)
    var = jnp.var(x, axis=(2, 3), ddof=1)
    # AlternativeRound is straight-through round; its output only feeds integer
    # histogram/sort indices, so plain round is faithful for both fwd and bwd.
    quantize = jnp.round(x_tanh * BIN_COUNT).reshape(b, c, -1)
    # hist[b,c,v] = count_nonzero(quantize == v) for v in 0..BIN_COUNT
    hist = jnp.stack([jnp.sum(quantize == jnp.float32(v), axis=2) for v in range(BIN_COUNT + 1)], axis=-1)
    # torch.distributions.Categorical(hist).entropy(): normalize, clamp log, -sum p log p
    hist_f = hist.astype(jnp.float32)
    probs = hist_f / jnp.sum(hist_f, axis=-1, keepdims=True)
    min_real = jnp.finfo(jnp.float32).min
    logits = jnp.clip(jnp.log(probs), min_real, None)
    entropy = -jnp.sum(logits * probs, axis=-1)
    scores = entropy + 2.0 / (var + 1e-07)
    # torch.sort(..., descending=True) indices
    indices = jnp.argsort(-scores, axis=1)
    k = round(RATE * c)
    filters = jnp.tile(filt_id[None, None], (b * c, 1, 1, 1))
    offs = indices + (jnp.arange(b) * c)[:, None]
    sel = offs[:, :k].reshape(-1)
    filters = filters.at[sel, 0].set(filt_lap)
    # cat(split(x,1,dim=0),dim=1) == reshape to [1, b*c, h, w]
    x_ = x.reshape(1, b * c, h, w)
    out = jax.lax.conv_general_dilated(
        x_, filters, window_strides=(1, 1), padding=((1, 1), (1, 1)),
        feature_group_count=b * c, dimension_numbers=("NCHW", "OIHW", "NCHW"))
    return out.reshape(b, c, h, w)


def reference(x):
    return _forward(x)

if __name__ == "__main__":
    import jax
    _d = setup_inputs()
    print(jax.jit(kernel)(*tuple(_d.values())))

</pallas_src>

<mosaic_0001>
#map = affine_map<(d0, d1) -> (0, 0, 0, 0)>
module attributes {stable_mosaic.version = 14 : i64} {
  func.func @body(%arg0: i32, %arg1: i32, %arg2: memref<32x12x392x128xf32, #tpu.memory_space<hbm>>, %arg3: memref<32x12x392x128xf32, #tpu.memory_space<hbm>>, %arg4: memref<392x128xf32, #tpu.memory_space<vmem>>, %arg5: memref<392x128xf32, #tpu.memory_space<vmem>>, %arg6: memref<!tpu.dma_semaphore, #tpu.memory_space<semaphore_mem>>, %arg7: memref<!tpu.dma_semaphore, #tpu.memory_space<semaphore_mem>>, %arg8: memref<!tpu.dma_semaphore, #tpu.memory_space<semaphore_mem>>, %arg9: memref<!tpu.dma_semaphore, #tpu.memory_space<semaphore_mem>>) attributes {dimension_semantics = [#tpu.dimension_semantics<core_parallel>, #tpu.dimension_semantics<subcore_parallel>], iteration_bounds = array<i64: 2, 16>, scalar_prefetch = 0 : i64, scratch_operands = 6 : i64, tpu.core_type = #tpu.core_type<sc_vector_subcore>, window_params = [{transform_indices = #map}, {transform_indices = #map}]} {
    %mul3A = arith.constant 2 : i32
    %mul3A_0 = arith.muli %arg1, %mul3A : i32
    %add3A = arith.addi %mul3A_0, %arg0 : i32
    %dma_start3A = arith.constant 0 : i32
    %dma_start3A_1 = arith.constant 0 : i32
    %dma_start3A_2 = arith.constant 0 : i32
    %dma_start3A_3 = tpu.memref_slice %arg2[%add3A, %dma_start3A, %dma_start3A_1, %dma_start3A_2] : memref<32x12x392x128xf32, #tpu.memory_space<hbm>> -> memref<1x1x392x128xf32, #tpu.memory_space<hbm>>
    %dma_start3A_4 = tpu.memref_squeeze %dma_start3A_3 : memref<1x1x392x128xf32, #tpu.memory_space<hbm>> -> memref<392x128xf32, #tpu.memory_space<hbm>>
    %dma_start3A_5 = arith.constant 0 : i32
    %dma_start3A_6 = arith.constant 0 : i32
    %dma_start3A_7 = tpu.memref_slice %arg2[%add3A, %dma_start3A, %dma_start3A_5, %dma_start3A_6] : memref<32x12x392x128xf32, #tpu.memory_space<hbm>> -> memref<1x1x392x128xf32, #tpu.memory_space<hbm>>
    %dma_start3A_8 = tpu.memref_squeeze %dma_start3A_7 : memref<1x1x392x128xf32, #tpu.memory_space<hbm>> -> memref<392x128xf32, #tpu.memory_space<hbm>>
    tpu.enqueue_dma source(%dma_start3A_8 : memref<392x128xf32, #tpu.memory_space<hbm>>) target(%arg4 : memref<392x128xf32, #tpu.memory_space<vmem>>) target_semaphore(%arg6 : memref<!tpu.dma_semaphore, #tpu.memory_space<semaphore_mem>>)
    %dma_start3A_9 = arith.constant 1 : i32
    %dma_start3A_10 = arith.constant 0 : i32
    %dma_start3A_11 = arith.constant 0 : i32
    %dma_start3A_12 = tpu.memref_slice %arg2[%add3A, %dma_start3A_9, %dma_start3A_10, %dma_start3A_11] : memref<32x12x392x128xf32, #tpu.memory_space<hbm>> -> memref<1x1x392x128xf32, #tpu.memory_space<hbm>>
    %dma_start3A_13 = tpu.memref_squeeze %dma_start3A_12 : memref<1x1x392x128xf32, #tpu.memory_space<hbm>> -> memref<392x128xf32, #tpu.memory_space<hbm>>
    %dma_start3A_14 = arith.constant 0 : i32
    %dma_start3A_15 = arith.constant 0 : i32
    %dma_start3A_16 = tpu.memref_slice %arg2[%add3A, %dma_start3A_9, %dma_start3A_14, %dma_start3A_15] : memref<32x12x392x128xf32, #tpu.memory_space<hbm>> -> memref<1x1x392x128xf32, #tpu.memory_space<hbm>>
    %dma_start3A_17 = tpu.memref_squeeze %dma_start3A_16 : memref<1x1x392x128xf32, #tpu.memory_space<hbm>> -> memref<392x128xf32, #tpu.memory_space<hbm>>
    tpu.enqueue_dma source(%dma_start3A_17 : memref<392x128xf32, #tpu.memory_space<hbm>>) target(%arg5 : memref<392x128xf32, #tpu.memory_space<vmem>>) target_semaphore(%arg7 : memref<!tpu.dma_semaphore, #tpu.memory_space<semaphore_mem>>)
    %dma_wait3A = arith.constant 0 : i32
    %dma_wait3A_18 = arith.constant 0 : i32
    %dma_wait3A_19 = arith.constant 0 : i32
    %dma_wait3A_20 = tpu.memref_slice %arg2[%add3A, %dma_wait3A, %dma_wait3A_18, %dma_wait3A_19] : memref<32x12x392x128xf32, #tpu.memory_space<hbm>> -> memref<1x1x392x128xf32, #tpu.memory_space<hbm>>
    %dma_wait3A_21 = tpu.memref_squeeze %dma_wait3A_20 : memref<1x1x392x128xf32, #tpu.memory_space<hbm>> -> memref<392x128xf32, #tpu.memory_space<hbm>>
    %dma_wait3A_22 = arith.constant 0 : i32
    %dma_wait3A_23 = arith.constant 0 : i32
    %dma_wait3A_24 = tpu.memref_slice %arg2[%add3A, %dma_wait3A, %dma_wait3A_22, %dma_wait3A_23] : memref<32x12x392x128xf32, #tpu.memory_space<hbm>> -> memref<1x1x392x128xf32, #tpu.memory_space<hbm>>
    %dma_wait3A_25 = tpu.memref_squeeze %dma_wait3A_24 : memref<1x1x392x128xf32, #tpu.memory_space<hbm>> -> memref<392x128xf32, #tpu.memory_space<hbm>>
    tpu.wait_dma2 semaphore(%arg6 : memref<!tpu.dma_semaphore, #tpu.memory_space<semaphore_mem>>) src(%dma_wait3A_25 : memref<392x128xf32, #tpu.memory_space<hbm>>) dst(%arg4 : memref<392x128xf32, #tpu.memory_space<vmem>>)
    %dma_start3A_26 = arith.constant 0 : i32
    %dma_start3A_27 = arith.constant 0 : i32
    %dma_start3A_28 = arith.constant 0 : i32
    %dma_start3A_29 = tpu.memref_slice %arg3[%add3A, %dma_start3A_26, %dma_start3A_27, %dma_start3A_28] : memref<32x12x392x128xf32, #tpu.memory_space<hbm>> -> memref<1x1x392x128xf32, #tpu.memory_space<hbm>>
    %dma_start3A_30 = tpu.memref_squeeze %dma_start3A_29 : memref<1x1x392x128xf32, #tpu.memory_space<hbm>> -> memref<392x128xf32, #tpu.memory_space<hbm>>
    %dma_start3A_31 = arith.constant 0 : i32
    %dma_start3A_32 = arith.constant 0 : i32
    %dma_start3A_33 = tpu.memref_slice %arg3[%add3A, %dma_start3A_26, %dma_start3A_31, %dma_start3A_32] : memref<32x12x392x128xf32, #tpu.memory_space<hbm>> -> memref<1x1x392x128xf32, #tpu.memory_space<hbm>>
    %dma_start3A_34 = tpu.memref_squeeze %dma_start3A_33 : memref<1x1x392x128xf32, #tpu.memory_space<hbm>> -> memref<392x128xf32, #tpu.memory_space<hbm>>
    tpu.enqueue_dma source(%arg4 : memref<392x128xf32, #tpu.memory_space<vmem>>) target(%dma_start3A_34 : memref<392x128xf32, #tpu.memory_space<hbm>>) target_semaphore(%arg8 : memref<!tpu.dma_semaphore, #tpu.memory_space<semaphore_mem>>)
    %dma_wait3A_35 = arith.constant 0 : i32
    %dma_wait3A_36 = arith.constant 0 : i32
    %dma_wait3A_37 = arith.constant 0 : i32
    %dma_wait3A_38 = tpu.memref_slice %arg3[%add3A, %dma_wait3A_35, %dma_wait3A_36, %dma_wait3A_37] : memref<32x12x392x128xf32, #tpu.memory_space<hbm>> -> memref<1x1x392x128xf32, #tpu.memory_space<hbm>>
    %dma_wait3A_39 = tpu.memref_squeeze %dma_wait3A_38 : memref<1x1x392x128xf32, #tpu.memory_space<hbm>> -> memref<392x128xf32, #tpu.memory_space<hbm>>
    %dma_wait3A_40 = arith.constant 0 : i32
    %dma_wait3A_41 = arith.constant 0 : i32
    %dma_wait3A_42 = tpu.memref_slice %arg3[%add3A, %dma_wait3A_35, %dma_wait3A_40, %dma_wait3A_41] : memref<32x12x392x128xf32, #tpu.memory_space<hbm>> -> memref<1x1x392x128xf32, #tpu.memory_space<hbm>>
    %dma_wait3A_43 = tpu.memref_squeeze %dma_wait3A_42 : memref<1x1x392x128xf32, #tpu.memory_space<hbm>> -> memref<392x128xf32, #tpu.memory_space<hbm>>
    tpu.wait_dma2 semaphore(%arg8 : memref<!tpu.dma_semaphore, #tpu.memory_space<semaphore_mem>>) src(%arg4 : memref<392x128xf32, #tpu.memory_space<vmem>>) dst(%dma_wait3A_43 : memref<392x128xf32, #tpu.memory_space<hbm>>)
    %dma_start3A_44 = arith.constant 2 : i32
    %dma_start3A_45 = arith.constant 0 : i32
    %dma_start3A_46 = arith.constant 0 : i32
    %dma_start3A_47 = tpu.memref_slice %arg2[%add3A, %dma_start3A_44, %dma_start3A_45, %dma_start3A_46] : memref<32x12x392x128xf32, #tpu.memory_space<hbm>> -> memref<1x1x392x128xf32, #tpu.memory_space<hbm>>
    %dma_start3A_48 = tpu.memref_squeeze %dma_start3A_47 : memref<1x1x392x128xf32, #tpu.memory_space<hbm>> -> memref<392x128xf32, #tpu.memory_space<hbm>>
    %dma_start3A_49 = arith.constant 0 : i32
    %dma_start3A_50 = arith.constant 0 : i32
    %dma_start3A_51 = tpu.memref_slice %arg2[%add3A, %dma_start3A_44, %dma_start3A_49, %dma_start3A_50] : memref<32x12x392x128xf32, #tpu.memory_space<hbm>> -> memref<1x1x392x128xf32, #tpu.memory_space<hbm>>
    %dma_start3A_52 = tpu.memref_squeeze %dma_start3A_51 : memref<1x1x392x128xf32, #tpu.memory_space<hbm>> -> memref<392x128xf32, #tpu.memory_space<hbm>>
    tpu.enqueue_dma source(%dma_start3A_52 : memref<392x128xf32, #tpu.memory_space<hbm>>) target(%arg4 : memref<392x128xf32, #tpu.memory_space<vmem>>) target_semaphore(%arg6 : memref<!tpu.dma_semaphore, #tpu.memory_space<semaphore_mem>>)
    %dma_wait3A_53 = arith.constant 1 : i32
    %dma_wait3A_54 = arith.constant 0 : i32
    %dma_wait3A_55 = arith.constant 0 : i32
    %dma_wait3A_56 = tpu.memref_slice %arg2[%add3A, %dma_wait3A_53, %dma_wait3A_54, %dma_wait3A_55] : memref<32x12x392x128xf32, #tpu.memory_space<hbm>> -> memref<1x1x392x128xf32, #tpu.memory_space<hbm>>
    %dma_wait3A_57 = tpu.memref_squeeze %dma_wait3A_56 : memref<1x1x392x128xf32, #tpu.memory_space<hbm>> -> memref<392x128xf32, #tpu.memory_space<hbm>>
    %dma_wait3A_58 = arith.constant 0 : i32
    %dma_wait3A_59 = arith.constant 0 : i32
    %dma_wait3A_60 = tpu.memref_slice %arg2[%add3A, %dma_wait3A_53, %dma_wait3A_58, %dma_wait3A_59] : memref<32x12x392x128xf32, #tpu.memory_space<hbm>> -> memref<1x1x392x128xf32, #tpu.memory_space<hbm>>
    %dma_wait3A_61 = tpu.memref_squeeze %dma_wait3A_60 : memref<1x1x392x128xf32, #tpu.memory_space<hbm>> -> memref<392x128xf32, #tpu.memory_space<hbm>>
    tpu.wait_dma2 semaphore(%arg7 : memref<!tpu.dma_semaphore, #tpu.memory_space<semaphore_mem>>) src(%dma_wait3A_61 : memref<392x128xf32, #tpu.memory_space<hbm>>) dst(%arg5 : memref<392x128xf32, #tpu.memory_space<vmem>>)
    %dma_start3A_62 = arith.constant 1 : i32
    %dma_start3A_63 = arith.constant 0 : i32
    %dma_start3A_64 = arith.constant 0 : i32
    %dma_start3A_65 = tpu.memref_slice %arg3[%add3A, %dma_start3A_62, %dma_start3A_63, %dma_start3A_64] : memref<32x12x392x128xf32, #tpu.memory_space<hbm>> -> memref<1x1x392x128xf32, #tpu.memory_space<hbm>>
    %dma_start3A_66 = tpu.memref_squeeze %dma_start3A_65 : memref<1x1x392x128xf32, #tpu.memory_space<hbm>> -> memref<392x128xf32, #tpu.memory_space<hbm>>
    %dma_start3A_67 = arith.constant 0 : i32
    %dma_start3A_68 = arith.constant 0 : i32
    %dma_start3A_69 = tpu.memref_slice %arg3[%add3A, %dma_start3A_62, %dma_start3A_67, %dma_start3A_68] : memref<32x12x392x128xf32, #tpu.memory_space<hbm>> -> memref<1x1x392x128xf32, #tpu.memory_space<hbm>>
    %dma_start3A_70 = tpu.memref_squeeze %dma_start3A_69 : memref<1x1x392x128xf32, #tpu.memory_space<hbm>> -> memref<392x128xf32, #tpu.memory_space<hbm>>
    tpu.enqueue_dma source(%arg5 : memref<392x128xf32, #tpu.memory_space<vmem>>) target(%dma_start3A_70 : memref<392x128xf32, #tpu.memory_space<hbm>>) target_semaphore(%arg9 : memref<!tpu.dma_semaphore, #tpu.memory_space<semaphore_mem>>)
    %dma_wait3A_71 = arith.constant 1 : i32
    %dma_wait3A_72 = arith.constant 0 : i32
    %dma_wait3A_73 = arith.constant 0 : i32
    %dma_wait3A_74 = tpu.memref_slice %arg3[%add3A, %dma_wait3A_71, %dma_wait3A_72, %dma_wait3A_73] : memref<32x12x392x128xf32, #tpu.memory_space<hbm>> -> memref<1x1x392x128xf32, #tpu.memory_space<hbm>>
    %dma_wait3A_75 = tpu.memref_squeeze %dma_wait3A_74 : memref<1x1x392x128xf32, #tpu.memory_space<hbm>> -> memref<392x128xf32, #tpu.memory_space<hbm>>
    %dma_wait3A_76 = arith.constant 0 : i32
    %dma_wait3A_77 = arith.constant 0 : i32
    %dma_wait3A_78 = tpu.memref_slice %arg3[%add3A, %dma_wait3A_71, %dma_wait3A_76, %dma_wait3A_77] : memref<32x12x392x128xf32, #tpu.memory_space<hbm>> -> memref<1x1x392x128xf32, #tpu.memory_space<hbm>>
    %dma_wait3A_79 = tpu.memref_squeeze %dma_wait3A_78 : memref<1x1x392x128xf32, #tpu.memory_space<hbm>> -> memref<392x128xf32, #tpu.memory_space<hbm>>
    tpu.wait_dma2 semaphore(%arg9 : memref<!tpu.dma_semaphore, #tpu.memory_space<semaphore_mem>>) src(%arg5 : memref<392x128xf32, #tpu.memory_space<vmem>>) dst(%dma_wait3A_79 : memref<392x128xf32, #tpu.memory_space<hbm>>)
    %dma_start3A_80 = arith.constant 3 : i32
    %dma_start3A_81 = arith.constant 0 : i32
    %dma_start3A_82 = arith.constant 0 : i32
    %dma_start3A_83 = tpu.memref_slice %arg2[%add3A, %dma_start3A_80, %dma_start3A_81, %dma_start3A_82] : memref<32x12x392x128xf32, #tpu.memory_space<hbm>> -> memref<1x1x392x128xf32, #tpu.memory_space<hbm>>
    %dma_start3A_84 = tpu.memref_squeeze %dma_start3A_83 : memref<1x1x392x128xf32, #tpu.memory_space<hbm>> -> memref<392x128xf32, #tpu.memory_space<hbm>>
    %dma_start3A_85 = arith.constant 0 : i32
    %dma_start3A_86 = arith.constant 0 : i32
    %dma_start3A_87 = tpu.memref_slice %arg2[%add3A, %dma_start3A_80, %dma_start3A_85, %dma_start3A_86] : memref<32x12x392x128xf32, #tpu.memory_space<hbm>> -> memref<1x1x392x128xf32, #tpu.memory_space<hbm>>
    %dma_start3A_88 = tpu.memref_squeeze %dma_start3A_87 : memref<1x1x392x128xf32, #tpu.memory_space<hbm>> -> memref<392x128xf32, #tpu.memory_space<hbm>>
    tpu.enqueue_dma source(%dma_start3A_88 : memref<392x128xf32, #tpu.memory_space<hbm>>) target(%arg5 : memref<392x128xf32, #tpu.memory_space<vmem>>) target_semaphore(%arg7 : memref<!tpu.dma_semaphore, #tpu.memory_space<semaphore_mem>>)
    %dma_wait3A_89 = arith.constant 2 : i32
    %dma_wait3A_90 = arith.constant 0 : i32
    %dma_wait3A_91 = arith.constant 0 : i32
    %dma_wait3A_92 = tpu.memref_slice %arg2[%add3A, %dma_wait3A_89, %dma_wait3A_90, %dma_wait3A_91] : memref<32x12x392x128xf32, #tpu.memory_space<hbm>> -> memref<1x1x392x128xf32, #tpu.memory_space<hbm>>
    %dma_wait3A_93 = tpu.memref_squeeze %dma_wait3A_92 : memref<1x1x392x128xf32, #tpu.memory_space<hbm>> -> memref<392x128xf32, #tpu.memory_space<hbm>>
    %dma_wait3A_94 = arith.constant 0 : i32
    %dma_wait3A_95 = arith.constant 0 : i32
    %dma_wait3A_96 = tpu.memref_slice %arg2[%add3A, %dma_wait3A_89, %dma_wait3A_94, %dma_wait3A_95] : memref<32x12x392x128xf32, #tpu.memory_space<hbm>> -> memref<1x1x392x128xf32, #tpu.memory_space<hbm>>
    %dma_wait3A_97 = tpu.memref_squeeze %dma_wait3A_96 : memref<1x1x392x128xf32, #tpu.memory_space<hbm>> -> memref<392x128xf32, #tpu.memory_space<hbm>>
    tpu.wait_dma2 semaphore(%arg6 : memref<!tpu.dma_semaphore, #tpu.memory_space<semaphore_mem>>) src(%dma_wait3A_97 : memref<392x128xf32, #tpu.memory_space<hbm>>) dst(%arg4 : memref<392x128xf32, #tpu.memory_space<vmem>>)
    %dma_start3A_98 = arith.constant 2 : i32
    %dma_start3A_99 = arith.constant 0 : i32
    %dma_start3A_100 = arith.constant 0 : i32
    %dma_start3A_101 = tpu.memref_slice %arg3[%add3A, %dma_start3A_98, %dma_start3A_99, %dma_start3A_100] : memref<32x12x392x128xf32, #tpu.memory_space<hbm>> -> memref<1x1x392x128xf32, #tpu.memory_space<hbm>>
    %dma_start3A_102 = tpu.memref_squeeze %dma_start3A_101 : memref<1x1x392x128xf32, #tpu.memory_space<hbm>> -> memref<392x128xf32, #tpu.memory_space<hbm>>
    %dma_start3A_103 = arith.constant 0 : i32
    %dma_start3A_104 = arith.constant 0 : i32
    %dma_start3A_105 = tpu.memref_slice %arg3[%add3A, %dma_start3A_98, %dma_start3A_103, %dma_start3A_104] : memref<32x12x392x128xf32, #tpu.memory_space<hbm>> -> memref<1x1x392x128xf32, #tpu.memory_space<hbm>>
    %dma_start3A_106 = tpu.memref_squeeze %dma_start3A_105 : memref<1x1x392x128xf32, #tpu.memory_space<hbm>> -> memref<392x128xf32, #tpu.memory_space<hbm>>
    tpu.enqueue_dma source(%arg4 : memref<392x128xf32, #tpu.memory_space<vmem>>) target(%dma_start3A_106 : memref<392x128xf32, #tpu.memory_space<hbm>>) target_semaphore(%arg8 : memref<!tpu.dma_semaphore, #tpu.memory_space<semaphore_mem>>)
    %dma_wait3A_107 = arith.constant 2 : i32
    %dma_wait3A_108 = arith.constant 0 : i32
    %dma_wait3A_109 = arith.constant 0 : i32
    %dma_wait3A_110 = tpu.memref_slice %arg3[%add3A, %dma_wait3A_107, %dma_wait3A_108, %dma_wait3A_109] : memref<32x12x392x128xf32, #tpu.memory_space<hbm>> -> memref<1x1x392x128xf32, #tpu.memory_space<hbm>>
    %dma_wait3A_111 = tpu.memref_squeeze %dma_wait3A_110 : memref<1x1x392x128xf32, #tpu.memory_space<hbm>> -> memref<392x128xf32, #tpu.memory_space<hbm>>
    %dma_wait3A_112 = arith.constant 0 : i32
    %dma_wait3A_113 = arith.constant 0 : i32
    %dma_wait3A_114 = tpu.memref_slice %arg3[%add3A, %dma_wait3A_107, %dma_wait3A_112, %dma_wait3A_113] : memref<32x12x392x128xf32, #tpu.memory_space<hbm>> -> memref<1x1x392x128xf32, #tpu.memory_space<hbm>>
    %dma_wait3A_115 = tpu.memref_squeeze %dma_wait3A_114 : memref<1x1x392x128xf32, #tpu.memory_space<hbm>> -> memref<392x128xf32, #tpu.memory_space<hbm>>
    tpu.wait_dma2 semaphore(%arg8 : memref<!tpu.dma_semaphore, #tpu.memory_space<semaphore_mem>>) src(%arg4 : memref<392x128xf32, #tpu.memory_space<vmem>>) dst(%dma_wait3A_115 : memref<392x128xf32, #tpu.memory_space<hbm>>)
    %dma_start3A_116 = arith.constant 4 : i32
    %dma_start3A_117 = arith.constant 0 : i32
    %dma_start3A_118 = arith.constant 0 : i32
    %dma_start3A_119 = tpu.memref_slice %arg2[%add3A, %dma_start3A_116, %dma_start3A_117, %dma_start3A_118] : memref<32x12x392x128xf32, #tpu.memory_space<hbm>> -> memref<1x1x392x128xf32, #tpu.memory_space<hbm>>
    %dma_start3A_120 = tpu.memref_squeeze %dma_start3A_119 : memref<1x1x392x128xf32, #tpu.memory_space<hbm>> -> memref<392x128xf32, #tpu.memory_space<hbm>>
    %dma_start3A_121 = arith.constant 0 : i32
    %dma_start3A_122 = arith.constant 0 : i32
    %dma_start3A_123 = tpu.memref_slice %arg2[%add3A, %dma_start3A_116, %dma_start3A_121, %dma_start3A_122] : memref<32x12x392x128xf32, #tpu.memory_space<hbm>> -> memref<1x1x392x128xf32, #tpu.memory_space<hbm>>
    %dma_start3A_124 = tpu.memref_squeeze %dma_start3A_123 : memref<1x1x392x128xf32, #tpu.memory_space<hbm>> -> memref<392x128xf32, #tpu.memory_space<hbm>>
    tpu.enqueue_dma source(%dma_start3A_124 : memref<392x128xf32, #tpu.memory_space<hbm>>) target(%arg4 : memref<392x128xf32, #tpu.memory_space<vmem>>) target_semaphore(%arg6 : memref<!tpu.dma_semaphore, #tpu.memory_space<semaphore_mem>>)
    %dma_wait3A_125 = arith.constant 3 : i32
    %dma_wait3A_126 = arith.constant 0 : i32
    %dma_wait3A_127 = arith.constant 0 : i32
    %dma_wait3A_128 = tpu.memref_slice %arg2[%add3A, %dma_wait3A_125, %dma_wait3A_126, %dma_wait3A_127] : memref<32x12x392x128xf32, #tpu.memory_space<hbm>> -> memref<1x1x392x128xf32, #tpu.memory_space<hbm>>
    %dma_wait3A_129 = tpu.memref_squeeze %dma_wait3A_128 : memref<1x1x392x128xf32, #tpu.memory_space<hbm>> -> memref<392x128xf32, #tpu.memory_space<hbm>>
    %dma_wait3A_130 = arith.constant 0 : i32
    %dma_wait3A_131 = arith.constant 0 : i32
    %dma_wait3A_132 = tpu.memref_slice %arg2[%add3A, %dma_wait3A_125, %dma_wait3A_130, %dma_wait3A_131] : memref<32x12x392x128xf32, #tpu.memory_space<hbm>> -> memref<1x1x392x128xf32, #tpu.memory_space<hbm>>
    %dma_wait3A_133 = tpu.memref_squeeze %dma_wait3A_132 : memref<1x1x392x128xf32, #tpu.memory_space<hbm>> -> memref<392x128xf32, #tpu.memory_space<hbm>>
    tpu.wait_dma2 semaphore(%arg7 : memref<!tpu.dma_semaphore, #tpu.memory_space<semaphore_mem>>) src(%dma_wait3A_133 : memref<392x128xf32, #tpu.memory_space<hbm>>) dst(%arg5 : memref<392x128xf32, #tpu.memory_space<vmem>>)
    %dma_start3A_134 = arith.constant 3 : i32
    %dma_start3A_135 = arith.constant 0 : i32
    %dma_start3A_136 = arith.constant 0 : i32
    %dma_start3A_137 = tpu.memref_slice %arg3[%add3A, %dma_start3A_134, %dma_start3A_135, %dma_start3A_136] : memref<32x12x392x128xf32, #tpu.memory_space<hbm>> -> memref<1x1x392x128xf32, #tpu.memory_space<hbm>>
    %dma_start3A_138 = tpu.memref_squeeze %dma_start3A_137 : memref<1x1x392x128xf32, #tpu.memory_space<hbm>> -> memref<392x128xf32, #tpu.memory_space<hbm>>
    %dma_start3A_139 = arith.constant 0 : i32
    %dma_start3A_140 = arith.constant 0 : i32
    %dma_start3A_141 = tpu.memref_slice %arg3[%add3A, %dma_start3A_134, %dma_start3A_139, %dma_start3A_140] : memref<32x12x392x128xf32, #tpu.memory_space<hbm>> -> memref<1x1x392x128xf32, #tpu.memory_space<hbm>>
    %dma_start3A_142 = tpu.memref_squeeze %dma_start3A_141 : memref<1x1x392x128xf32, #tpu.memory_space<hbm>> -> memref<392x128xf32, #tpu.memory_space<hbm>>
    tpu.enqueue_dma source(%arg5 : memref<392x128xf32, #tpu.memory_space<vmem>>) target(%dma_start3A_142 : memref<392x128xf32, #tpu.memory_space<hbm>>) target_semaphore(%arg9 : memref<!tpu.dma_semaphore, #tpu.memory_space<semaphore_mem>>)
    %dma_wait3A_143 = arith.constant 3 : i32
    %dma_wait3A_144 = arith.constant 0 : i32
    %dma_wait3A_145 = arith.constant 0 : i32
    %dma_wait3A_146 = tpu.memref_slice %arg3[%add3A, %dma_wait3A_143, %dma_wait3A_144, %dma_wait3A_145] : memref<32x12x392x128xf32, #tpu.memory_space<hbm>> -> memref<1x1x392x128xf32, #tpu.memory_space<hbm>>
    %dma_wait3A_147 = tpu.memref_squeeze %dma_wait3A_146 : memref<1x1x392x128xf32, #tpu.memory_space<hbm>> -> memref<392x128xf32, #tpu.memory_space<hbm>>
    %dma_wait3A_148 = arith.constant 0 : i32
    %dma_wait3A_149 = arith.constant 0 : i32
    %dma_wait3A_150 = tpu.memref_slice %arg3[%add3A, %dma_wait3A_143, %dma_wait3A_148, %dma_wait3A_149] : memref<32x12x392x128xf32, #tpu.memory_space<hbm>> -> memref<1x1x392x128xf32, #tpu.memory_space<hbm>>
    %dma_wait3A_151 = tpu.memref_squeeze %dma_wait3A_150 : memref<1x1x392x128xf32, #tpu.memory_space<hbm>> -> memref<392x128xf32, #tpu.memory_space<hbm>>
    tpu.wait_dma2 semaphore(%arg9 : memref<!tpu.dma_semaphore, #tpu.memory_space<semaphore_mem>>) src(%arg5 : memref<392x128xf32, #tpu.memory_space<vmem>>) dst(%dma_wait3A_151 : memref<392x128xf32, #tpu.memory_space<hbm>>)
    %dma_start3A_152 = arith.constant 5 : i32
    %dma_start3A_153 = arith.constant 0 : i32
    %dma_start3A_154 = arith.constant 0 : i32
    %dma_start3A_155 = tpu.memref_slice %arg2[%add3A, %dma_start3A_152, %dma_start3A_153, %dma_start3A_154] : memref<32x12x392x128xf32, #tpu.memory_space<hbm>> -> memref<1x1x392x128xf32, #tpu.memory_space<hbm>>
    %dma_start3A_156 = tpu.memref_squeeze %dma_start3A_155 : memref<1x1x392x128xf32, #tpu.memory_space<hbm>> -> memref<392x128xf32, #tpu.memory_space<hbm>>
    %dma_start3A_157 = arith.constant 0 : i32
    %dma_start3A_158 = arith.constant 0 : i32
    %dma_start3A_159 = tpu.memref_slice %arg2[%add3A, %dma_start3A_152, %dma_start3A_157, %dma_start3A_158] : memref<32x12x392x128xf32, #tpu.memory_space<hbm>> -> memref<1x1x392x128xf32, #tpu.memory_space<hbm>>
    %dma_start3A_160 = tpu.memref_squeeze %dma_start3A_159 : memref<1x1x392x128xf32, #tpu.memory_space<hbm>> -> memref<392x128xf32, #tpu.memory_space<hbm>>
    tpu.enqueue_dma source(%dma_start3A_160 : memref<392x128xf32, #tpu.memory_space<hbm>>) target(%arg5 : memref<392x128xf32, #tpu.memory_space<vmem>>) target_semaphore(%arg7 : memref<!tpu.dma_semaphore, #tpu.memory_space<semaphore_mem>>)
    %dma_wait3A_161 = arith.constant 4 : i32
    %dma_wait3A_162 = arith.constant 0 : i32
    %dma_wait3A_163 = arith.constant 0 : i32
    %dma_wait3A_164 = tpu.memref_slice %arg2[%add3A, %dma_wait3A_161, %dma_wait3A_162, %dma_wait3A_163] : memref<32x12x392x128xf32, #tpu.memory_space<hbm>> -> memref<1x1x392x128xf32, #tpu.memory_space<hbm>>
    %dma_wait3A_165 = tpu.memref_squeeze %dma_wait3A_164 : memref<1x1x392x128xf32, #tpu.memory_space<hbm>> -> memref<392x128xf32, #tpu.memory_space<hbm>>
    %dma_wait3A_166 = arith.constant 0 : i32
    %dma_wait3A_167 = arith.constant 0 : i32
    %dma_wait3A_168 = tpu.memref_slice %arg2[%add3A, %dma_wait3A_161, %dma_wait3A_166, %dma_wait3A_167] : memref<32x12x392x128xf32, #tpu.memory_space<hbm>> -> memref<1x1x392x128xf32, #tpu.memory_space<hbm>>
    %dma_wait3A_169 = tpu.memref_squeeze %dma_wait3A_168 : memref<1x1x392x128xf32, #tpu.memory_space<hbm>> -> memref<392x128xf32, #tpu.memory_space<hbm>>
    tpu.wait_dma2 semaphore(%arg6 : memref<!tpu.dma_semaphore, #tpu.memory_space<semaphore_mem>>) src(%dma_wait3A_169 : memref<392x128xf32, #tpu.memory_space<hbm>>) dst(%arg4 : memref<392x128xf32, #tpu.memory_space<vmem>>)
    %dma_start3A_170 = arith.constant 4 : i32
    %dma_start3A_171 = arith.constant 0 : i32
    %dma_start3A_172 = arith.constant 0 : i32
    %dma_start3A_173 = tpu.memref_slice %arg3[%add3A, %dma_start3A_170, %dma_start3A_171, %dma_start3A_172] : memref<32x12x392x128xf32, #tpu.memory_space<hbm>> -> memref<1x1x392x128xf32, #tpu.memory_space<hbm>>
    %dma_start3A_174 = tpu.memref_squeeze %dma_start3A_173 : memref<1x1x392x128xf32, #tpu.memory_space<hbm>> -> memref<392x128xf32, #tpu.memory_space<hbm>>
    %dma_start3A_175 = arith.constant 0 : i32
    %dma_start3A_176 = arith.constant 0 : i32
    %dma_start3A_177 = tpu.memref_slice %arg3[%add3A, %dma_start3A_170, %dma_start3A_175, %dma_start3A_176] : memref<32x12x392x128xf32, #tpu.memory_space<hbm>> -> memref<1x1x392x128xf32, #tpu.memory_space<hbm>>
    %dma_start3A_178 = tpu.memref_squeeze %dma_start3A_177 : memref<1x1x392x128xf32, #tpu.memory_space<hbm>> -> memref<392x128xf32, #tpu.memory_space<hbm>>
    tpu.enqueue_dma source(%arg4 : memref<392x128xf32, #tpu.memory_space<vmem>>) target(%dma_start3A_178 : memref<392x128xf32, #tpu.memory_space<hbm>>) target_semaphore(%arg8 : memref<!tpu.dma_semaphore, #tpu.memory_space<semaphore_mem>>)
    %dma_wait3A_179 = arith.constant 4 : i32
    %dma_wait3A_180 = arith.constant 0 : i32
    %dma_wait3A_181 = arith.constant 0 : i32
    %dma_wait3A_182 = tpu.memref_slice %arg3[%add3A, %dma_wait3A_179, %dma_wait3A_180, %dma_wait3A_181] : memref<32x12x392x128xf32, #tpu.memory_space<hbm>> -> memref<1x1x392x128xf32, #tpu.memory_space<hbm>>
    %dma_wait3A_183 = tpu.memref_squeeze %dma_wait3A_182 : memref<1x1x392x128xf32, #tpu.memory_space<hbm>> -> memref<392x128xf32, #tpu.memory_space<hbm>>
    %dma_wait3A_184 = arith.constant 0 : i32
    %dma_wait3A_185 = arith.constant 0 : i32
    %dma_wait3A_186 = tpu.memref_slice %arg3[%add3A, %dma_wait3A_179, %dma_wait3A_184, %dma_wait3A_185] : memref<32x12x392x128xf32, #tpu.memory_space<hbm>> -> memref<1x1x392x128xf32, #tpu.memory_space<hbm>>
    %dma_wait3A_187 = tpu.memref_squeeze %dma_wait3A_186 : memref<1x1x392x128xf32, #tpu.memory_space<hbm>> -> memref<392x128xf32, #tpu.memory_space<hbm>>
    tpu.wait_dma2 semaphore(%arg8 : memref<!tpu.dma_semaphore, #tpu.memory_space<semaphore_mem>>) src(%arg4 : memref<392x128xf32, #tpu.memory_space<vmem>>) dst(%dma_wait3A_187 : memref<392x128xf32, #tpu.memory_space<hbm>>)
    %dma_start3A_188 = arith.constant 6 : i32
    %dma_start3A_189 = arith.constant 0 : i32
    %dma_start3A_190 = arith.constant 0 : i32
    %dma_start3A_191 = tpu.memref_slice %arg2[%add3A, %dma_start3A_188, %dma_start3A_189, %dma_start3A_190] : memref<32x12x392x128xf32, #tpu.memory_space<hbm>> -> memref<1x1x392x128xf32, #tpu.memory_space<hbm>>
    %dma_start3A_192 = tpu.memref_squeeze %dma_start3A_191 : memref<1x1x392x128xf32, #tpu.memory_space<hbm>> -> memref<392x128xf32, #tpu.memory_space<hbm>>
    %dma_start3A_193 = arith.constant 0 : i32
    %dma_start3A_194 = arith.constant 0 : i32
    %dma_start3A_195 = tpu.memref_slice %arg2[%add3A, %dma_start3A_188, %dma_start3A_193, %dma_start3A_194] : memref<32x12x392x128xf32, #tpu.memory_space<hbm>> -> memref<1x1x392x128xf32, #tpu.memory_space<hbm>>
    %dma_start3A_196 = tpu.memref_squeeze %dma_start3A_195 : memref<1x1x392x128xf32, #tpu.memory_space<hbm>> -> memref<392x128xf32, #tpu.memory_space<hbm>>
    tpu.enqueue_dma source(%dma_start3A_196 : memref<392x128xf32, #tpu.memory_space<hbm>>) target(%arg4 : memref<392x128xf32, #tpu.memory_space<vmem>>) target_semaphore(%arg6 : memref<!tpu.dma_semaphore, #tpu.memory_space<semaphore_mem>>)
    %dma_wait3A_197 = arith.constant 5 : i32
    %dma_wait3A_198 = arith.constant 0 : i32
    %dma_wait3A_199 = arith.constant 0 : i32
    %dma_wait3A_200 = tpu.memref_slice %arg2[%add3A, %dma_wait3A_197, %dma_wait3A_198, %dma_wait3A_199] : memref<32x12x392x128xf32, #tpu.memory_space<hbm>> -> memref<1x1x392x128xf32, #tpu.memory_space<hbm>>
    %dma_wait3A_201 = tpu.memref_squeeze %dma_wait3A_200 : memref<1x1x392x128xf32, #tpu.memory_space<hbm>> -> memref<392x128xf32, #tpu.memory_space<hbm>>
    %dma_wait3A_202 = arith.constant 0 : i32
    %dma_wait3A_203 = arith.constant 0 : i32
    %dma_wait3A_204 = tpu.memref_slice %arg2[%add3A, %dma_wait3A_197, %dma_wait3A_202, %dma_wait3A_203] : memref<32x12x392x128xf32, #tpu.memory_space<hbm>> -> memref<1x1x392x128xf32, #tpu.memory_space<hbm>>
    %dma_wait3A_205 = tpu.memref_squeeze %dma_wait3A_204 : memref<1x1x392x128xf32, #tpu.memory_space<hbm>> -> memref<392x128xf32, #tpu.memory_space<hbm>>
    tpu.wait_dma2 semaphore(%arg7 : memref<!tpu.dma_semaphore, #tpu.memory_space<semaphore_mem>>) src(%dma_wait3A_205 : memref<392x128xf32, #tpu.memory_space<hbm>>) dst(%arg5 : memref<392x128xf32, #tpu.memory_space<vmem>>)
    %dma_start3A_206 = arith.constant 5 : i32
    %dma_start3A_207 = arith.constant 0 : i32
    %dma_start3A_208 = arith.constant 0 : i32
    %dma_start3A_209 = tpu.memref_slice %arg3[%add3A, %dma_start3A_206, %dma_start3A_207, %dma_start3A_208] : memref<32x12x392x128xf32, #tpu.memory_space<hbm>> -> memref<1x1x392x128xf32, #tpu.memory_space<hbm>>
    %dma_start3A_210 = tpu.memref_squeeze %dma_start3A_209 : memref<1x1x392x128xf32, #tpu.memory_space<hbm>> -> memref<392x128xf32, #tpu.memory_space<hbm>>
    %dma_start3A_211 = arith.constant 0 : i32
    %dma_start3A_212 = arith.constant 0 : i32
    %dma_start3A_213 = tpu.memref_slice %arg3[%add3A, %dma_start3A_206, %dma_start3A_211, %dma_start3A_212] : memref<32x12x392x128xf32, #tpu.memory_space<hbm>> -> memref<1x1x392x128xf32, #tpu.memory_space<hbm>>
    %dma_start3A_214 = tpu.memref_squeeze %dma_start3A_213 : memref<1x1x392x128xf32, #tpu.memory_space<hbm>> -> memref<392x128xf32, #tpu.memory_space<hbm>>
    tpu.enqueue_dma source(%arg5 : memref<392x128xf32, #tpu.memory_space<vmem>>) target(%dma_start3A_214 : memref<392x128xf32, #tpu.memory_space<hbm>>) target_semaphore(%arg9 : memref<!tpu.dma_semaphore, #tpu.memory_space<semaphore_mem>>)
    %dma_wait3A_215 = arith.constant 5 : i32
    %dma_wait3A_216 = arith.constant 0 : i32
    %dma_wait3A_217 = arith.constant 0 : i32
    %dma_wait3A_218 = tpu.memref_slice %arg3[%add3A, %dma_wait3A_215, %dma_wait3A_216, %dma_wait3A_217] : memref<32x12x392x128xf32, #tpu.memory_space<hbm>> -> memref<1x1x392x128xf32, #tpu.memory_space<hbm>>
    %dma_wait3A_219 = tpu.memref_squeeze %dma_wait3A_218 : memref<1x1x392x128xf32, #tpu.memory_space<hbm>> -> memref<392x128xf32, #tpu.memory_space<hbm>>
    %dma_wait3A_220 = arith.constant 0 : i32
    %dma_wait3A_221 = arith.constant 0 : i32
    %dma_wait3A_222 = tpu.memref_slice %arg3[%add3A, %dma_wait3A_215, %dma_wait3A_220, %dma_wait3A_221] : memref<32x12x392x128xf32, #tpu.memory_space<hbm>> -> memref<1x1x392x128xf32, #tpu.memory_space<hbm>>
    %dma_wait3A_223 = tpu.memref_squeeze %dma_wait3A_222 : memref<1x1x392x128xf32, #tpu.memory_space<hbm>> -> memref<392x128xf32, #tpu.memory_space<hbm>>
    tpu.wait_dma2 semaphore(%arg9 : memref<!tpu.dma_semaphore, #tpu.memory_space<semaphore_mem>>) src(%arg5 : memref<392x128xf32, #tpu.memory_space<vmem>>) dst(%dma_wait3A_223 : memref<392x128xf32, #tpu.memory_space<hbm>>)
    %dma_start3A_224 = arith.constant 7 : i32
    %dma_start3A_225 = arith.constant 0 : i32
    %dma_start3A_226 = arith.constant 0 : i32
    %dma_start3A_227 = tpu.memref_slice %arg2[%add3A, %dma_start3A_224, %dma_start3A_225, %dma_start3A_226] : memref<32x12x392x128xf32, #tpu.memory_space<hbm>> -> memref<1x1x392x128xf32, #tpu.memory_space<hbm>>
    %dma_start3A_228 = tpu.memref_squeeze %dma_start3A_227 : memref<1x1x392x128xf32, #tpu.memory_space<hbm>> -> memref<392x128xf32, #tpu.memory_space<hbm>>
    %dma_start3A_229 = arith.constant 0 : i32
    %dma_start3A_230 = arith.constant 0 : i32
    %dma_start3A_231 = tpu.memref_slice %arg2[%add3A, %dma_start3A_224, %dma_start3A_229, %dma_start3A_230] : memref<32x12x392x128xf32, #tpu.memory_space<hbm>> -> memref<1x1x392x128xf32, #tpu.memory_space<hbm>>
    %dma_start3A_232 = tpu.memref_squeeze %dma_start3A_231 : memref<1x1x392x128xf32, #tpu.memory_space<hbm>> -> memref<392x128xf32, #tpu.memory_space<hbm>>
    tpu.enqueue_dma source(%dma_start3A_232 : memref<392x128xf32, #tpu.memory_space<hbm>>) target(%arg5 : memref<392x128xf32, #tpu.memory_space<vmem>>) target_semaphore(%arg7 : memref<!tpu.dma_semaphore, #tpu.memory_space<semaphore_mem>>)
    %dma_wait3A_233 = arith.constant 6 : i32
    %dma_wait3A_234 = arith.constant 0 : i32
    %dma_wait3A_235 = arith.constant 0 : i32
    %dma_wait3A_236 = tpu.memref_slice %arg2[%add3A, %dma_wait3A_233, %dma_wait3A_234, %dma_wait3A_235] : memref<32x12x392x128xf32, #tpu.memory_space<hbm>> -> memref<1x1x392x128xf32, #tpu.memory_space<hbm>>
    %dma_wait3A_237 = tpu.memref_squeeze %dma_wait3A_236 : memref<1x1x392x128xf32, #tpu.memory_space<hbm>> -> memref<392x128xf32, #tpu.memory_space<hbm>>
    %dma_wait3A_238 = arith.constant 0 : i32
    %dma_wait3A_239 = arith.constant 0 : i32
    %dma_wait3A_240 = tpu.memref_slice %arg2[%add3A, %dma_wait3A_233, %dma_wait3A_238, %dma_wait3A_239] : memref<32x12x392x128xf32, #tpu.memory_space<hbm>> -> memref<1x1x392x128xf32, #tpu.memory_space<hbm>>
    %dma_wait3A_241 = tpu.memref_squeeze %dma_wait3A_240 : memref<1x1x392x128xf32, #tpu.memory_space<hbm>> -> memref<392x128xf32, #tpu.memory_space<hbm>>
    tpu.wait_dma2 semaphore(%arg6 : memref<!tpu.dma_semaphore, #tpu.memory_space<semaphore_mem>>) src(%dma_wait3A_241 : memref<392x128xf32, #tpu.memory_space<hbm>>) dst(%arg4 : memref<392x128xf32, #tpu.memory_space<vmem>>)
    %dma_start3A_242 = arith.constant 6 : i32
    %dma_start3A_243 = arith.constant 0 : i32
    %dma_start3A_244 = arith.constant 0 : i32
    %dma_start3A_245 = tpu.memref_slice %arg3[%add3A, %dma_start3A_242, %dma_start3A_243, %dma_start3A_244] : memref<32x12x392x128xf32, #tpu.memory_space<hbm>> -> memref<1x1x392x128xf32, #tpu.memory_space<hbm>>
    %dma_start3A_246 = tpu.memref_squeeze %dma_start3A_245 : memref<1x1x392x128xf32, #tpu.memory_space<hbm>> -> memref<392x128xf32, #tpu.memory_space<hbm>>
    %dma_start3A_247 = arith.constant 0 : i32
    %dma_start3A_248 = arith.constant 0 : i32
    %dma_start3A_249 = tpu.memref_slice %arg3[%add3A, %dma_start3A_242, %dma_start3A_247, %dma_start3A_248] : memref<32x12x392x128xf32, #tpu.memory_space<hbm>> -> memref<1x1x392x128xf32, #tpu.memory_space<hbm>>
    %dma_start3A_250 = tpu.memref_squeeze %dma_start3A_249 : memref<1x1x392x128xf32, #tpu.memory_space<hbm>> -> memref<392x128xf32, #tpu.memory_space<hbm>>
    tpu.enqueue_dma source(%arg4 : memref<392x128xf32, #tpu.memory_space<vmem>>) target(%dma_start3A_250 : memref<392x128xf32, #tpu.memory_space<hbm>>) target_semaphore(%arg8 : memref<!tpu.dma_semaphore, #tpu.memory_space<semaphore_mem>>)
    %dma_wait3A_251 = arith.constant 6 : i32
    %dma_wait3A_252 = arith.constant 0 : i32
    %dma_wait3A_253 = arith.constant 0 : i32
    %dma_wait3A_254 = tpu.memref_slice %arg3[%add3A, %dma_wait3A_251, %dma_wait3A_252, %dma_wait3A_253] : memref<32x12x392x128xf32, #tpu.memory_space<hbm>> -> memref<1x1x392x128xf32, #tpu.memory_space<hbm>>
    %dma_wait3A_255 = tpu.memref_squeeze %dma_wait3A_254 : memref<1x1x392x128xf32, #tpu.memory_space<hbm>> -> memref<392x128xf32, #tpu.memory_space<hbm>>
    %dma_wait3A_256 = arith.constant 0 : i32
    %dma_wait3A_257 = arith.constant 0 : i32
    %dma_wait3A_258 = tpu.memref_slice %arg3[%add3A, %dma_wait3A_251, %dma_wait3A_256, %dma_wait3A_257] : memref<32x12x392x128xf32, #tpu.memory_space<hbm>> -> memref<1x1x392x128xf32, #tpu.memory_space<hbm>>
    %dma_wait3A_259 = tpu.memref_squeeze %dma_wait3A_258 : memref<1x1x392x128xf32, #tpu.memory_space<hbm>> -> memref<392x128xf32, #tpu.memory_space<hbm>>
    tpu.wait_dma2 semaphore(%arg8 : memref<!tpu.dma_semaphore, #tpu.memory_space<semaphore_mem>>) src(%arg4 : memref<392x128xf32, #tpu.memory_space<vmem>>) dst(%dma_wait3A_259 : memref<392x128xf32, #tpu.memory_space<hbm>>)
    %dma_start3A_260 = arith.constant 8 : i32
    %dma_start3A_261 = arith.constant 0 : i32
    %dma_start3A_262 = arith.constant 0 : i32
    %dma_start3A_263 = tpu.memref_slice %arg2[%add3A, %dma_start3A_260, %dma_start3A_261, %dma_start3A_262] : memref<32x12x392x128xf32, #tpu.memory_space<hbm>> -> memref<1x1x392x128xf32, #tpu.memory_space<hbm>>
    %dma_start3A_264 = tpu.memref_squeeze %dma_start3A_263 : memref<1x1x392x128xf32, #tpu.memory_space<hbm>> -> memref<392x128xf32, #tpu.memory_space<hbm>>
    %dma_start3A_265 = arith.constant 0 : i32
    %dma_start3A_266 = arith.constant 0 : i32
    %dma_start3A_267 = tpu.memref_slice %arg2[%add3A, %dma_start3A_260, %dma_start3A_265, %dma_start3A_266] : memref<32x12x392x128xf32, #tpu.memory_space<hbm>> -> memref<1x1x392x128xf32, #tpu.memory_space<hbm>>
    %dma_start3A_268 = tpu.memref_squeeze %dma_start3A_267 : memref<1x1x392x128xf32, #tpu.memory_space<hbm>> -> memref<392x128xf32, #tpu.memory_space<hbm>>
    tpu.enqueue_dma source(%dma_start3A_268 : memref<392x128xf32, #tpu.memory_space<hbm>>) target(%arg4 : memref<392x128xf32, #tpu.memory_space<vmem>>) target_semaphore(%arg6 : memref<!tpu.dma_semaphore, #tpu.memory_space<semaphore_mem>>)
    %dma_wait3A_269 = arith.constant 7 : i32
    %dma_wait3A_270 = arith.constant 0 : i32
    %dma_wait3A_271 = arith.constant 0 : i32
    %dma_wait3A_272 = tpu.memref_slice %arg2[%add3A, %dma_wait3A_269, %dma_wait3A_270, %dma_wait3A_271] : memref<32x12x392x128xf32, #tpu.memory_space<hbm>> -> memref<1x1x392x128xf32, #tpu.memory_space<hbm>>
    %dma_wait3A_273 = tpu.memref_squeeze %dma_wait3A_272 : memref<1x1x392x128xf32, #tpu.memory_space<hbm>> -> memref<392x128xf32, #tpu.memory_space<hbm>>
    %dma_wait3A_274 = arith.constant 0 : i32
    %dma_wait3A_275 = arith.constant 0 : i32
    %dma_wait3A_276 = tpu.memref_slice %arg2[%add3A, %dma_wait3A_269, %dma_wait3A_274, %dma_wait3A_275] : memref<32x12x392x128xf32, #tpu.memory_space<hbm>> -> memref<1x1x392x128xf32, #tpu.memory_space<hbm>>
    %dma_wait3A_277 = tpu.memref_squeeze %dma_wait3A_276 : memref<1x1x392x128xf32, #tpu.memory_space<hbm>> -> memref<392x128xf32, #tpu.memory_space<hbm>>
    tpu.wait_dma2 semaphore(%arg7 : memref<!tpu.dma_semaphore, #tpu.memory_space<semaphore_mem>>) src(%dma_wait3A_277 : memref<392x128xf32, #tpu.memory_space<hbm>>) dst(%arg5 : memref<392x128xf32, #tpu.memory_space<vmem>>)
    %dma_start3A_278 = arith.constant 7 : i32
    %dma_start3A_279 = arith.constant 0 : i32
    %dma_start3A_280 = arith.constant 0 : i32
    %dma_start3A_281 = tpu.memref_slice %arg3[%add3A, %dma_start3A_278, %dma_start3A_279, %dma_start3A_280] : memref<32x12x392x128xf32, #tpu.memory_space<hbm>> -> memref<1x1x392x128xf32, #tpu.memory_space<hbm>>
    %dma_start3A_282 = tpu.memref_squeeze %dma_start3A_281 : memref<1x1x392x128xf32, #tpu.memory_space<hbm>> -> memref<392x128xf32, #tpu.memory_space<hbm>>
    %dma_start3A_283 = arith.constant 0 : i32
    %dma_start3A_284 = arith.constant 0 : i32
    %dma_start3A_285 = tpu.memref_slice %arg3[%add3A, %dma_start3A_278, %dma_start3A_283, %dma_start3A_284] : memref<32x12x392x128xf32, #tpu.memory_space<hbm>> -> memref<1x1x392x128xf32, #tpu.memory_space<hbm>>
    %dma_start3A_286 = tpu.memref_squeeze %dma_start3A_285 : memref<1x1x392x128xf32, #tpu.memory_space<hbm>> -> memref<392x128xf32, #tpu.memory_space<hbm>>
    tpu.enqueue_dma source(%arg5 : memref<392x128xf32, #tpu.memory_space<vmem>>) target(%dma_start3A_286 : memref<392x128xf32, #tpu.memory_space<hbm>>) target_semaphore(%arg9 : memref<!tpu.dma_semaphore, #tpu.memory_space<semaphore_mem>>)
    %dma_wait3A_287 = arith.constant 7 : i32
    %dma_wait3A_288 = arith.constant 0 : i32
    %dma_wait3A_289 = arith.constant 0 : i32
    %dma_wait3A_290 = tpu.memref_slice %arg3[%add3A, %dma_wait3A_287, %dma_wait3A_288, %dma_wait3A_289] : memref<32x12x392x128xf32, #tpu.memory_space<hbm>> -> memref<1x1x392x128xf32, #tpu.memory_space<hbm>>
    %dma_wait3A_291 = tpu.memref_squeeze %dma_wait3A_290 : memref<1x1x392x128xf32, #tpu.memory_space<hbm>> -> memref<392x128xf32, #tpu.memory_space<hbm>>
    %dma_wait3A_292 = arith.constant 0 : i32
    %dma_wait3A_293 = arith.constant 0 : i32
    %dma_wait3A_294 = tpu.memref_slice %arg3[%add3A, %dma_wait3A_287, %dma_wait3A_292, %dma_wait3A_293] : memref<32x12x392x128xf32, #tpu.memory_space<hbm>> -> memref<1x1x392x128xf32, #tpu.memory_space<hbm>>
    %dma_wait3A_295 = tpu.memref_squeeze %dma_wait3A_294 : memref<1x1x392x128xf32, #tpu.memory_space<hbm>> -> memref<392x128xf32, #tpu.memory_space<hbm>>
    tpu.wait_dma2 semaphore(%arg9 : memref<!tpu.dma_semaphore, #tpu.memory_space<semaphore_mem>>) src(%arg5 : memref<392x128xf32, #tpu.memory_space<vmem>>) dst(%dma_wait3A_295 : memref<392x128xf32, #tpu.memory_space<hbm>>)
    %dma_start3A_296 = arith.constant 9 : i32
    %dma_start3A_297 = arith.constant 0 : i32
    %dma_start3A_298 = arith.constant 0 : i32
    %dma_start3A_299 = tpu.memref_slice %arg2[%add3A, %dma_start3A_296, %dma_start3A_297, %dma_start3A_298] : memref<32x12x392x128xf32, #tpu.memory_space<hbm>> -> memref<1x1x392x128xf32, #tpu.memory_space<hbm>>
    %dma_start3A_300 = tpu.memref_squeeze %dma_start3A_299 : memref<1x1x392x128xf32, #tpu.memory_space<hbm>> -> memref<392x128xf32, #tpu.memory_space<hbm>>
    %dma_start3A_301 = arith.constant 0 : i32
    %dma_start3A_302 = arith.constant 0 : i32
    %dma_start3A_303 = tpu.memref_slice %arg2[%add3A, %dma_start3A_296, %dma_start3A_301, %dma_start3A_302] : memref<32x12x392x128xf32, #tpu.memory_space<hbm>> -> memref<1x1x392x128xf32, #tpu.memory_space<hbm>>
    %dma_start3A_304 = tpu.memref_squeeze %dma_start3A_303 : memref<1x1x392x128xf32, #tpu.memory_space<hbm>> -> memref<392x128xf32, #tpu.memory_space<hbm>>
    tpu.enqueue_dma source(%dma_start3A_304 : memref<392x128xf32, #tpu.memory_space<hbm>>) target(%arg5 : memref<392x128xf32, #tpu.memory_space<vmem>>) target_semaphore(%arg7 : memref<!tpu.dma_semaphore, #tpu.memory_space<semaphore_mem>>)
    %dma_wait3A_305 = arith.constant 8 : i32
    %dma_wait3A_306 = arith.constant 0 : i32
    %dma_wait3A_307 = arith.constant 0 : i32
    %dma_wait3A_308 = tpu.memref_slice %arg2[%add3A, %dma_wait3A_305, %dma_wait3A_306, %dma_wait3A_307] : memref<32x12x392x128xf32, #tpu.memory_space<hbm>> -> memref<1x1x392x128xf32, #tpu.memory_space<hbm>>
    %dma_wait3A_309 = tpu.memref_squeeze %dma_wait3A_308 : memref<1x1x392x128xf32, #tpu.memory_space<hbm>> -> memref<392x128xf32, #tpu.memory_space<hbm>>
    %dma_wait3A_310 = arith.constant 0 : i32
    %dma_wait3A_311 = arith.constant 0 : i32
    %dma_wait3A_312 = tpu.memref_slice %arg2[%add3A, %dma_wait3A_305, %dma_wait3A_310, %dma_wait3A_311] : memref<32x12x392x128xf32, #tpu.memory_space<hbm>> -> memref<1x1x392x128xf32, #tpu.memory_space<hbm>>
    %dma_wait3A_313 = tpu.memref_squeeze %dma_wait3A_312 : memref<1x1x392x128xf32, #tpu.memory_space<hbm>> -> memref<392x128xf32, #tpu.memory_space<hbm>>
    tpu.wait_dma2 semaphore(%arg6 : memref<!tpu.dma_semaphore, #tpu.memory_space<semaphore_mem>>) src(%dma_wait3A_313 : memref<392x128xf32, #tpu.memory_space<hbm>>) dst(%arg4 : memref<392x128xf32, #tpu.memory_space<vmem>>)
    %dma_start3A_314 = arith.constant 8 : i32
    %dma_start3A_315 = arith.constant 0 : i32
    %dma_start3A_316 = arith.constant 0 : i32
    %dma_start3A_317 = tpu.memref_slice %arg3[%add3A, %dma_start3A_314, %dma_start3A_315, %dma_start3A_316] : memref<32x12x392x128xf32, #tpu.memory_space<hbm>> -> memref<1x1x392x128xf32, #tpu.memory_space<hbm>>
    %dma_start3A_318 = tpu.memref_squeeze %dma_start3A_317 : memref<1x1x392x128xf32, #tpu.memory_space<hbm>> -> memref<392x128xf32, #tpu.memory_space<hbm>>
    %dma_start3A_319 = arith.constant 0 : i32
    %dma_start3A_320 = arith.constant 0 : i32
    %dma_start3A_321 = tpu.memref_slice %arg3[%add3A, %dma_start3A_314, %dma_start3A_319, %dma_start3A_320] : memref<32x12x392x128xf32, #tpu.memory_space<hbm>> -> memref<1x1x392x128xf32, #tpu.memory_space<hbm>>
    %dma_start3A_322 = tpu.memref_squeeze %dma_start3A_321 : memref<1x1x392x128xf32, #tpu.memory_space<hbm>> -> memref<392x128xf32, #tpu.memory_space<hbm>>
    tpu.enqueue_dma source(%arg4 : memref<392x128xf32, #tpu.memory_space<vmem>>) target(%dma_start3A_322 : memref<392x128xf32, #tpu.memory_space<hbm>>) target_semaphore(%arg8 : memref<!tpu.dma_semaphore, #tpu.memory_space<semaphore_mem>>)
    %dma_wait3A_323 = arith.constant 8 : i32
    %dma_wait3A_324 = arith.constant 0 : i32
    %dma_wait3A_325 = arith.constant 0 : i32
    %dma_wait3A_326 = tpu.memref_slice %arg3[%add3A, %dma_wait3A_323, %dma_wait3A_324, %dma_wait3A_325] : memref<32x12x392x128xf32, #tpu.memory_space<hbm>> -> memref<1x1x392x128xf32, #tpu.memory_space<hbm>>
    %dma_wait3A_327 = tpu.memref_squeeze %dma_wait3A_326 : memref<1x1x392x128xf32, #tpu.memory_space<hbm>> -> memref<392x128xf32, #tpu.memory_space<hbm>>
    %dma_wait3A_328 = arith.constant 0 : i32
    %dma_wait3A_329 = arith.constant 0 : i32
    %dma_wait3A_330 = tpu.memref_slice %arg3[%add3A, %dma_wait3A_323, %dma_wait3A_328, %dma_wait3A_329] : memref<32x12x392x128xf32, #tpu.memory_space<hbm>> -> memref<1x1x392x128xf32, #tpu.memory_space<hbm>>
    %dma_wait3A_331 = tpu.memref_squeeze %dma_wait3A_330 : memref<1x1x392x128xf32, #tpu.memory_space<hbm>> -> memref<392x128xf32, #tpu.memory_space<hbm>>
    tpu.wait_dma2 semaphore(%arg8 : memref<!tpu.dma_semaphore, #tpu.memory_space<semaphore_mem>>) src(%arg4 : memref<392x128xf32, #tpu.memory_space<vmem>>) dst(%dma_wait3A_331 : memref<392x128xf32, #tpu.memory_space<hbm>>)
    %dma_start3A_332 = arith.constant 10 : i32
    %dma_start3A_333 = arith.constant 0 : i32
    %dma_start3A_334 = arith.constant 0 : i32
    %dma_start3A_335 = tpu.memref_slice %arg2[%add3A, %dma_start3A_332, %dma_start3A_333, %dma_start3A_334] : memref<32x12x392x128xf32, #tpu.memory_space<hbm>> -> memref<1x1x392x128xf32, #tpu.memory_space<hbm>>
    %dma_start3A_336 = tpu.memref_squeeze %dma_start3A_335 : memref<1x1x392x128xf32, #tpu.memory_space<hbm>> -> memref<392x128xf32, #tpu.memory_space<hbm>>
    %dma_start3A_337 = arith.constant 0 : i32
    %dma_start3A_338 = arith.constant 0 : i32
    %dma_start3A_339 = tpu.memref_slice %arg2[%add3A, %dma_start3A_332, %dma_start3A_337, %dma_start3A_338] : memref<32x12x392x128xf32, #tpu.memory_space<hbm>> -> memref<1x1x392x128xf32, #tpu.memory_space<hbm>>
    %dma_start3A_340 = tpu.memref_squeeze %dma_start3A_339 : memref<1x1x392x128xf32, #tpu.memory_space<hbm>> -> memref<392x128xf32, #tpu.memory_space<hbm>>
    tpu.enqueue_dma source(%dma_start3A_340 : memref<392x128xf32, #tpu.memory_space<hbm>>) target(%arg4 : memref<392x128xf32, #tpu.memory_space<vmem>>) target_semaphore(%arg6 : memref<!tpu.dma_semaphore, #tpu.memory_space<semaphore_mem>>)
    %dma_wait3A_341 = arith.constant 9 : i32
    %dma_wait3A_342 = arith.constant 0 : i32
    %dma_wait3A_343 = arith.constant 0 : i32
    %dma_wait3A_344 = tpu.memref_slice %arg2[%add3A, %dma_wait3A_341, %dma_wait3A_342, %dma_wait3A_343] : memref<32x12x392x128xf32, #tpu.memory_space<hbm>> -> memref<1x1x392x128xf32, #tpu.memory_space<hbm>>
    %dma_wait3A_345 = tpu.memref_squeeze %dma_wait3A_344 : memref<1x1x392x128xf32, #tpu.memory_space<hbm>> -> memref<392x128xf32, #tpu.memory_space<hbm>>
    %dma_wait3A_346 = arith.constant 0 : i32
    %dma_wait3A_347 = arith.constant 0 : i32
    %dma_wait3A_348 = tpu.memref_slice %arg2[%add3A, %dma_wait3A_341, %dma_wait3A_346, %dma_wait3A_347] : memref<32x12x392x128xf32, #tpu.memory_space<hbm>> -> memref<1x1x392x128xf32, #tpu.memory_space<hbm>>
    %dma_wait3A_349 = tpu.memref_squeeze %dma_wait3A_348 : memref<1x1x392x128xf32, #tpu.memory_space<hbm>> -> memref<392x128xf32, #tpu.memory_space<hbm>>
    tpu.wait_dma2 semaphore(%arg7 : memref<!tpu.dma_semaphore, #tpu.memory_space<semaphore_mem>>) src(%dma_wait3A_349 : memref<392x128xf32, #tpu.memory_space<hbm>>) dst(%arg5 : memref<392x128xf32, #tpu.memory_space<vmem>>)
    %dma_start3A_350 = arith.constant 9 : i32
    %dma_start3A_351 = arith.constant 0 : i32
    %dma_start3A_352 = arith.constant 0 : i32
    %dma_start3A_353 = tpu.memref_slice %arg3[%add3A, %dma_start3A_350, %dma_start3A_351, %dma_start3A_352] : memref<32x12x392x128xf32, #tpu.memory_space<hbm>> -> memref<1x1x392x128xf32, #tpu.memory_space<hbm>>
    %dma_start3A_354 = tpu.memref_squeeze %dma_start3A_353 : memref<1x1x392x128xf32, #tpu.memory_space<hbm>> -> memref<392x128xf32, #tpu.memory_space<hbm>>
    %dma_start3A_355 = arith.constant 0 : i32
    %dma_start3A_356 = arith.constant 0 : i32
    %dma_start3A_357 = tpu.memref_slice %arg3[%add3A, %dma_start3A_350, %dma_start3A_355, %dma_start3A_356] : memref<32x12x392x128xf32, #tpu.memory_space<hbm>> -> memref<1x1x392x128xf32, #tpu.memory_space<hbm>>
    %dma_start3A_358 = tpu.memref_squeeze %dma_start3A_357 : memref<1x1x392x128xf32, #tpu.memory_space<hbm>> -> memref<392x128xf32, #tpu.memory_space<hbm>>
    tpu.enqueue_dma source(%arg5 : memref<392x128xf32, #tpu.memory_space<vmem>>) target(%dma_start3A_358 : memref<392x128xf32, #tpu.memory_space<hbm>>) target_semaphore(%arg9 : memref<!tpu.dma_semaphore, #tpu.memory_space<semaphore_mem>>)
    %dma_wait3A_359 = arith.constant 9 : i32
    %dma_wait3A_360 = arith.constant 0 : i32
    %dma_wait3A_361 = arith.constant 0 : i32
    %dma_wait3A_362 = tpu.memref_slice %arg3[%add3A, %dma_wait3A_359, %dma_wait3A_360, %dma_wait3A_361] : memref<32x12x392x128xf32, #tpu.memory_space<hbm>> -> memref<1x1x392x128xf32, #tpu.memory_space<hbm>>
    %dma_wait3A_363 = tpu.memref_squeeze %dma_wait3A_362 : memref<1x1x392x128xf32, #tpu.memory_space<hbm>> -> memref<392x128xf32, #tpu.memory_space<hbm>>
    %dma_wait3A_364 = arith.constant 0 : i32
    %dma_wait3A_365 = arith.constant 0 : i32
    %dma_wait3A_366 = tpu.memref_slice %arg3[%add3A, %dma_wait3A_359, %dma_wait3A_364, %dma_wait3A_365] : memref<32x12x392x128xf32, #tpu.memory_space<hbm>> -> memref<1x1x392x128xf32, #tpu.memory_space<hbm>>
    %dma_wait3A_367 = tpu.memref_squeeze %dma_wait3A_366 : memref<1x1x392x128xf32, #tpu.memory_space<hbm>> -> memref<392x128xf32, #tpu.memory_space<hbm>>
    tpu.wait_dma2 semaphore(%arg9 : memref<!tpu.dma_semaphore, #tpu.memory_space<semaphore_mem>>) src(%arg5 : memref<392x128xf32, #tpu.memory_space<vmem>>) dst(%dma_wait3A_367 : memref<392x128xf32, #tpu.memory_space<hbm>>)
    %dma_start3A_368 = arith.constant 11 : i32
    %dma_start3A_369 = arith.constant 0 : i32
    %dma_start3A_370 = arith.constant 0 : i32
    %dma_start3A_371 = tpu.memref_slice %arg2[%add3A, %dma_start3A_368, %dma_start3A_369, %dma_start3A_370] : memref<32x12x392x128xf32, #tpu.memory_space<hbm>> -> memref<1x1x392x128xf32, #tpu.memory_space<hbm>>
    %dma_start3A_372 = tpu.memref_squeeze %dma_start3A_371 : memref<1x1x392x128xf32, #tpu.memory_space<hbm>> -> memref<392x128xf32, #tpu.memory_space<hbm>>
    %dma_start3A_373 = arith.constant 0 : i32
    %dma_start3A_374 = arith.constant 0 : i32
    %dma_start3A_375 = tpu.memref_slice %arg2[%add3A, %dma_start3A_368, %dma_start3A_373, %dma_start3A_374] : memref<32x12x392x128xf32, #tpu.memory_space<hbm>> -> memref<1x1x392x128xf32, #tpu.memory_space<hbm>>
    %dma_start3A_376 = tpu.memref_squeeze %dma_start3A_375 : memref<1x1x392x128xf32, #tpu.memory_space<hbm>> -> memref<392x128xf32, #tpu.memory_space<hbm>>
    tpu.enqueue_dma source(%dma_start3A_376 : memref<392x128xf32, #tpu.memory_space<hbm>>) target(%arg5 : memref<392x128xf32, #tpu.memory_space<vmem>>) target_semaphore(%arg7 : memref<!tpu.dma_semaphore, #tpu.memory_space<semaphore_mem>>)
    %dma_wait3A_377 = arith.constant 10 : i32
    %dma_wait3A_378 = arith.constant 0 : i32
    %dma_wait3A_379 = arith.constant 0 : i32
    %dma_wait3A_380 = tpu.memref_slice %arg2[%add3A, %dma_wait3A_377, %dma_wait3A_378, %dma_wait3A_379] : memref<32x12x392x128xf32, #tpu.memory_space<hbm>> -> memref<1x1x392x128xf32, #tpu.memory_space<hbm>>
    %dma_wait3A_381 = tpu.memref_squeeze %dma_wait3A_380 : memref<1x1x392x128xf32, #tpu.memory_space<hbm>> -> memref<392x128xf32, #tpu.memory_space<hbm>>
    %dma_wait3A_382 = arith.constant 0 : i32
    %dma_wait3A_383 = arith.constant 0 : i32
    %dma_wait3A_384 = tpu.memref_slice %arg2[%add3A, %dma_wait3A_377, %dma_wait3A_382, %dma_wait3A_383] : memref<32x12x392x128xf32, #tpu.memory_space<hbm>> -> memref<1x1x392x128xf32, #tpu.memory_space<hbm>>
    %dma_wait3A_385 = tpu.memref_squeeze %dma_wait3A_384 : memref<1x1x392x128xf32, #tpu.memory_space<hbm>> -> memref<392x128xf32, #tpu.memory_space<hbm>>
    tpu.wait_dma2 semaphore(%arg6 : memref<!tpu.dma_semaphore, #tpu.memory_space<semaphore_mem>>) src(%dma_wait3A_385 : memref<392x128xf32, #tpu.memory_space<hbm>>) dst(%arg4 : memref<392x128xf32, #tpu.memory_space<vmem>>)
    %dma_start3A_386 = arith.constant 10 : i32
    %dma_start3A_387 = arith.constant 0 : i32
    %dma_start3A_388 = arith.constant 0 : i32
    %dma_start3A_389 = tpu.memref_slice %arg3[%add3A, %dma_start3A_386, %dma_start3A_387, %dma_start3A_388] : memref<32x12x392x128xf32, #tpu.memory_space<hbm>> -> memref<1x1x392x128xf32, #tpu.memory_space<hbm>>
    %dma_start3A_390 = tpu.memref_squeeze %dma_start3A_389 : memref<1x1x392x128xf32, #tpu.memory_space<hbm>> -> memref<392x128xf32, #tpu.memory_space<hbm>>
    %dma_start3A_391 = arith.constant 0 : i32
    %dma_start3A_392 = arith.constant 0 : i32
    %dma_start3A_393 = tpu.memref_slice %arg3[%add3A, %dma_start3A_386, %dma_start3A_391, %dma_start3A_392] : memref<32x12x392x128xf32, #tpu.memory_space<hbm>> -> memref<1x1x392x128xf32, #tpu.memory_space<hbm>>
    %dma_start3A_394 = tpu.memref_squeeze %dma_start3A_393 : memref<1x1x392x128xf32, #tpu.memory_space<hbm>> -> memref<392x128xf32, #tpu.memory_space<hbm>>
    tpu.enqueue_dma source(%arg4 : memref<392x128xf32, #tpu.memory_space<vmem>>) target(%dma_start3A_394 : memref<392x128xf32, #tpu.memory_space<hbm>>) target_semaphore(%arg8 : memref<!tpu.dma_semaphore, #tpu.memory_space<semaphore_mem>>)
    %dma_wait3A_395 = arith.constant 11 : i32
    %dma_wait3A_396 = arith.constant 0 : i32
    %dma_wait3A_397 = arith.constant 0 : i32
    %dma_wait3A_398 = tpu.memref_slice %arg2[%add3A, %dma_wait3A_395, %dma_wait3A_396, %dma_wait3A_397] : memref<32x12x392x128xf32, #tpu.memory_space<hbm>> -> memref<1x1x392x128xf32, #tpu.memory_space<hbm>>
    %dma_wait3A_399 = tpu.memref_squeeze %dma_wait3A_398 : memref<1x1x392x128xf32, #tpu.memory_space<hbm>> -> memref<392x128xf32, #tpu.memory_space<hbm>>
    %dma_wait3A_400 = arith.constant 0 : i32
    %dma_wait3A_401 = arith.constant 0 : i32
    %dma_wait3A_402 = tpu.memref_slice %arg2[%add3A, %dma_wait3A_395, %dma_wait3A_400, %dma_wait3A_401] : memref<32x12x392x128xf32, #tpu.memory_space<hbm>> -> memref<1x1x392x128xf32, #tpu.memory_space<hbm>>
    %dma_wait3A_403 = tpu.memref_squeeze %dma_wait3A_402 : memref<1x1x392x128xf32, #tpu.memory_space<hbm>> -> memref<392x128xf32, #tpu.memory_space<hbm>>
    tpu.wait_dma2 semaphore(%arg7 : memref<!tpu.dma_semaphore, #tpu.memory_space<semaphore_mem>>) src(%dma_wait3A_403 : memref<392x128xf32, #tpu.memory_space<hbm>>) dst(%arg5 : memref<392x128xf32, #tpu.memory_space<vmem>>)
    %dma_start3A_404 = arith.constant 11 : i32
    %dma_start3A_405 = arith.constant 0 : i32
    %dma_start3A_406 = arith.constant 0 : i32
    %dma_start3A_407 = tpu.memref_slice %arg3[%add3A, %dma_start3A_404, %dma_start3A_405, %dma_start3A_406] : memref<32x12x392x128xf32, #tpu.memory_space<hbm>> -> memref<1x1x392x128xf32, #tpu.memory_space<hbm>>
    %dma_start3A_408 = tpu.memref_squeeze %dma_start3A_407 : memref<1x1x392x128xf32, #tpu.memory_space<hbm>> -> memref<392x128xf32, #tpu.memory_space<hbm>>
    %dma_start3A_409 = arith.constant 0 : i32
    %dma_start3A_410 = arith.constant 0 : i32
    %dma_start3A_411 = tpu.memref_slice %arg3[%add3A, %dma_start3A_404, %dma_start3A_409, %dma_start3A_410] : memref<32x12x392x128xf32, #tpu.memory_space<hbm>> -> memref<1x1x392x128xf32, #tpu.memory_space<hbm>>
    %dma_start3A_412 = tpu.memref_squeeze %dma_start3A_411 : memref<1x1x392x128xf32, #tpu.memory_space<hbm>> -> memref<392x128xf32, #tpu.memory_space<hbm>>
    tpu.enqueue_dma source(%arg5 : memref<392x128xf32, #tpu.memory_space<vmem>>) target(%dma_start3A_412 : memref<392x128xf32, #tpu.memory_space<hbm>>) target_semaphore(%arg9 : memref<!tpu.dma_semaphore, #tpu.memory_space<semaphore_mem>>)
    %dma_wait3A_413 = arith.constant 10 : i32
    %dma_wait3A_414 = arith.constant 0 : i32
    %dma_wait3A_415 = arith.constant 0 : i32
    %dma_wait3A_416 = tpu.memref_slice %arg3[%add3A, %dma_wait3A_413, %dma_wait3A_414, %dma_wait3A_415] : memref<32x12x392x128xf32, #tpu.memory_space<hbm>> -> memref<1x1x392x128xf32, #tpu.memory_space<hbm>>
    %dma_wait3A_417 = tpu.memref_squeeze %dma_wait3A_416 : memref<1x1x392x128xf32, #tpu.memory_space<hbm>> -> memref<392x128xf32, #tpu.memory_space<hbm>>
    %dma_wait3A_418 = arith.constant 0 : i32
    %dma_wait3A_419 = arith.constant 0 : i32
    %dma_wait3A_420 = tpu.memref_slice %arg3[%add3A, %dma_wait3A_413, %dma_wait3A_418, %dma_wait3A_419] : memref<32x12x392x128xf32, #tpu.memory_space<hbm>> -> memref<1x1x392x128xf32, #tpu.memory_space<hbm>>
    %dma_wait3A_421 = tpu.memref_squeeze %dma_wait3A_420 : memref<1x1x392x128xf32, #tpu.memory_space<hbm>> -> memref<392x128xf32, #tpu.memory_space<hbm>>
    tpu.wait_dma2 semaphore(%arg8 : memref<!tpu.dma_semaphore, #tpu.memory_space<semaphore_mem>>) src(%arg4 : memref<392x128xf32, #tpu.memory_space<vmem>>) dst(%dma_wait3A_421 : memref<392x128xf32, #tpu.memory_space<hbm>>)
    %dma_wait3A_422 = arith.constant 11 : i32
    %dma_wait3A_423 = arith.constant 0 : i32
    %dma_wait3A_424 = arith.constant 0 : i32
    %dma_wait3A_425 = tpu.memref_slice %arg3[%add3A, %dma_wait3A_422, %dma_wait3A_423, %dma_wait3A_424] : memref<32x12x392x128xf32, #tpu.memory_space<hbm>> -> memref<1x1x392x128xf32, #tpu.memory_space<hbm>>
    %dma_wait3A_426 = tpu.memref_squeeze %dma_wait3A_425 : memref<1x1x392x128xf32, #tpu.memory_space<hbm>> -> memref<392x128xf32, #tpu.memory_space<hbm>>
    %dma_wait3A_427 = arith.constant 0 : i32
    %dma_wait3A_428 = arith.constant 0 : i32
    %dma_wait3A_429 = tpu.memref_slice %arg3[%add3A, %dma_wait3A_422, %dma_wait3A_427, %dma_wait3A_428] : memref<32x12x392x128xf32, #tpu.memory_space<hbm>> -> memref<1x1x392x128xf32, #tpu.memory_space<hbm>>
    %dma_wait3A_430 = tpu.memref_squeeze %dma_wait3A_429 : memref<1x1x392x128xf32, #tpu.memory_space<hbm>> -> memref<392x128xf32, #tpu.memory_space<hbm>>
    tpu.wait_dma2 semaphore(%arg9 : memref<!tpu.dma_semaphore, #tpu.memory_space<semaphore_mem>>) src(%arg5 : memref<392x128xf32, #tpu.memory_space<vmem>>) dst(%dma_wait3A_430 : memref<392x128xf32, #tpu.memory_space<hbm>>)
    return
  }
}

module attributes {stable_mosaic.version = 14 : i64} {
  func.func @_select_body(%arg0: memref<4x96x16xf32, #tpu.memory_space<vmem>>, %arg1: memref<8x128xi32, #tpu.memory_space<vmem>>) attributes {dimension_semantics = [], scalar_prefetch = 0 : i64, scratch_operands = 0 : i64, tpu.core_type = #tpu.core_type<tc>} {
    %get3A = arith.constant 0 : index
    %get3A_0 = arith.constant 0 : index
    %get3A_1 = arith.constant 0 : index
    %get3A_2 = vector.load %arg0[%get3A, %get3A_0, %get3A_1] : memref<4x96x16xf32, #tpu.memory_space<vmem>>, vector<4x96x16xf32>
    %slice3A = vector.extract_strided_slice %get3A_2 {offsets = [0, 0, 0], sizes = [4, 96, 1], strides = [1, 1, 1]} : vector<4x96x16xf32> to vector<4x96x1xf32>
    %squeeze3A = vector.shape_cast %slice3A : vector<4x96x1xf32> to vector<4x96xf32>
    %slice3A_3 = vector.extract_strided_slice %get3A_2 {offsets = [0, 0, 1], sizes = [4, 96, 11], strides = [1, 1, 1]} : vector<4x96x16xf32> to vector<4x96x11xf32>
    %reduce_sum3A = arith.constant dense<0.000000e+00> : vector<4x96xf32>
    %reduce_sum3A_4 = vector.multi_reduction <add>, %slice3A_3, %reduce_sum3A [2] : vector<4x96x11xf32> to vector<4x96xf32>
    %broadcast_in_dim3A = vector.shape_cast %reduce_sum3A_4 : vector<4x96xf32> to vector<4x96x1xf32>
    %div3A = vector.broadcast %broadcast_in_dim3A : vector<4x96x1xf32> to vector<4x96x11xf32>
    %div3A_5 = arith.divf %slice3A_3, %div3A : vector<4x96x11xf32>
    %log3A = math.log %div3A_5 : vector<4x96x11xf32>
    %max3A = arith.constant -3.40282347E+38 : f32
    %max3A_6 = vector.broadcast %max3A : f32 to vector<4x96x11xf32>
    %max3A_7 = arith.maximumf %log3A, %max3A_6 : vector<4x96x11xf32>
    %mul3A = arith.mulf %max3A_7, %div3A_5 : vector<4x96x11xf32>
    %reduce_sum3A_8 = arith.constant dense<0.000000e+00> : vector<4x96xf32>
    %reduce_sum3A_9 = vector.multi_reduction <add>, %mul3A, %reduce_sum3A_8 [2] : vector<4x96x11xf32> to vector<4x96xf32>
    %neg3A = arith.constant 0.000000e+00 : f32
    %neg3A_10 = vector.broadcast %neg3A : f32 to vector<4x96xf32>
    %neg3A_11 = arith.subf %neg3A_10, %reduce_sum3A_9 : vector<4x96xf32>
    %add3A = arith.constant 1.000000e-07 : f32
    %add3A_12 = vector.broadcast %add3A : f32 to vector<4x96xf32>
    %add3A_13 = arith.addf %squeeze3A, %add3A_12 : vector<4x96xf32>
    %div3A_14 = arith.constant 2.000000e+00 : f32
    %div3A_15 = vector.broadcast %div3A_14 : f32 to vector<4x96xf32>
    %div3A_16 = arith.divf %div3A_15, %add3A_13 : vector<4x96xf32>
    %add3A_17 = arith.addf %neg3A_11, %div3A_16 : vector<4x96xf32>
    %broadcast_in_dim3A_18 = vector.shape_cast %add3A_17 : vector<4x96xf32> to vector<4x96x1xf32>
    %broadcast_in_dim3A_19 = vector.shape_cast %add3A_17 : vector<4x96xf32> to vector<4x1x96xf32>
    %iota3A = tpu.iota {dimensions = array<i32: 2>} : vector<4x96x96xi32>
    %iota3A_20 = tpu.iota {dimensions = array<i32: 1>} : vector<4x96x96xi32>
    %gt3A = vector.broadcast %broadcast_in_dim3A_19 : vector<4x1x96xf32> to vector<4x96x96xf32>
    %gt3A_21 = vector.broadcast %broadcast_in_dim3A_18 : vector<4x96x1xf32> to vector<4x96x96xf32>
    %gt3A_22 = arith.cmpf ogt, %gt3A, %gt3A_21 : vector<4x96x96xf32>
    %eq3A = vector.broadcast %broadcast_in_dim3A_19 : vector<4x1x96xf32> to vector<4x96x96xf32>
    %eq3A_23 = vector.broadcast %broadcast_in_dim3A_18 : vector<4x96x1xf32> to vector<4x96x96xf32>
    %eq3A_24 = arith.cmpf oeq, %eq3A, %eq3A_23 : vector<4x96x96xf32>
    %lt3A = arith.cmpi slt, %iota3A, %iota3A_20 : vector<4x96x96xi32>
    %and3A = arith.andi %eq3A_24, %lt3A : vector<4x96x96xi1>
    %or3A = arith.ori %gt3A_22, %and3A : vector<4x96x96xi1>
    %convert_element_type3A = arith.extui %or3A : vector<4x96x96xi1> to vector<4x96x96xi32>
    %reduce_sum3A_25 = arith.constant dense<0> : vector<4x96xi32>
    %reduce_sum3A_26 = vector.multi_reduction <add>, %convert_element_type3A, %reduce_sum3A_25 [2] : vector<4x96x96xi32> to vector<4x96xi32>
    %iota3A_27 = tpu.iota {dimensions = array<i32: 1>} : vector<8x128xi32>
    %jit3A = arith.constant 10 : i32
    %div3A_28 = vector.broadcast %jit3A : i32 to vector<8x128xi32>
    %div3A_29 = arith.divsi %iota3A_27, %div3A_28 : vector<8x128xi32>
    %sign3A = arith.constant 0 : i32
    %sign3A_30 = vector.broadcast %sign3A : i32 to vector<8x128xi32>
    %sign3A_31 = arith.cmpi sgt, %iota3A_27, %sign3A_30 : vector<8x128xi32>
    %sign3A_32 = arith.extui %sign3A_31 : vector<8x128xi1> to vector<8x128xi32>
    %sign3A_33 = arith.constant 0 : i32
    %sign3A_34 = vector.broadcast %sign3A_33 : i32 to vector<8x128xi32>
    %sign3A_35 = arith.cmpi slt, %iota3A_27, %sign3A_34 : vector<8x128xi32>
    %sign3A_36 = arith.extui %sign3A_35 : vector<8x128xi1> to vector<8x128xi32>
    %sign3A_37 = arith.subi %sign3A_32, %sign3A_36 : vector<8x128xi32>
    %sign3A_38 = arith.constant 0 : i32
    %sign3A_39 = arith.cmpi sgt, %jit3A, %sign3A_38 : i32
    %sign3A_40 = arith.extui %sign3A_39 : i1 to i32
    %sign3A_41 = arith.constant 0 : i32
    %sign3A_42 = arith.cmpi slt, %jit3A, %sign3A_41 : i32
    %sign3A_43 = arith.extui %sign3A_42 : i1 to i32
    %sign3A_44 = arith.subi %sign3A_40, %sign3A_43 : i32
    %ne3A = vector.broadcast %sign3A_44 : i32 to vector<8x128xi32>
    %ne3A_45 = arith.cmpi ne, %sign3A_37, %ne3A : vector<8x128xi32>
    %rem3A = vector.broadcast %jit3A : i32 to vector<8x128xi32>
    %rem3A_46 = arith.remsi %iota3A_27, %rem3A : vector<8x128xi32>
    %ne3A_47 = arith.constant 0 : i32
    %ne3A_48 = vector.broadcast %ne3A_47 : i32 to vector<8x128xi32>
    %ne3A_49 = arith.cmpi ne, %rem3A_46, %ne3A_48 : vector<8x128xi32>
    %and3A_50 = arith.andi %ne3A_45, %ne3A_49 : vector<8x128xi1>
    %sub3A = arith.constant 1 : i32
    %sub3A_51 = vector.broadcast %sub3A : i32 to vector<8x128xi32>
    %sub3A_52 = arith.subi %div3A_29, %sub3A_51 : vector<8x128xi32>
    %select_n3A = arith.select %and3A_50, %sub3A_52, %div3A_29 : vector<8x128xi1>, vector<8x128xi32>
    %jit3A_53 = arith.constant 10 : i32
    %eq3A_54 = arith.constant 0 : i32
    %eq3A_55 = arith.cmpi eq, %jit3A_53, %eq3A_54 : i32
    %jit3A_56 = arith.constant 1 : i32
    %select_n3A_57 = arith.select %eq3A_55, %jit3A_56, %jit3A_53 : i32
    %rem3A_58 = vector.broadcast %select_n3A_57 : i32 to vector<8x128xi32>
    %rem3A_59 = arith.remsi %iota3A_27, %rem3A_58 : vector<8x128xi32>
    %ne3A_60 = arith.constant 0 : i32
    %ne3A_61 = vector.broadcast %ne3A_60 : i32 to vector<8x128xi32>
    %ne3A_62 = arith.cmpi ne, %rem3A_59, %ne3A_61 : vector<8x128xi32>
    %lt3A_63 = arith.constant 0 : i32
    %lt3A_64 = vector.broadcast %lt3A_63 : i32 to vector<8x128xi32>
    %lt3A_65 = arith.cmpi slt, %rem3A_59, %lt3A_64 : vector<8x128xi32>
    %lt3A_66 = arith.constant 0 : i32
    %lt3A_67 = arith.cmpi slt, %select_n3A_57, %lt3A_66 : i32
    %ne3A_68 = vector.broadcast %lt3A_67 : i1 to vector<8x128xi1>
    %ne3A_69 = vector.broadcast %ne3A_68 : vector<8x128xi1> to vector<8x128xi1>
    %ne3A_70 = arith.xori %lt3A_65, %ne3A_69 : vector<8x128xi1>
    %and3A_71 = arith.andi %ne3A_70, %ne3A_62 : vector<8x128xi1>
    %add3A_72 = vector.broadcast %select_n3A_57 : i32 to vector<8x128xi32>
    %add3A_73 = arith.addi %rem3A_59, %add3A_72 : vector<8x128xi32>
    %select_n3A_74 = arith.select %and3A_71, %add3A_73, %rem3A_59 : vector<8x128xi1>, vector<8x128xi32>
    %broadcast_in_dim3A_75 = arith.constant 0 : i32
    %broadcast_in_dim3A_76 = vector.broadcast %broadcast_in_dim3A_75 : i32 to vector<128x96xi32>
    %slice3A_77 = vector.extract_strided_slice %select_n3A {offsets = [0, 0], sizes = [1, 128], strides = [1, 1]} : vector<8x128xi32> to vector<1x128xi32>
    %squeeze3A_78 = vector.shape_cast %slice3A_77 : vector<1x128xi32> to vector<128xi32>
    %broadcast_in_dim3A_79 = vector.shape_cast %squeeze3A_78 : vector<128xi32> to vector<128x1xi32>
    %eq3A_80 = arith.constant 0 : i32
    %eq3A_81 = vector.broadcast %eq3A_80 : i32 to vector<128x1xi32>
    %eq3A_82 = arith.cmpi eq, %broadcast_in_dim3A_79, %eq3A_81 : vector<128x1xi32>
    %slice3A_83 = vector.extract_strided_slice %reduce_sum3A_26 {offsets = [0, 0], sizes = [1, 96], strides = [1, 1]} : vector<4x96xi32> to vector<1x96xi32>
    %squeeze3A_84 = vector.shape_cast %slice3A_83 : vector<1x96xi32> to vector<96xi32>
    %broadcast_in_dim3A_85 = vector.shape_cast %squeeze3A_84 : vector<96xi32> to vector<1x96xi32>
    %broadcast_in_dim3A_86 = vector.shape_cast %eq3A_82 : vector<128x1xi1> to vector<128x1xi1>
    %broadcast_in_dim3A_87 = vector.broadcast %broadcast_in_dim3A_86 : vector<128x1xi1> to vector<128x96xi1>
    %broadcast_in_dim3A_88 = vector.shape_cast %broadcast_in_dim3A_85 : vector<1x96xi32> to vector<1x96xi32>
    %broadcast_in_dim3A_89 = vector.broadcast %broadcast_in_dim3A_88 : vector<1x96xi32> to vector<128x96xi32>
    %select_n3A_90 = arith.select %broadcast_in_dim3A_87, %broadcast_in_dim3A_89, %broadcast_in_dim3A_76 : vector<128x96xi1>, vector<128x96xi32>
    %slice3A_91 = vector.extract_strided_slice %select_n3A {offsets = [0, 0], sizes = [1, 128], strides = [1, 1]} : vector<8x128xi32> to vector<1x128xi32>
    %squeeze3A_92 = vector.shape_cast %slice3A_91 : vector<1x128xi32> to vector<128xi32>
    %broadcast_in_dim3A_93 = vector.shape_cast %squeeze3A_92 : vector<128xi32> to vector<128x1xi32>
    %eq3A_94 = arith.constant 1 : i32
    %eq3A_95 = vector.broadcast %eq3A_94 : i32 to vector<128x1xi32>
    %eq3A_96 = arith.cmpi eq, %broadcast_in_dim3A_93, %eq3A_95 : vector<128x1xi32>
    %slice3A_97 = vector.extract_strided_slice %reduce_sum3A_26 {offsets = [1, 0], sizes = [1, 96], strides = [1, 1]} : vector<4x96xi32> to vector<1x96xi32>
    %squeeze3A_98 = vector.shape_cast %slice3A_97 : vector<1x96xi32> to vector<96xi32>
    %broadcast_in_dim3A_99 = vector.shape_cast %squeeze3A_98 : vector<96xi32> to vector<1x96xi32>
    %broadcast_in_dim3A_100 = vector.shape_cast %eq3A_96 : vector<128x1xi1> to vector<128x1xi1>
    %broadcast_in_dim3A_101 = vector.broadcast %broadcast_in_dim3A_100 : vector<128x1xi1> to vector<128x96xi1>
    %broadcast_in_dim3A_102 = vector.shape_cast %broadcast_in_dim3A_99 : vector<1x96xi32> to vector<1x96xi32>
    %broadcast_in_dim3A_103 = vector.broadcast %broadcast_in_dim3A_102 : vector<1x96xi32> to vector<128x96xi32>
    %select_n3A_104 = arith.select %broadcast_in_dim3A_101, %broadcast_in_dim3A_103, %select_n3A_90 : vector<128x96xi1>, vector<128x96xi32>
    %slice3A_105 = vector.extract_strided_slice %select_n3A {offsets = [0, 0], sizes = [1, 128], strides = [1, 1]} : vector<8x128xi32> to vector<1x128xi32>
    %squeeze3A_106 = vector.shape_cast %slice3A_105 : vector<1x128xi32> to vector<128xi32>
    %broadcast_in_dim3A_107 = vector.shape_cast %squeeze3A_106 : vector<128xi32> to vector<128x1xi32>
    %eq3A_108 = arith.constant 2 : i32
    %eq3A_109 = vector.broadcast %eq3A_108 : i32 to vector<128x1xi32>
    %eq3A_110 = arith.cmpi eq, %broadcast_in_dim3A_107, %eq3A_109 : vector<128x1xi32>
    %slice3A_111 = vector.extract_strided_slice %reduce_sum3A_26 {offsets = [2, 0], sizes = [1, 96], strides = [1, 1]} : vector<4x96xi32> to vector<1x96xi32>
    %squeeze3A_112 = vector.shape_cast %slice3A_111 : vector<1x96xi32> to vector<96xi32>
    %broadcast_in_dim3A_113 = vector.shape_cast %squeeze3A_112 : vector<96xi32> to vector<1x96xi32>
    %broadcast_in_dim3A_114 = vector.shape_cast %eq3A_110 : vector<128x1xi1> to vector<128x1xi1>
    %broadcast_in_dim3A_115 = vector.broadcast %broadcast_in_dim3A_114 : vector<128x1xi1> to vector<128x96xi1>
    %broadcast_in_dim3A_116 = vector.shape_cast %broadcast_in_dim3A_113 : vector<1x96xi32> to vector<1x96xi32>
    %broadcast_in_dim3A_117 = vector.broadcast %broadcast_in_dim3A_116 : vector<1x96xi32> to vector<128x96xi32>
    %select_n3A_118 = arith.select %broadcast_in_dim3A_115, %broadcast_in_dim3A_117, %select_n3A_104 : vector<128x96xi1>, vector<128x96xi32>
    %slice3A_119 = vector.extract_strided_slice %select_n3A {offsets = [0, 0], sizes = [1, 128], strides = [1, 1]} : vector<8x128xi32> to vector<1x128xi32>
    %squeeze3A_120 = vector.shape_cast %slice3A_119 : vector<1x128xi32> to vector<128xi32>
    %broadcast_in_dim3A_121 = vector.shape_cast %squeeze3A_120 : vector<128xi32> to vector<128x1xi32>
    %eq3A_122 = arith.constant 3 : i32
    %eq3A_123 = vector.broadcast %eq3A_122 : i32 to vector<128x1xi32>
    %eq3A_124 = arith.cmpi eq, %broadcast_in_dim3A_121, %eq3A_123 : vector<128x1xi32>
    %slice3A_125 = vector.extract_strided_slice %reduce_sum3A_26 {offsets = [3, 0], sizes = [1, 96], strides = [1, 1]} : vector<4x96xi32> to vector<1x96xi32>
    %squeeze3A_126 = vector.shape_cast %slice3A_125 : vector<1x96xi32> to vector<96xi32>
    %broadcast_in_dim3A_127 = vector.shape_cast %squeeze3A_126 : vector<96xi32> to vector<1x96xi32>
    %broadcast_in_dim3A_128 = vector.shape_cast %eq3A_124 : vector<128x1xi1> to vector<128x1xi1>
    %broadcast_in_dim3A_129 = vector.broadcast %broadcast_in_dim3A_128 : vector<128x1xi1> to vector<128x96xi1>
    %broadcast_in_dim3A_130 = vector.shape_cast %broadcast_in_dim3A_127 : vector<1x96xi32> to vector<1x96xi32>
    %broadcast_in_dim3A_131 = vector.broadcast %broadcast_in_dim3A_130 : vector<1x96xi32> to vector<128x96xi32>
    %select_n3A_132 = arith.select %broadcast_in_dim3A_129, %broadcast_in_dim3A_131, %select_n3A_118 : vector<128x96xi1>, vector<128x96xi32>
    %slice3A_133 = vector.extract_strided_slice %select_n3A_74 {offsets = [0, 0], sizes = [1, 128], strides = [1, 1]} : vector<8x128xi32> to vector<1x128xi32>
    %squeeze3A_134 = vector.shape_cast %slice3A_133 : vector<1x128xi32> to vector<128xi32>
    %broadcast_in_dim3A_135 = vector.shape_cast %squeeze3A_134 : vector<128xi32> to vector<128x1xi32>
    %eq3A_136 = vector.broadcast %broadcast_in_dim3A_135 : vector<128x1xi32> to vector<128x96xi32>
    %eq3A_137 = arith.cmpi eq, %select_n3A_132, %eq3A_136 : vector<128x96xi32>
    %iota3A_138 = tpu.iota {dimensions = array<i32: 1>} : vector<128x96xi32>
    %jit3A_139 = arith.constant 0 : i32
    %broadcast_in_dim3A_140 = vector.broadcast %jit3A_139 : i32 to vector<128x96xi32>
    %select_n3A_141 = arith.select %eq3A_137, %iota3A_138, %broadcast_in_dim3A_140 : vector<128x96xi1>, vector<128x96xi32>
    %reduce_sum3A_142 = arith.constant dense<0> : vector<128xi32>
    %reduce_sum3A_143 = vector.multi_reduction <add>, %select_n3A_141, %reduce_sum3A_142 [1] : vector<128x96xi32> to vector<128xi32>
    %slice3A_144 = vector.extract_strided_slice %select_n3A {offsets = [0, 0], sizes = [1, 128], strides = [1, 1]} : vector<8x128xi32> to vector<1x128xi32>
    %squeeze3A_145 = vector.shape_cast %slice3A_144 : vector<1x128xi32> to vector<128xi32>
    %mul3A_146 = arith.constant 96 : i32
    %mul3A_147 = vector.broadcast %mul3A_146 : i32 to vector<128xi32>
    %mul3A_148 = arith.muli %squeeze3A_145, %mul3A_147 : vector<128xi32>
    %add3A_149 = arith.addi %reduce_sum3A_143, %mul3A_148 : vector<128xi32>
    %iota3A_150 = tpu.iota {dimensions = array<i32: 0>} : vector<8x128xi32>
    %eq3A_151 = arith.constant 0 : i32
    %eq3A_152 = vector.broadcast %eq3A_151 : i32 to vector<8x128xi32>
    %eq3A_153 = arith.cmpi eq, %iota3A_150, %eq3A_152 : vector<8x128xi32>
    %lt3A_154 = arith.constant 40 : i32
    %lt3A_155 = vector.broadcast %lt3A_154 : i32 to vector<8x128xi32>
    %lt3A_156 = arith.cmpi slt, %iota3A_27, %lt3A_155 : vector<8x128xi32>
    %and3A_157 = arith.andi %eq3A_153, %lt3A_156 : vector<8x128xi1>
    %broadcast_in_dim3A_158 = vector.shape_cast %add3A_149 : vector<128xi32> to vector<1x128xi32>
    %jit3A_159 = arith.constant 0 : i32
    %broadcast_in_dim3A_160 = vector.shape_cast %broadcast_in_dim3A_158 : vector<1x128xi32> to vector<1x128xi32>
    %broadcast_in_dim3A_161 = vector.broadcast %broadcast_in_dim3A_160 : vector<1x128xi32> to vector<8x128xi32>
    %broadcast_in_dim3A_162 = vector.broadcast %jit3A_159 : i32 to vector<8x128xi32>
    %select_n3A_163 = arith.select %and3A_157, %broadcast_in_dim3A_161, %broadcast_in_dim3A_162 : vector<8x128xi1>, vector<8x128xi32>
    %swap3A = arith.constant 0 : index
    %swap3A_164 = arith.constant 0 : index
    %swap3A_165 = vector.load %arg1[%swap3A, %swap3A_164] : memref<8x128xi32, #tpu.memory_space<vmem>>, vector<8x128xi32>
    tpu.vector_store %arg1[%swap3A, %swap3A_164], %select_n3A_163 {strides = array<i32>} : memref<8x128xi32, #tpu.memory_space<vmem>>, vector<8x128xi32>,
    return
  }
}

module attributes {stable_mosaic.version = 14 : i64} {
  func.func @_stats_body(%arg0: i32, %arg1: memref<1x32x224x224xf32, #tpu.memory_space<vmem>>, %arg2: memref<1x32x16xf32, #tpu.memory_space<vmem>>) attributes {dimension_semantics = [#tpu.dimension_semantics<arbitrary>], iteration_bounds = array<i64: 12>, scalar_prefetch = 0 : i64, scratch_operands = 0 : i64, tpu.core_type = #tpu.core_type<tc>, window_params = [{transform_indices = @transform_0, window_bounds = array<i64: 1, 32, 224, 224>}, {transform_indices = @transform_1, window_bounds = array<i64: 1, 32, 16>}]} {
    %get3A = arith.constant 0 : index
    %get3A_0 = arith.constant 0 : index
    %get3A_1 = arith.constant 0 : index
    %get3A_2 = arith.constant 0 : index
    %get3A_3 = vector.load %arg1[%get3A, %get3A_0, %get3A_1, %get3A_2] : memref<1x32x224x224xf32, #tpu.memory_space<vmem>>, vector<1x32x224x224xf32>
    %get3A_4 = vector.shape_cast %get3A_3 : vector<1x32x224x224xf32> to vector<32x224x224xf32>
    %reduce_sum3A = arith.constant dense<0.000000e+00> : vector<32xf32>
    %reduce_sum3A_5 = vector.multi_reduction <add>, %get3A_4, %reduce_sum3A [1, 2] : vector<32x224x224xf32> to vector<32xf32>
    %broadcast_in_dim3A = vector.shape_cast %reduce_sum3A_5 : vector<32xf32> to vector<32x1x1xf32>
    %div3A = arith.constant 5.017600e+04 : f32
    %div3A_6 = vector.broadcast %div3A : f32 to vector<32x1x1xf32>
    %div3A_7 = arith.divf %broadcast_in_dim3A, %div3A_6 : vector<32x1x1xf32>
    %sub3A = vector.broadcast %div3A_7 : vector<32x1x1xf32> to vector<32x224x224xf32>
    %sub3A_8 = arith.subf %get3A_4, %sub3A : vector<32x224x224xf32>
    %mul3A = arith.mulf %sub3A_8, %sub3A_8 : vector<32x224x224xf32>
    %reduce_sum3A_9 = arith.constant dense<0.000000e+00> : vector<32xf32>
    %reduce_sum3A_10 = vector.multi_reduction <add>, %mul3A, %reduce_sum3A_9 [1, 2] : vector<32x224x224xf32> to vector<32xf32>
    %broadcast_in_dim3A_11 = vector.shape_cast %reduce_sum3A_10 : vector<32xf32> to vector<32x1x1xf32>
    %div3A_12 = arith.constant 5.017500e+04 : f32
    %div3A_13 = vector.broadcast %div3A_12 : f32 to vector<32x1x1xf32>
    %div3A_14 = arith.divf %broadcast_in_dim3A_11, %div3A_13 : vector<32x1x1xf32>
    %iota3A = tpu.iota {dimensions = array<i32: 1>} : vector<32x16xi32>
    %eq3A = arith.constant 0 : i32
    %eq3A_15 = vector.broadcast %eq3A : i32 to vector<32x16xi32>
    %eq3A_16 = arith.cmpi eq, %iota3A, %eq3A_15 : vector<32x16xi32>
    %squeeze3A = vector.shape_cast %div3A_14 : vector<32x1x1xf32> to vector<32x1xf32>
    %jit3A = arith.constant 0.000000e+00 : f32
    %broadcast_in_dim3A_17 = vector.shape_cast %squeeze3A : vector<32x1xf32> to vector<32x1xf32>
    %broadcast_in_dim3A_18 = vector.broadcast %broadcast_in_dim3A_17 : vector<32x1xf32> to vector<32x16xf32>
    %broadcast_in_dim3A_19 = vector.broadcast %jit3A : f32 to vector<32x16xf32>
    %select_n3A = arith.select %eq3A_16, %broadcast_in_dim3A_18, %broadcast_in_dim3A_19 : vector<32x16xi1>, vector<32x16xf32>
    %broadcast_in_dim3A_20 = arith.constant 1 : i32
    %broadcast_in_dim3A_21 = vector.broadcast %broadcast_in_dim3A_20 : i32 to vector<32x8x224xi32>
    %broadcast_in_dim3A_22 = arith.constant 0 : i32
    %broadcast_in_dim3A_23 = vector.broadcast %broadcast_in_dim3A_22 : i32 to vector<32x8x224xi32>
    %slice3A = vector.extract_strided_slice %get3A_4 {offsets = [0, 0, 0], sizes = [32, 8, 224], strides = [1, 1, 1]} : vector<32x224x224xf32> to vector<32x8x224xf32>
    %tanh3A = math.tanh %slice3A : vector<32x8x224xf32>
    %mul3A_24 = arith.constant 1.000000e+01 : f32
    %mul3A_25 = vector.broadcast %mul3A_24 : f32 to vector<32x8x224xf32>
    %mul3A_26 = arith.mulf %tanh3A, %mul3A_25 : vector<32x8x224xf32>
    %round3A = math.roundeven %mul3A_26 : vector<32x8x224xf32>
    %convert_element_type3A = arith.fptosi %round3A : vector<32x8x224xf32> to vector<32x8x224xi32>
    %ge3A = arith.constant 0 : i32
    %ge3A_27 = vector.broadcast %ge3A : i32 to vector<32x8x224xi32>
    %ge3A_28 = arith.cmpi sge, %convert_element_type3A, %ge3A_27 : vector<32x8x224xi32>
    %lt3A = arith.constant 5 : i32
    %lt3A_29 = vector.broadcast %lt3A : i32 to vector<32x8x224xi32>
    %lt3A_30 = arith.cmpi slt, %convert_element_type3A, %lt3A_29 : vector<32x8x224xi32>
    %and3A = arith.andi %ge3A_28, %lt3A_30 : vector<32x8x224xi1>
    %ge3A_31 = arith.constant 5 : i32
    %ge3A_32 = vector.broadcast %ge3A_31 : i32 to vector<32x8x224xi32>
    %ge3A_33 = arith.cmpi sge, %convert_element_type3A, %ge3A_32 : vector<32x8x224xi32>
    %jit3A_34 = arith.constant 0 : i32
    %broadcast_in_dim3A_35 = vector.broadcast %jit3A_34 : i32 to vector<32x8x224xi32>
    %select_n3A_36 = arith.select %and3A, %convert_element_type3A, %broadcast_in_dim3A_35 : vector<32x8x224xi1>, vector<32x8x224xi32>
    %sub3A_37 = arith.constant 5 : i32
    %sub3A_38 = vector.broadcast %sub3A_37 : i32 to vector<32x8x224xi32>
    %sub3A_39 = arith.subi %convert_element_type3A, %sub3A_38 : vector<32x8x224xi32>
    %jit3A_40 = arith.constant 0 : i32
    %broadcast_in_dim3A_41 = vector.broadcast %jit3A_40 : i32 to vector<32x8x224xi32>
    %select_n3A_42 = arith.select %ge3A_33, %sub3A_39, %broadcast_in_dim3A_41 : vector<32x8x224xi1>, vector<32x8x224xi32>
    %mul3A_43 = arith.constant 6 : i32
    %mul3A_44 = vector.broadcast %mul3A_43 : i32 to vector<32x8x224xi32>
    %mul3A_45 = arith.muli %select_n3A_36, %mul3A_44 : vector<32x8x224xi32>
    %shift_left3A = arith.shli %broadcast_in_dim3A_21, %mul3A_45 : vector<32x8x224xi32>
    %select_n3A_46 = arith.select %and3A, %shift_left3A, %broadcast_in_dim3A_23 : vector<32x8x224xi1>, vector<32x8x224xi32>
    %add3A = arith.addi %broadcast_in_dim3A_23, %select_n3A_46 : vector<32x8x224xi32>
    %mul3A_47 = arith.constant 5 : i32
    %mul3A_48 = vector.broadcast %mul3A_47 : i32 to vector<32x8x224xi32>
    %mul3A_49 = arith.muli %select_n3A_42, %mul3A_48 : vector<32x8x224xi32>
    %shift_left3A_50 = arith.shli %broadcast_in_dim3A_21, %mul3A_49 : vector<32x8x224xi32>
    %select_n3A_51 = arith.select %ge3A_33, %shift_left3A_50, %broadcast_in_dim3A_23 : vector<32x8x224xi1>, vector<32x8x224xi32>
    %add3A_52 = arith.addi %broadcast_in_dim3A_23, %select_n3A_51 : vector<32x8x224xi32>
    %slice3A_53 = vector.extract_strided_slice %get3A_4 {offsets = [0, 8, 0], sizes = [32, 8, 224], strides = [1, 1, 1]} : vector<32x224x224xf32> to vector<32x8x224xf32>
    %tanh3A_54 = math.tanh %slice3A_53 : vector<32x8x224xf32>
    %mul3A_55 = arith.constant 1.000000e+01 : f32
    %mul3A_56 = vector.broadcast %mul3A_55 : f32 to vector<32x8x224xf32>
    %mul3A_57 = arith.mulf %tanh3A_54, %mul3A_56 : vector<32x8x224xf32>
    %round3A_58 = math.roundeven %mul3A_57 : vector<32x8x224xf32>
    %convert_element_type3A_59 = arith.fptosi %round3A_58 : vector<32x8x224xf32> to vector<32x8x224xi32>
    %ge3A_60 = arith.constant 0 : i32
    %ge3A_61 = vector.broadcast %ge3A_60 : i32 to vector<32x8x224xi32>
    %ge3A_62 = arith.cmpi sge, %convert_element_type3A_59, %ge3A_61 : vector<32x8x224xi32>
    %lt3A_63 = arith.constant 5 : i32
    %lt3A_64 = vector.broadcast %lt3A_63 : i32 to vector<32x8x224xi32>
    %lt3A_65 = arith.cmpi slt, %convert_element_type3A_59, %lt3A_64 : vector<32x8x224xi32>
    %and3A_66 = arith.andi %ge3A_62, %lt3A_65 : vector<32x8x224xi1>
    %ge3A_67 = arith.constant 5 : i32
    %ge3A_68 = vector.broadcast %ge3A_67 : i32 to vector<32x8x224xi32>
    %ge3A_69 = arith.cmpi sge, %convert_element_type3A_59, %ge3A_68 : vector<32x8x224xi32>
    %jit3A_70 = arith.constant 0 : i32
    %broadcast_in_dim3A_71 = vector.broadcast %jit3A_70 : i32 to vector<32x8x224xi32>
    %select_n3A_72 = arith.select %and3A_66, %convert_element_type3A_59, %broadcast_in_dim3A_71 : vector<32x8x224xi1>, vector<32x8x224xi32>
    %sub3A_73 = arith.constant 5 : i32
    %sub3A_74 = vector.broadcast %sub3A_73 : i32 to vector<32x8x224xi32>
    %sub3A_75 = arith.subi %convert_element_type3A_59, %sub3A_74 : vector<32x8x224xi32>
    %jit3A_76 = arith.constant 0 : i32
    %broadcast_in_dim3A_77 = vector.broadcast %jit3A_76 : i32 to vector<32x8x224xi32>
    %select_n3A_78 = arith.select %ge3A_69, %sub3A_75, %broadcast_in_dim3A_77 : vector<32x8x224xi1>, vector<32x8x224xi32>
    %mul3A_79 = arith.constant 6 : i32
    %mul3A_80 = vector.broadcast %mul3A_79 : i32 to vector<32x8x224xi32>
    %mul3A_81 = arith.muli %select_n3A_72, %mul3A_80 : vector<32x8x224xi32>
    %shift_left3A_82 = arith.shli %broadcast_in_dim3A_21, %mul3A_81 : vector<32x8x224xi32>
    %select_n3A_83 = arith.select %and3A_66, %shift_left3A_82, %broadcast_in_dim3A_23 : vector<32x8x224xi1>, vector<32x8x224xi32>
    %add3A_84 = arith.addi %add3A, %select_n3A_83 : vector<32x8x224xi32>
    %mul3A_85 = arith.constant 5 : i32
    %mul3A_86 = vector.broadcast %mul3A_85 : i32 to vector<32x8x224xi32>
    %mul3A_87 = arith.muli %select_n3A_78, %mul3A_86 : vector<32x8x224xi32>
    %shift_left3A_88 = arith.shli %broadcast_in_dim3A_21, %mul3A_87 : vector<32x8x224xi32>
    %select_n3A_89 = arith.select %ge3A_69, %shift_left3A_88, %broadcast_in_dim3A_23 : vector<32x8x224xi1>, vector<32x8x224xi32>
    %add3A_90 = arith.addi %add3A_52, %select_n3A_89 : vector<32x8x224xi32>
    %slice3A_91 = vector.extract_strided_slice %get3A_4 {offsets = [0, 16, 0], sizes = [32, 8, 224], strides = [1, 1, 1]} : vector<32x224x224xf32> to vector<32x8x224xf32>
    %tanh3A_92 = math.tanh %slice3A_91 : vector<32x8x224xf32>
    %mul3A_93 = arith.constant 1.000000e+01 : f32
    %mul3A_94 = vector.broadcast %mul3A_93 : f32 to vector<32x8x224xf32>
    %mul3A_95 = arith.mulf %tanh3A_92, %mul3A_94 : vector<32x8x224xf32>
    %round3A_96 = math.roundeven %mul3A_95 : vector<32x8x224xf32>
    %convert_element_type3A_97 = arith.fptosi %round3A_96 : vector<32x8x224xf32> to vector<32x8x224xi32>
    %ge3A_98 = arith.constant 0 : i32
    %ge3A_99 = vector.broadcast %ge3A_98 : i32 to vector<32x8x224xi32>
    %ge3A_100 = arith.cmpi sge, %convert_element_type3A_97, %ge3A_99 : vector<32x8x224xi32>
    %lt3A_101 = arith.constant 5 : i32
    %lt3A_102 = vector.broadcast %lt3A_101 : i32 to vector<32x8x224xi32>
    %lt3A_103 = arith.cmpi slt, %convert_element_type3A_97, %lt3A_102 : vector<32x8x224xi32>
    %and3A_104 = arith.andi %ge3A_100, %lt3A_103 : vector<32x8x224xi1>
    %ge3A_105 = arith.constant 5 : i32
    %ge3A_106 = vector.broadcast %ge3A_105 : i32 to vector<32x8x224xi32>
    %ge3A_107 = arith.cmpi sge, %convert_element_type3A_97, %ge3A_106 : vector<32x8x224xi32>
    %jit3A_108 = arith.constant 0 : i32
    %broadcast_in_dim3A_109 = vector.broadcast %jit3A_108 : i32 to vector<32x8x224xi32>
    %select_n3A_110 = arith.select %and3A_104, %convert_element_type3A_97, %broadcast_in_dim3A_109 : vector<32x8x224xi1>, vector<32x8x224xi32>
    %sub3A_111 = arith.constant 5 : i32
    %sub3A_112 = vector.broadcast %sub3A_111 : i32 to vector<32x8x224xi32>
    %sub3A_113 = arith.subi %convert_element_type3A_97, %sub3A_112 : vector<32x8x224xi32>
    %jit3A_114 = arith.constant 0 : i32
    %broadcast_in_dim3A_115 = vector.broadcast %jit3A_114 : i32 to vector<32x8x224xi32>
    %select_n3A_116 = arith.select %ge3A_107, %sub3A_113, %broadcast_in_dim3A_115 : vector<32x8x224xi1>, vector<32x8x224xi32>
    %mul3A_117 = arith.constant 6 : i32
    %mul3A_118 = vector.broadcast %mul3A_117 : i32 to vector<32x8x224xi32>
    %mul3A_119 = arith.muli %select_n3A_110, %mul3A_118 : vector<32x8x224xi32>
    %shift_left3A_120 = arith.shli %broadcast_in_dim3A_21, %mul3A_119 : vector<32x8x224xi32>
    %select_n3A_121 = arith.select %and3A_104, %shift_left3A_120, %broadcast_in_dim3A_23 : vector<32x8x224xi1>, vector<32x8x224xi32>
    %add3A_122 = arith.addi %add3A_84, %select_n3A_121 : vector<32x8x224xi32>
    %mul3A_123 = arith.constant 5 : i32
    %mul3A_124 = vector.broadcast %mul3A_123 : i32 to vector<32x8x224xi32>
    %mul3A_125 = arith.muli %select_n3A_116, %mul3A_124 : vector<32x8x224xi32>
    %shift_left3A_126 = arith.shli %broadcast_in_dim3A_21, %mul3A_125 : vector<32x8x224xi32>
    %select_n3A_127 = arith.select %ge3A_107, %shift_left3A_126, %broadcast_in_dim3A_23 : vector<32x8x224xi1>, vector<32x8x224xi32>
    %add3A_128 = arith.addi %add3A_90, %select_n3A_127 : vector<32x8x224xi32>
    %slice3A_129 = vector.extract_strided_slice %get3A_4 {offsets = [0, 24, 0], sizes = [32, 8, 224], strides = [1, 1, 1]} : vector<32x224x224xf32> to vector<32x8x224xf32>
    %tanh3A_130 = math.tanh %slice3A_129 : vector<32x8x224xf32>
    %mul3A_131 = arith.constant 1.000000e+01 : f32
    %mul3A_132 = vector.broadcast %mul3A_131 : f32 to vector<32x8x224xf32>
    %mul3A_133 = arith.mulf %tanh3A_130, %mul3A_132 : vector<32x8x224xf32>
    %round3A_134 = math.roundeven %mul3A_133 : vector<32x8x224xf32>
    %convert_element_type3A_135 = arith.fptosi %round3A_134 : vector<32x8x224xf32> to vector<32x8x224xi32>
    %ge3A_136 = arith.constant 0 : i32
    %ge3A_137 = vector.broadcast %ge3A_136 : i32 to vector<32x8x224xi32>
    %ge3A_138 = arith.cmpi sge, %convert_element_type3A_135, %ge3A_137 : vector<32x8x224xi32>
    %lt3A_139 = arith.constant 5 : i32
    %lt3A_140 = vector.broadcast %lt3A_139 : i32 to vector<32x8x224xi32>
    %lt3A_141 = arith.cmpi slt, %convert_element_type3A_135, %lt3A_140 : vector<32x8x224xi32>
    %and3A_142 = arith.andi %ge3A_138, %lt3A_141 : vector<32x8x224xi1>
    %ge3A_143 = arith.constant 5 : i32
    %ge3A_144 = vector.broadcast %ge3A_143 : i32 to vector<32x8x224xi32>
    %ge3A_145 = arith.cmpi sge, %convert_element_type3A_135, %ge3A_144 : vector<32x8x224xi32>
    %jit3A_146 = arith.constant 0 : i32
    %broadcast_in_dim3A_147 = vector.broadcast %jit3A_146 : i32 to vector<32x8x224xi32>
    %select_n3A_148 = arith.select %and3A_142, %convert_element_type3A_135, %broadcast_in_dim3A_147 : vector<32x8x224xi1>, vector<32x8x224xi32>
    %sub3A_149 = arith.constant 5 : i32
    %sub3A_150 = vector.broadcast %sub3A_149 : i32 to vector<32x8x224xi32>
    %sub3A_151 = arith.subi %convert_element_type3A_135, %sub3A_150 : vector<32x8x224xi32>
    %jit3A_152 = arith.constant 0 : i32
    %broadcast_in_dim3A_153 = vector.broadcast %jit3A_152 : i32 to vector<32x8x224xi32>
    %select_n3A_154 = arith.select %ge3A_145, %sub3A_151, %broadcast_in_dim3A_153 : vector<32x8x224xi1>, vector<32x8x224xi32>
    %mul3A_155 = arith.constant 6 : i32
    %mul3A_156 = vector.broadcast %mul3A_155 : i32 to vector<32x8x224xi32>
    %mul3A_157 = arith.muli %select_n3A_148, %mul3A_156 : vector<32x8x224xi32>
    %shift_left3A_158 = arith.shli %broadcast_in_dim3A_21, %mul3A_157 : vector<32x8x224xi32>
    %select_n3A_159 = arith.select %and3A_142, %shift_left3A_158, %broadcast_in_dim3A_23 : vector<32x8x224xi1>, vector<32x8x224xi32>
    %add3A_160 = arith.addi %add3A_122, %select_n3A_159 : vector<32x8x224xi32>
    %mul3A_161 = arith.constant 5 : i32
    %mul3A_162 = vector.broadcast %mul3A_161 : i32 to vector<32x8x224xi32>
    %mul3A_163 = arith.muli %select_n3A_154, %mul3A_162 : vector<32x8x224xi32>
    %shift_left3A_164 = arith.shli %broadcast_in_dim3A_21, %mul3A_163 : vector<32x8x224xi32>
    %select_n3A_165 = arith.select %ge3A_145, %shift_left3A_164, %broadcast_in_dim3A_23 : vector<32x8x224xi1>, vector<32x8x224xi32>
    %add3A_166 = arith.addi %add3A_128, %select_n3A_165 : vector<32x8x224xi32>
    %slice3A_167 = vector.extract_strided_slice %get3A_4 {offsets = [0, 32, 0], sizes = [32, 8, 224], strides = [1, 1, 1]} : vector<32x224x224xf32> to vector<32x8x224xf32>
    %tanh3A_168 = math.tanh %slice3A_167 : vector<32x8x224xf32>
    %mul3A_169 = arith.constant 1.000000e+01 : f32
    %mul3A_170 = vector.broadcast %mul3A_169 : f32 to vector<32x8x224xf32>
    %mul3A_171 = arith.mulf %tanh3A_168, %mul3A_170 : vector<32x8x224xf32>
    %round3A_172 = math.roundeven %mul3A_171 : vector<32x8x224xf32>
    %convert_element_type3A_173 = arith.fptosi %round3A_172 : vector<32x8x224xf32> to vector<32x8x224xi32>
    %ge3A_174 = arith.constant 0 : i32
    %ge3A_175 = vector.broadcast %ge3A_174 : i32 to vector<32x8x224xi32>
    %ge3A_176 = arith.cmpi sge, %convert_element_type3A_173, %ge3A_175 : vector<32x8x224xi32>
    %lt3A_177 = arith.constant 5 : i32
    %lt3A_178 = vector.broadcast %lt3A_177 : i32 to vector<32x8x224xi32>
    %lt3A_179 = arith.cmpi slt, %convert_element_type3A_173, %lt3A_178 : vector<32x8x224xi32>
    %and3A_180 = arith.andi %ge3A_176, %lt3A_179 : vector<32x8x224xi1>
    %ge3A_181 = arith.constant 5 : i32
    %ge3A_182 = vector.broadcast %ge3A_181 : i32 to vector<32x8x224xi32>
    %ge3A_183 = arith.cmpi sge, %convert_element_type3A_173, %ge3A_182 : vector<32x8x224xi32>
    %jit3A_184 = arith.constant 0 : i32
    %broadcast_in_dim3A_185 = vector.broadcast %jit3A_184 : i32 to vector<32x8x224xi32>
    %select_n3A_186 = arith.select %and3A_180, %convert_element_type3A_173, %broadcast_in_dim3A_185 : vector<32x8x224xi1>, vector<32x8x224xi32>
    %sub3A_187 = arith.constant 5 : i32
    %sub3A_188 = vector.broadcast %sub3A_187 : i32 to vector<32x8x224xi32>
    %sub3A_189 = arith.subi %convert_element_type3A_173, %sub3A_188 : vector<32x8x224xi32>
    %jit3A_190 = arith.constant 0 : i32
    %broadcast_in_dim3A_191 = vector.broadcast %jit3A_190 : i32 to vector<32x8x224xi32>
    %select_n3A_192 = arith.select %ge3A_183, %sub3A_189, %broadcast_in_dim3A_191 : vector<32x8x224xi1>, vector<32x8x224xi32>
    %mul3A_193 = arith.constant 6 : i32
    %mul3A_194 = vector.broadcast %mul3A_193 : i32 to vector<32x8x224xi32>
    %mul3A_195 = arith.muli %select_n3A_186, %mul3A_194 : vector<32x8x224xi32>
    %shift_left3A_196 = arith.shli %broadcast_in_dim3A_21, %mul3A_195 : vector<32x8x224xi32>
    %select_n3A_197 = arith.select %and3A_180, %shift_left3A_196, %broadcast_in_dim3A_23 : vector<32x8x224xi1>, vector<32x8x224xi32>
    %add3A_198 = arith.addi %add3A_160, %select_n3A_197 : vector<32x8x224xi32>
    %mul3A_199 = arith.constant 5 : i32
    %mul3A_200 = vector.broadcast %mul3A_199 : i32 to vector<32x8x224xi32>
    %mul3A_201 = arith.muli %select_n3A_192, %mul3A_200 : vector<32x8x224xi32>
    %shift_left3A_202 = arith.shli %broadcast_in_dim3A_21, %mul3A_201 : vector<32x8x224xi32>
    %select_n3A_203 = arith.select %ge3A_183, %shift_left3A_202, %broadcast_in_dim3A_23 : vector<32x8x224xi1>, vector<32x8x224xi32>
    %add3A_204 = arith.addi %add3A_166, %select_n3A_203 : vector<32x8x224xi32>
    %slice3A_205 = vector.extract_strided_slice %get3A_4 {offsets = [0, 40, 0], sizes = [32, 8, 224], strides = [1, 1, 1]} : vector<32x224x224xf32> to vector<32x8x224xf32>
    %tanh3A_206 = math.tanh %slice3A_205 : vector<32x8x224xf32>
    %mul3A_207 = arith.constant 1.000000e+01 : f32
    %mul3A_208 = vector.broadcast %mul3A_207 : f32 to vector<32x8x224xf32>
    %mul3A_209 = arith.mulf %tanh3A_206, %mul3A_208 : vector<32x8x224xf32>
    %round3A_210 = math.roundeven %mul3A_209 : vector<32x8x224xf32>
    %convert_element_type3A_211 = arith.fptosi %round3A_210 : vector<32x8x224xf32> to vector<32x8x224xi32>
    %ge3A_212 = arith.constant 0 : i32
    %ge3A_213 = vector.broadcast %ge3A_212 : i32 to vector<32x8x224xi32>
    %ge3A_214 = arith.cmpi sge, %convert_element_type3A_211, %ge3A_213 : vector<32x8x224xi32>
    %lt3A_215 = arith.constant 5 : i32
    %lt3A_216 = vector.broadcast %lt3A_215 : i32 to vector<32x8x224xi32>
    %lt3A_217 = arith.cmpi slt, %convert_element_type3A_211, %lt3A_216 : vector<32x8x224xi32>
    %and3A_218 = arith.andi %ge3A_214, %lt3A_217 : vector<32x8x224xi1>
    %ge3A_219 = arith.constant 5 : i32
    %ge3A_220 = vector.broadcast %ge3A_219 : i32 to vector<32x8x224xi32>
    %ge3A_221 = arith.cmpi sge, %convert_element_type3A_211, %ge3A_220 : vector<32x8x224xi32>
    %jit3A_222 = arith.constant 0 : i32
    %broadcast_in_dim3A_223 = vector.broadcast %jit3A_222 : i32 to vector<32x8x224xi32>
    %select_n3A_224 = arith.select %and3A_218, %convert_element_type3A_211, %broadcast_in_dim3A_223 : vector<32x8x224xi1>, vector<32x8x224xi32>
    %sub3A_225 = arith.constant 5 : i32
    %sub3A_226 = vector.broadcast %sub3A_225 : i32 to vector<32x8x224xi32>
    %sub3A_227 = arith.subi %convert_element_type3A_211, %sub3A_226 : vector<32x8x224xi32>
    %jit3A_228 = arith.constant 0 : i32
    %broadcast_in_dim3A_229 = vector.broadcast %jit3A_228 : i32 to vector<32x8x224xi32>
    %select_n3A_230 = arith.select %ge3A_221, %sub3A_227, %broadcast_in_dim3A_229 : vector<32x8x224xi1>, vector<32x8x224xi32>
    %mul3A_231 = arith.constant 6 : i32
    %mul3A_232 = vector.broadcast %mul3A_231 : i32 to vector<32x8x224xi32>
    %mul3A_233 = arith.muli %select_n3A_224, %mul3A_232 : vector<32x8x224xi32>
    %shift_left3A_234 = arith.shli %broadcast_in_dim3A_21, %mul3A_233 : vector<32x8x224xi32>
    %select_n3A_235 = arith.select %and3A_218, %shift_left3A_234, %broadcast_in_dim3A_23 : vector<32x8x224xi1>, vector<32x8x224xi32>
    %add3A_236 = arith.addi %add3A_198, %select_n3A_235 : vector<32x8x224xi32>
    %mul3A_237 = arith.constant 5 : i32
    %mul3A_238 = vector.broadcast %mul3A_237 : i32 to vector<32x8x224xi32>
    %mul3A_239 = arith.muli %select_n3A_230, %mul3A_238 : vector<32x8x224xi32>
    %shift_left3A_240 = arith.shli %broadcast_in_dim3A_21, %mul3A_239 : vector<32x8x224xi32>
    %select_n3A_241 = arith.select %ge3A_221, %shift_left3A_240, %broadcast_in_dim3A_23 : vector<32x8x224xi1>, vector<32x8x224xi32>
    %add3A_242 = arith.addi %add3A_204, %select_n3A_241 : vector<32x8x224xi32>
    %slice3A_243 = vector.extract_strided_slice %get3A_4 {offsets = [0, 48, 0], sizes = [32, 8, 224], strides = [1, 1, 1]} : vector<32x224x224xf32> to vector<32x8x224xf32>
    %tanh3A_244 = math.tanh %slice3A_243 : vector<32x8x224xf32>
    %mul3A_245 = arith.constant 1.000000e+01 : f32
    %mul3A_246 = vector.broadcast %mul3A_245 : f32 to vector<32x8x224xf32>
    %mul3A_247 = arith.mulf %tanh3A_244, %mul3A_246 : vector<32x8x224xf32>
    %round3A_248 = math.roundeven %mul3A_247 : vector<32x8x224xf32>
    %convert_element_type3A_249 = arith.fptosi %round3A_248 : vector<32x8x224xf32> to vector<32x8x224xi32>
    %ge3A_250 = arith.constant 0 : i32
    %ge3A_251 = vector.broadcast %ge3A_250 : i32 to vector<32x8x224xi32>
    %ge3A_252 = arith.cmpi sge, %convert_element_type3A_249, %ge3A_251 : vector<32x8x224xi32>
    %lt3A_253 = arith.constant 5 : i32
    %lt3A_254 = vector.broadcast %lt3A_253 : i32 to vector<32x8x224xi32>
    %lt3A_255 = arith.cmpi slt, %convert_element_type3A_249, %lt3A_254 : vector<32x8x224xi32>
    %and3A_256 = arith.andi %ge3A_252, %lt3A_255 : vector<32x8x224xi1>
    %ge3A_257 = arith.constant 5 : i32
    %ge3A_258 = vector.broadcast %ge3A_257 : i32 to vector<32x8x224xi32>
    %ge3A_259 = arith.cmpi sge, %convert_element_type3A_249, %ge3A_258 : vector<32x8x224xi32>
    %jit3A_260 = arith.constant 0 : i32
    %broadcast_in_dim3A_261 = vector.broadcast %jit3A_260 : i32 to vector<32x8x224xi32>
    %select_n3A_262 = arith.select %and3A_256, %convert_element_type3A_249, %broadcast_in_dim3A_261 : vector<32x8x224xi1>, vector<32x8x224xi32>
    %sub3A_263 = arith.constant 5 : i32
    %sub3A_264 = vector.broadcast %sub3A_263 : i32 to vector<32x8x224xi32>
    %sub3A_265 = arith.subi %convert_element_type3A_249, %sub3A_264 : vector<32x8x224xi32>
    %jit3A_266 = arith.constant 0 : i32
    %broadcast_in_dim3A_267 = vector.broadcast %jit3A_266 : i32 to vector<32x8x224xi32>
    %select_n3A_268 = arith.select %ge3A_259, %sub3A_265, %broadcast_in_dim3A_267 : vector<32x8x224xi1>, vector<32x8x224xi32>
    %mul3A_269 = arith.constant 6 : i32
    %mul3A_270 = vector.broadcast %mul3A_269 : i32 to vector<32x8x224xi32>
    %mul3A_271 = arith.muli %select_n3A_262, %mul3A_270 : vector<32x8x224xi32>
    %shift_left3A_272 = arith.shli %broadcast_in_dim3A_21, %mul3A_271 : vector<32x8x224xi32>
    %select_n3A_273 = arith.select %and3A_256, %shift_left3A_272, %broadcast_in_dim3A_23 : vector<32x8x224xi1>, vector<32x8x224xi32>
    %add3A_274 = arith.addi %add3A_236, %select_n3A_273 : vector<32x8x224xi32>
    %mul3A_275 = arith.constant 5 : i32
    %mul3A_276 = vector.broadcast %mul3A_275 : i32 to vector<32x8x224xi32>
    %mul3A_277 = arith.muli %select_n3A_268, %mul3A_276 : vector<32x8x224xi32>
    %shift_left3A_278 = arith.shli %broadcast_in_dim3A_21, %mul3A_277 : vector<32x8x224xi32>
    %select_n3A_279 = arith.select %ge3A_259, %shift_left3A_278, %broadcast_in_dim3A_23 : vector<32x8x224xi1>, vector<32x8x224xi32>
    %add3A_280 = arith.addi %add3A_242, %select_n3A_279 : vector<32x8x224xi32>
    %slice3A_281 = vector.extract_strided_slice %get3A_4 {offsets = [0, 56, 0], sizes = [32, 8, 224], strides = [1, 1, 1]} : vector<32x224x224xf32> to vector<32x8x224xf32>
    %tanh3A_282 = math.tanh %slice3A_281 : vector<32x8x224xf32>
    %mul3A_283 = arith.constant 1.000000e+01 : f32
    %mul3A_284 = vector.broadcast %mul3A_283 : f32 to vector<32x8x224xf32>
    %mul3A_285 = arith.mulf %tanh3A_282, %mul3A_284 : vector<32x8x224xf32>
    %round3A_286 = math.roundeven %mul3A_285 : vector<32x8x224xf32>
    %convert_element_type3A_287 = arith.fptosi %round3A_286 : vector<32x8x224xf32> to vector<32x8x224xi32>
    %ge3A_288 = arith.constant 0 : i32
    %ge3A_289 = vector.broadcast %ge3A_288 : i32 to vector<32x8x224xi32>
    %ge3A_290 = arith.cmpi sge, %convert_element_type3A_287, %ge3A_289 : vector<32x8x224xi32>
    %lt3A_291 = arith.constant 5 : i32
    %lt3A_292 = vector.broadcast %lt3A_291 : i32 to vector<32x8x224xi32>
    %lt3A_293 = arith.cmpi slt, %convert_element_type3A_287, %lt3A_292 : vector<32x8x224xi32>
    %and3A_294 = arith.andi %ge3A_290, %lt3A_293 : vector<32x8x224xi1>
    %ge3A_295 = arith.constant 5 : i32
    %ge3A_296 = vector.broadcast %ge3A_295 : i32 to vector<32x8x224xi32>
    %ge3A_297 = arith.cmpi sge, %convert_element_type3A_287, %ge3A_296 : vector<32x8x224xi32>
    %jit3A_298 = arith.constant 0 : i32
    %broadcast_in_dim3A_299 = vector.broadcast %jit3A_298 : i32 to vector<32x8x224xi32>
    %select_n3A_300 = arith.select %and3A_294, %convert_element_type3A_287, %broadcast_in_dim3A_299 : vector<32x8x224xi1>, vector<32x8x224xi32>
    %sub3A_301 = arith.constant 5 : i32
    %sub3A_302 = vector.broadcast %sub3A_301 : i32 to vector<32x8x224xi32>
    %sub3A_303 = arith.subi %convert_element_type3A_287, %sub3A_302 : vector<32x8x224xi32>
    %jit3A_304 = arith.constant 0 : i32
    %broadcast_in_dim3A_305 = vector.broadcast %jit3A_304 : i32 to vector<32x8x224xi32>
    %select_n3A_306 = arith.select %ge3A_297, %sub3A_303, %broadcast_in_dim3A_305 : vector<32x8x224xi1>, vector<32x8x224xi32>
    %mul3A_307 = arith.constant 6 : i32
    %mul3A_308 = vector.broadcast %mul3A_307 : i32 to vector<32x8x224xi32>
    %mul3A_309 = arith.muli %select_n3A_300, %mul3A_308 : vector<32x8x224xi32>
    %shift_left3A_310 = arith.shli %broadcast_in_dim3A_21, %mul3A_309 : vector<32x8x224xi32>
    %select_n3A_311 = arith.select %and3A_294, %shift_left3A_310, %broadcast_in_dim3A_23 : vector<32x8x224xi1>, vector<32x8x224xi32>
    %add3A_312 = arith.addi %add3A_274, %select_n3A_311 : vector<32x8x224xi32>
    %mul3A_313 = arith.constant 5 : i32
    %mul3A_314 = vector.broadcast %mul3A_313 : i32 to vector<32x8x224xi32>
    %mul3A_315 = arith.muli %select_n3A_306, %mul3A_314 : vector<32x8x224xi32>
    %shift_left3A_316 = arith.shli %broadcast_in_dim3A_21, %mul3A_315 : vector<32x8x224xi32>
    %select_n3A_317 = arith.select %ge3A_297, %shift_left3A_316, %broadcast_in_dim3A_23 : vector<32x8x224xi1>, vector<32x8x224xi32>
    %add3A_318 = arith.addi %add3A_280, %select_n3A_317 : vector<32x8x224xi32>
    %slice3A_319 = vector.extract_strided_slice %get3A_4 {offsets = [0, 64, 0], sizes = [32, 8, 224], strides = [1, 1, 1]} : vector<32x224x224xf32> to vector<32x8x224xf32>
    %tanh3A_320 = math.tanh %slice3A_319 : vector<32x8x224xf32>
    %mul3A_321 = arith.constant 1.000000e+01 : f32
    %mul3A_322 = vector.broadcast %mul3A_321 : f32 to vector<32x8x224xf32>
    %mul3A_323 = arith.mulf %tanh3A_320, %mul3A_322 : vector<32x8x224xf32>
    %round3A_324 = math.roundeven %mul3A_323 : vector<32x8x224xf32>
    %convert_element_type3A_325 = arith.fptosi %round3A_324 : vector<32x8x224xf32> to vector<32x8x224xi32>
    %ge3A_326 = arith.constant 0 : i32
    %ge3A_327 = vector.broadcast %ge3A_326 : i32 to vector<32x8x224xi32>
    %ge3A_328 = arith.cmpi sge, %convert_element_type3A_325, %ge3A_327 : vector<32x8x224xi32>
    %lt3A_329 = arith.constant 5 : i32
    %lt3A_330 = vector.broadcast %lt3A_329 : i32 to vector<32x8x224xi32>
    %lt3A_331 = arith.cmpi slt, %convert_element_type3A_325, %lt3A_330 : vector<32x8x224xi32>
    %and3A_332 = arith.andi %ge3A_328, %lt3A_331 : vector<32x8x224xi1>
    %ge3A_333 = arith.constant 5 : i32
    %ge3A_334 = vector.broadcast %ge3A_333 : i32 to vector<32x8x224xi32>
    %ge3A_335 = arith.cmpi sge, %convert_element_type3A_325, %ge3A_334 : vector<32x8x224xi32>
    %jit3A_336 = arith.constant 0 : i32
    %broadcast_in_dim3A_337 = vector.broadcast %jit3A_336 : i32 to vector<32x8x224xi32>
    %select_n3A_338 = arith.select %and3A_332, %convert_element_type3A_325, %broadcast_in_dim3A_337 : vector<32x8x224xi1>, vector<32x8x224xi32>
    %sub3A_339 = arith.constant 5 : i32
    %sub3A_340 = vector.broadcast %sub3A_339 : i32 to vector<32x8x224xi32>
    %sub3A_341 = arith.subi %convert_element_type3A_325, %sub3A_340 : vector<32x8x224xi32>
    %jit3A_342 = arith.constant 0 : i32
    %broadcast_in_dim3A_343 = vector.broadcast %jit3A_342 : i32 to vector<32x8x224xi32>
    %select_n3A_344 = arith.select %ge3A_335, %sub3A_341, %broadcast_in_dim3A_343 : vector<32x8x224xi1>, vector<32x8x224xi32>
    %mul3A_345 = arith.constant 6 : i32
    %mul3A_346 = vector.broadcast %mul3A_345 : i32 to vector<32x8x224xi32>
    %mul3A_347 = arith.muli %select_n3A_338, %mul3A_346 : vector<32x8x224xi32>
    %shift_left3A_348 = arith.shli %broadcast_in_dim3A_21, %mul3A_347 : vector<32x8x224xi32>
    %select_n3A_349 = arith.select %and3A_332, %shift_left3A_348, %broadcast_in_dim3A_23 : vector<32x8x224xi1>, vector<32x8x224xi32>
    %add3A_350 = arith.addi %add3A_312, %select_n3A_349 : vector<32x8x224xi32>
    %mul3A_351 = arith.constant 5 : i32
    %mul3A_352 = vector.broadcast %mul3A_351 : i32 to vector<32x8x224xi32>
    %mul3A_353 = arith.muli %select_n3A_344, %mul3A_352 : vector<32x8x224xi32>
    %shift_left3A_354 = arith.shli %broadcast_in_dim3A_21, %mul3A_353 : vector<32x8x224xi32>
    %select_n3A_355 = arith.select %ge3A_335, %shift_left3A_354, %broadcast_in_dim3A_23 : vector<32x8x224xi1>, vector<32x8x224xi32>
    %add3A_356 = arith.addi %add3A_318, %select_n3A_355 : vector<32x8x224xi32>
    %slice3A_357 = vector.extract_strided_slice %get3A_4 {offsets = [0, 72, 0], sizes = [32, 8, 224], strides = [1, 1, 1]} : vector<32x224x224xf32> to vector<32x8x224xf32>
    %tanh3A_358 = math.tanh %slice3A_357 : vector<32x8x224xf32>
    %mul3A_359 = arith.constant 1.000000e+01 : f32
    %mul3A_360 = vector.broadcast %mul3A_359 : f32 to vector<32x8x224xf32>
    %mul3A_361 = arith.mulf %tanh3A_358, %mul3A_360 : vector<32x8x224xf32>
    %round3A_362 = math.roundeven %mul3A_361 : vector<32x8x224xf32>
    %convert_element_type3A_363 = arith.fptosi %round3A_362 : vector<32x8x224xf32> to vector<32x8x224xi32>
    %ge3A_364 = arith.constant 0 : i32
    %ge3A_365 = vector.broadcast %ge3A_364 : i32 to vector<32x8x224xi32>
    %ge3A_366 = arith.cmpi sge, %convert_element_type3A_363, %ge3A_365 : vector<32x8x224xi32>
    %lt3A_367 = arith.constant 5 : i32
    %lt3A_368 = vector.broadcast %lt3A_367 : i32 to vector<32x8x224xi32>
    %lt3A_369 = arith.cmpi slt, %convert_element_type3A_363, %lt3A_368 : vector<32x8x224xi32>
    %and3A_370 = arith.andi %ge3A_366, %lt3A_369 : vector<32x8x224xi1>
    %ge3A_371 = arith.constant 5 : i32
    %ge3A_372 = vector.broadcast %ge3A_371 : i32 to vector<32x8x224xi32>
    %ge3A_373 = arith.cmpi sge, %convert_element_type3A_363, %ge3A_372 : vector<32x8x224xi32>
    %jit3A_374 = arith.constant 0 : i32
    %broadcast_in_dim3A_375 = vector.broadcast %jit3A_374 : i32 to vector<32x8x224xi32>
    %select_n3A_376 = arith.select %and3A_370, %convert_element_type3A_363, %broadcast_in_dim3A_375 : vector<32x8x224xi1>, vector<32x8x224xi32>
    %sub3A_377 = arith.constant 5 : i32
    %sub3A_378 = vector.broadcast %sub3A_377 : i32 to vector<32x8x224xi32>
    %sub3A_379 = arith.subi %convert_element_type3A_363, %sub3A_378 : vector<32x8x224xi32>
    %jit3A_380 = arith.constant 0 : i32
    %broadcast_in_dim3A_381 = vector.broadcast %jit3A_380 : i32 to vector<32x8x224xi32>
    %select_n3A_382 = arith.select %ge3A_373, %sub3A_379, %broadcast_in_dim3A_381 : vector<32x8x224xi1>, vector<32x8x224xi32>
    %mul3A_383 = arith.constant 6 : i32
    %mul3A_384 = vector.broadcast %mul3A_383 : i32 to vector<32x8x224xi32>
    %mul3A_385 = arith.muli %select_n3A_376, %mul3A_384 : vector<32x8x224xi32>
    %shift_left3A_386 = arith.shli %broadcast_in_dim3A_21, %mul3A_385 : vector<32x8x224xi32>
    %select_n3A_387 = arith.select %and3A_370, %shift_left3A_386, %broadcast_in_dim3A_23 : vector<32x8x224xi1>, vector<32x8x224xi32>
    %add3A_388 = arith.addi %add3A_350, %select_n3A_387 : vector<32x8x224xi32>
    %mul3A_389 = arith.constant 5 : i32
    %mul3A_390 = vector.broadcast %mul3A_389 : i32 to vector<32x8x224xi32>
    %mul3A_391 = arith.muli %select_n3A_382, %mul3A_390 : vector<32x8x224xi32>
    %shift_left3A_392 = arith.shli %broadcast_in_dim3A_21, %mul3A_391 : vector<32x8x224xi32>
    %select_n3A_393 = arith.select %ge3A_373, %shift_left3A_392, %broadcast_in_dim3A_23 : vector<32x8x224xi1>, vector<32x8x224xi32>
    %add3A_394 = arith.addi %add3A_356, %select_n3A_393 : vector<32x8x224xi32>
    %slice3A_395 = vector.extract_strided_slice %get3A_4 {offsets = [0, 80, 0], sizes = [32, 8, 224], strides = [1, 1, 1]} : vector<32x224x224xf32> to vector<32x8x224xf32>
    %tanh3A_396 = math.tanh %slice3A_395 : vector<32x8x224xf32>
    %mul3A_397 = arith.constant 1.000000e+01 : f32
    %mul3A_398 = vector.broadcast %mul3A_397 : f32 to vector<32x8x224xf32>
    %mul3A_399 = arith.mulf %tanh3A_396, %mul3A_398 : vector<32x8x224xf32>
    %round3A_400 = math.roundeven %mul3A_399 : vector<32x8x224xf32>
    %convert_element_type3A_401 = arith.fptosi %round3A_400 : vector<32x8x224xf32> to vector<32x8x224xi32>
    %ge3A_402 = arith.constant 0 : i32
    %ge3A_403 = vector.broadcast %ge3A_402 : i32 to vector<32x8x224xi32>
    %ge3A_404 = arith.cmpi sge, %convert_element_type3A_401, %ge3A_403 : vector<32x8x224xi32>
    %lt3A_405 = arith.constant 5 : i32
    %lt3A_406 = vector.broadcast %lt3A_405 : i32 to vector<32x8x224xi32>
    %lt3A_407 = arith.cmpi slt, %convert_element_type3A_401, %lt3A_406 : vector<32x8x224xi32>
    %and3A_408 = arith.andi %ge3A_404, %lt3A_407 : vector<32x8x224xi1>
    %ge3A_409 = arith.constant 5 : i32
    %ge3A_410 = vector.broadcast %ge3A_409 : i32 to vector<32x8x224xi32>
    %ge3A_411 = arith.cmpi sge, %convert_element_type3A_401, %ge3A_410 : vector<32x8x224xi32>
    %jit3A_412 = arith.constant 0 : i32
    %broadcast_in_dim3A_413 = vector.broadcast %jit3A_412 : i32 to vector<32x8x224xi32>
    %select_n3A_414 = arith.select %and3A_408, %convert_element_type3A_401, %broadcast_in_dim3A_413 : vector<32x8x224xi1>, vector<32x8x224xi32>
    %sub3A_415 = arith.constant 5 : i32
    %sub3A_416 = vector.broadcast %sub3A_415 : i32 to vector<32x8x224xi32>
    %sub3A_417 = arith.subi %convert_element_type3A_401, %sub3A_416 : vector<32x8x224xi32>
    %jit3A_418 = arith.constant 0 : i32
    %broadcast_in_dim3A_419 = vector.broadcast %jit3A_418 : i32 to vector<32x8x224xi32>
    %select_n3A_420 = arith.select %ge3A_411, %sub3A_417, %broadcast_in_dim3A_419 : vector<32x8x224xi1>, vector<32x8x224xi32>
    %mul3A_421 = arith.constant 6 : i32
    %mul3A_422 = vector.broadcast %mul3A_421 : i32 to vector<32x8x224xi32>
    %mul3A_423 = arith.muli %select_n3A_414, %mul3A_422 : vector<32x8x224xi32>
    %shift_left3A_424 = arith.shli %broadcast_in_dim3A_21, %mul3A_423 : vector<32x8x224xi32>
    %select_n3A_425 = arith.select %and3A_408, %shift_left3A_424, %broadcast_in_dim3A_23 : vector<32x8x224xi1>, vector<32x8x224xi32>
    %add3A_426 = arith.addi %add3A_388, %select_n3A_425 : vector<32x8x224xi32>
    %mul3A_427 = arith.constant 5 : i32
    %mul3A_428 = vector.broadcast %mul3A_427 : i32 to vector<32x8x224xi32>
    %mul3A_429 = arith.muli %select_n3A_420, %mul3A_428 : vector<32x8x224xi32>
    %shift_left3A_430 = arith.shli %broadcast_in_dim3A_21, %mul3A_429 : vector<32x8x224xi32>
    %select_n3A_431 = arith.select %ge3A_411, %shift_left3A_430, %broadcast_in_dim3A_23 : vector<32x8x224xi1>, vector<32x8x224xi32>
    %add3A_432 = arith.addi %add3A_394, %select_n3A_431 : vector<32x8x224xi32>
    %slice3A_433 = vector.extract_strided_slice %get3A_4 {offsets = [0, 88, 0], sizes = [32, 8, 224], strides = [1, 1, 1]} : vector<32x224x224xf32> to vector<32x8x224xf32>
    %tanh3A_434 = math.tanh %slice3A_433 : vector<32x8x224xf32>
    %mul3A_435 = arith.constant 1.000000e+01 : f32
    %mul3A_436 = vector.broadcast %mul3A_435 : f32 to vector<32x8x224xf32>
    %mul3A_437 = arith.mulf %tanh3A_434, %mul3A_436 : vector<32x8x224xf32>
    %round3A_438 = math.roundeven %mul3A_437 : vector<32x8x224xf32>
    %convert_element_type3A_439 = arith.fptosi %round3A_438 : vector<32x8x224xf32> to vector<32x8x224xi32>
    %ge3A_440 = arith.constant 0 : i32
    %ge3A_441 = vector.broadcast %ge3A_440 : i32 to vector<32x8x224xi32>
    %ge3A_442 = arith.cmpi sge, %convert_element_type3A_439, %ge3A_441 : vector<32x8x224xi32>
    %lt3A_443 = arith.constant 5 : i32
    %lt3A_444 = vector.broadcast %lt3A_443 : i32 to vector<32x8x224xi32>
    %lt3A_445 = arith.cmpi slt, %convert_element_type3A_439, %lt3A_444 : vector<32x8x224xi32>
    %and3A_446 = arith.andi %ge3A_442, %lt3A_445 : vector<32x8x224xi1>
    %ge3A_447 = arith.constant 5 : i32
    %ge3A_448 = vector.broadcast %ge3A_447 : i32 to vector<32x8x224xi32>
    %ge3A_449 = arith.cmpi sge, %convert_element_type3A_439, %ge3A_448 : vector<32x8x224xi32>
    %jit3A_450 = arith.constant 0 : i32
    %broadcast_in_dim3A_451 = vector.broadcast %jit3A_450 : i32 to vector<32x8x224xi32>
    %select_n3A_452 = arith.select %and3A_446, %convert_element_type3A_439, %broadcast_in_dim3A_451 : vector<32x8x224xi1>, vector<32x8x224xi32>
    %sub3A_453 = arith.constant 5 : i32
    %sub3A_454 = vector.broadcast %sub3A_453 : i32 to vector<32x8x224xi32>
    %sub3A_455 = arith.subi %convert_element_type3A_439, %sub3A_454 : vector<32x8x224xi32>
    %jit3A_456 = arith.constant 0 : i32
    %broadcast_in_dim3A_457 = vector.broadcast %jit3A_456 : i32 to vector<32x8x224xi32>
    %select_n3A_458 = arith.select %ge3A_449, %sub3A_455, %broadcast_in_dim3A_457 : vector<32x8x224xi1>, vector<32x8x224xi32>
    %mul3A_459 = arith.constant 6 : i32
    %mul3A_460 = vector.broadcast %mul3A_459 : i32 to vector<32x8x224xi32>
    %mul3A_461 = arith.muli %select_n3A_452, %mul3A_460 : vector<32x8x224xi32>
    %shift_left3A_462 = arith.shli %broadcast_in_dim3A_21, %mul3A_461 : vector<32x8x224xi32>
    %select_n3A_463 = arith.select %and3A_446, %shift_left3A_462, %broadcast_in_dim3A_23 : vector<32x8x224xi1>, vector<32x8x224xi32>
    %add3A_464 = arith.addi %add3A_426, %select_n3A_463 : vector<32x8x224xi32>
    %mul3A_465 = arith.constant 5 : i32
    %mul3A_466 = vector.broadcast %mul3A_465 : i32 to vector<32x8x224xi32>
    %mul3A_467 = arith.muli %select_n3A_458, %mul3A_466 : vector<32x8x224xi32>
    %shift_left3A_468 = arith.shli %broadcast_in_dim3A_21, %mul3A_467 : vector<32x8x224xi32>
    %select_n3A_469 = arith.select %ge3A_449, %shift_left3A_468, %broadcast_in_dim3A_23 : vector<32x8x224xi1>, vector<32x8x224xi32>
    %add3A_470 = arith.addi %add3A_432, %select_n3A_469 : vector<32x8x224xi32>
    %slice3A_471 = vector.extract_strided_slice %get3A_4 {offsets = [0, 96, 0], sizes = [32, 8, 224], strides = [1, 1, 1]} : vector<32x224x224xf32> to vector<32x8x224xf32>
    %tanh3A_472 = math.tanh %slice3A_471 : vector<32x8x224xf32>
    %mul3A_473 = arith.constant 1.000000e+01 : f32
    %mul3A_474 = vector.broadcast %mul3A_473 : f32 to vector<32x8x224xf32>
    %mul3A_475 = arith.mulf %tanh3A_472, %mul3A_474 : vector<32x8x224xf32>
    %round3A_476 = math.roundeven %mul3A_475 : vector<32x8x224xf32>
    %convert_element_type3A_477 = arith.fptosi %round3A_476 : vector<32x8x224xf32> to vector<32x8x224xi32>
    %ge3A_478 = arith.constant 0 : i32
    %ge3A_479 = vector.broadcast %ge3A_478 : i32 to vector<32x8x224xi32>
    %ge3A_480 = arith.cmpi sge, %convert_element_type3A_477, %ge3A_479 : vector<32x8x224xi32>
    %lt3A_481 = arith.constant 5 : i32
    %lt3A_482 = vector.broadcast %lt3A_481 : i32 to vector<32x8x224xi32>
    %lt3A_483 = arith.cmpi slt, %convert_element_type3A_477, %lt3A_482 : vector<32x8x224xi32>
    %and3A_484 = arith.andi %ge3A_480, %lt3A_483 : vector<32x8x224xi1>
    %ge3A_485 = arith.constant 5 : i32
    %ge3A_486 = vector.broadcast %ge3A_485 : i32 to vector<32x8x224xi32>
    %ge3A_487 = arith.cmpi sge, %convert_element_type3A_477, %ge3A_486 : vector<32x8x224xi32>
    %jit3A_488 = arith.constant 0 : i32
    %broadcast_in_dim3A_489 = vector.broadcast %jit3A_488 : i32 to vector<32x8x224xi32>
    %select_n3A_490 = arith.select %and3A_484, %convert_element_type3A_477, %broadcast_in_dim3A_489 : vector<32x8x224xi1>, vector<32x8x224xi32>
    %sub3A_491 = arith.constant 5 : i32
    %sub3A_492 = vector.broadcast %sub3A_491 : i32 to vector<32x8x224xi32>
    %sub3A_493 = arith.subi %convert_element_type3A_477, %sub3A_492 : vector<32x8x224xi32>
    %jit3A_494 = arith.constant 0 : i32
    %broadcast_in_dim3A_495 = vector.broadcast %jit3A_494 : i32 to vector<32x8x224xi32>
    %select_n3A_496 = arith.select %ge3A_487, %sub3A_493, %broadcast_in_dim3A_495 : vector<32x8x224xi1>, vector<32x8x224xi32>
    %mul3A_497 = arith.constant 6 : i32
    %mul3A_498 = vector.broadcast %mul3A_497 : i32 to vector<32x8x224xi32>
    %mul3A_499 = arith.muli %select_n3A_490, %mul3A_498 : vector<32x8x224xi32>
    %shift_left3A_500 = arith.shli %broadcast_in_dim3A_21, %mul3A_499 : vector<32x8x224xi32>
    %select_n3A_501 = arith.select %and3A_484, %shift_left3A_500, %broadcast_in_dim3A_23 : vector<32x8x224xi1>, vector<32x8x224xi32>
    %add3A_502 = arith.addi %add3A_464, %select_n3A_501 : vector<32x8x224xi32>
    %mul3A_503 = arith.constant 5 : i32
    %mul3A_504 = vector.broadcast %mul3A_503 : i32 to vector<32x8x224xi32>
    %mul3A_505 = arith.muli %select_n3A_496, %mul3A_504 : vector<32x8x224xi32>
    %shift_left3A_506 = arith.shli %broadcast_in_dim3A_21, %mul3A_505 : vector<32x8x224xi32>
    %select_n3A_507 = arith.select %ge3A_487, %shift_left3A_506, %broadcast_in_dim3A_23 : vector<32x8x224xi1>, vector<32x8x224xi32>
    %add3A_508 = arith.addi %add3A_470, %select_n3A_507 : vector<32x8x224xi32>
    %slice3A_509 = vector.extract_strided_slice %get3A_4 {offsets = [0, 104, 0], sizes = [32, 8, 224], strides = [1, 1, 1]} : vector<32x224x224xf32> to vector<32x8x224xf32>
    %tanh3A_510 = math.tanh %slice3A_509 : vector<32x8x224xf32>
    %mul3A_511 = arith.constant 1.000000e+01 : f32
    %mul3A_512 = vector.broadcast %mul3A_511 : f32 to vector<32x8x224xf32>
    %mul3A_513 = arith.mulf %tanh3A_510, %mul3A_512 : vector<32x8x224xf32>
    %round3A_514 = math.roundeven %mul3A_513 : vector<32x8x224xf32>
    %convert_element_type3A_515 = arith.fptosi %round3A_514 : vector<32x8x224xf32> to vector<32x8x224xi32>
    %ge3A_516 = arith.constant 0 : i32
    %ge3A_517 = vector.broadcast %ge3A_516 : i32 to vector<32x8x224xi32>
    %ge3A_518 = arith.cmpi sge, %convert_element_type3A_515, %ge3A_517 : vector<32x8x224xi32>
    %lt3A_519 = arith.constant 5 : i32
    %lt3A_520 = vector.broadcast %lt3A_519 : i32 to vector<32x8x224xi32>
    %lt3A_521 = arith.cmpi slt, %convert_element_type3A_515, %lt3A_520 : vector<32x8x224xi32>
    %and3A_522 = arith.andi %ge3A_518, %lt3A_521 : vector<32x8x224xi1>
    %ge3A_523 = arith.constant 5 : i32
    %ge3A_524 = vector.broadcast %ge3A_523 : i32 to vector<32x8x224xi32>
    %ge3A_525 = arith.cmpi sge, %convert_element_type3A_515, %ge3A_524 : vector<32x8x224xi32>
    %jit3A_526 = arith.constant 0 : i32
    %broadcast_in_dim3A_527 = vector.broadcast %jit3A_526 : i32 to vector<32x8x224xi32>
    %select_n3A_528 = arith.select %and3A_522, %convert_element_type3A_515, %broadcast_in_dim3A_527 : vector<32x8x224xi1>, vector<32x8x224xi32>
    %sub3A_529 = arith.constant 5 : i32
    %sub3A_530 = vector.broadcast %sub3A_529 : i32 to vector<32x8x224xi32>
    %sub3A_531 = arith.subi %convert_element_type3A_515, %sub3A_530 : vector<32x8x224xi32>
    %jit3A_532 = arith.constant 0 : i32
    %broadcast_in_dim3A_533 = vector.broadcast %jit3A_532 : i32 to vector<32x8x224xi32>
    %select_n3A_534 = arith.select %ge3A_525, %sub3A_531, %broadcast_in_dim3A_533 : vector<32x8x224xi1>, vector<32x8x224xi32>
    %mul3A_535 = arith.constant 6 : i32
    %mul3A_536 = vector.broadcast %mul3A_535 : i32 to vector<32x8x224xi32>
    %mul3A_537 = arith.muli %select_n3A_528, %mul3A_536 : vector<32x8x224xi32>
    %shift_left3A_538 = arith.shli %broadcast_in_dim3A_21, %mul3A_537 : vector<32x8x224xi32>
    %select_n3A_539 = arith.select %and3A_522, %shift_left3A_538, %broadcast_in_dim3A_23 : vector<32x8x224xi1>, vector<32x8x224xi32>
    %add3A_540 = arith.addi %add3A_502, %select_n3A_539 : vector<32x8x224xi32>
    %mul3A_541 = arith.constant 5 : i32
    %mul3A_542 = vector.broadcast %mul3A_541 : i32 to vector<32x8x224xi32>
    %mul3A_543 = arith.muli %select_n3A_534, %mul3A_542 : vector<32x8x224xi32>
    %shift_left3A_544 = arith.shli %broadcast_in_dim3A_21, %mul3A_543 : vector<32x8x224xi32>
    %select_n3A_545 = arith.select %ge3A_525, %shift_left3A_544, %broadcast_in_dim3A_23 : vector<32x8x224xi1>, vector<32x8x224xi32>
    %add3A_546 = arith.addi %add3A_508, %select_n3A_545 : vector<32x8x224xi32>
    %slice3A_547 = vector.extract_strided_slice %get3A_4 {offsets = [0, 112, 0], sizes = [32, 8, 224], strides = [1, 1, 1]} : vector<32x224x224xf32> to vector<32x8x224xf32>
    %tanh3A_548 = math.tanh %slice3A_547 : vector<32x8x224xf32>
    %mul3A_549 = arith.constant 1.000000e+01 : f32
    %mul3A_550 = vector.broadcast %mul3A_549 : f32 to vector<32x8x224xf32>
    %mul3A_551 = arith.mulf %tanh3A_548, %mul3A_550 : vector<32x8x224xf32>
    %round3A_552 = math.roundeven %mul3A_551 : vector<32x8x224xf32>
    %convert_element_type3A_553 = arith.fptosi %round3A_552 : vector<32x8x224xf32> to vector<32x8x224xi32>
    %ge3A_554 = arith.constant 0 : i32
    %ge3A_555 = vector.broadcast %ge3A_554 : i32 to vector<32x8x224xi32>
    %ge3A_556 = arith.cmpi sge, %convert_element_type3A_553, %ge3A_555 : vector<32x8x224xi32>
    %lt3A_557 = arith.constant 5 : i32
    %lt3A_558 = vector.broadcast %lt3A_557 : i32 to vector<32x8x224xi32>
    %lt3A_559 = arith.cmpi slt, %convert_element_type3A_553, %lt3A_558 : vector<32x8x224xi32>
    %and3A_560 = arith.andi %ge3A_556, %lt3A_559 : vector<32x8x224xi1>
    %ge3A_561 = arith.constant 5 : i32
    %ge3A_562 = vector.broadcast %ge3A_561 : i32 to vector<32x8x224xi32>
    %ge3A_563 = arith.cmpi sge, %convert_element_type3A_553, %ge3A_562 : vector<32x8x224xi32>
    %jit3A_564 = arith.constant 0 : i32
    %broadcast_in_dim3A_565 = vector.broadcast %jit3A_564 : i32 to vector<32x8x224xi32>
    %select_n3A_566 = arith.select %and3A_560, %convert_element_type3A_553, %broadcast_in_dim3A_565 : vector<32x8x224xi1>, vector<32x8x224xi32>
    %sub3A_567 = arith.constant 5 : i32
    %sub3A_568 = vector.broadcast %sub3A_567 : i32 to vector<32x8x224xi32>
    %sub3A_569 = arith.subi %convert_element_type3A_553, %sub3A_568 : vector<32x8x224xi32>
    %jit3A_570 = arith.constant 0 : i32
    %broadcast_in_dim3A_571 = vector.broadcast %jit3A_570 : i32 to vector<32x8x224xi32>
    %select_n3A_572 = arith.select %ge3A_563, %sub3A_569, %broadcast_in_dim3A_571 : vector<32x8x224xi1>, vector<32x8x224xi32>
    %mul3A_573 = arith.constant 6 : i32
    %mul3A_574 = vector.broadcast %mul3A_573 : i32 to vector<32x8x224xi32>
    %mul3A_575 = arith.muli %select_n3A_566, %mul3A_574 : vector<32x8x224xi32>
    %shift_left3A_576 = arith.shli %broadcast_in_dim3A_21, %mul3A_575 : vector<32x8x224xi32>
    %select_n3A_577 = arith.select %and3A_560, %shift_left3A_576, %broadcast_in_dim3A_23 : vector<32x8x224xi1>, vector<32x8x224xi32>
    %add3A_578 = arith.addi %add3A_540, %select_n3A_577 : vector<32x8x224xi32>
    %mul3A_579 = arith.constant 5 : i32
    %mul3A_580 = vector.broadcast %mul3A_579 : i32 to vector<32x8x224xi32>
    %mul3A_581 = arith.muli %select_n3A_572, %mul3A_580 : vector<32x8x224xi32>
    %shift_left3A_582 = arith.shli %broadcast_in_dim3A_21, %mul3A_581 : vector<32x8x224xi32>
    %select_n3A_583 = arith.select %ge3A_563, %shift_left3A_582, %broadcast_in_dim3A_23 : vector<32x8x224xi1>, vector<32x8x224xi32>
    %add3A_584 = arith.addi %add3A_546, %select_n3A_583 : vector<32x8x224xi32>
    %slice3A_585 = vector.extract_strided_slice %get3A_4 {offsets = [0, 120, 0], sizes = [32, 8, 224], strides = [1, 1, 1]} : vector<32x224x224xf32> to vector<32x8x224xf32>
    %tanh3A_586 = math.tanh %slice3A_585 : vector<32x8x224xf32>
    %mul3A_587 = arith.constant 1.000000e+01 : f32
    %mul3A_588 = vector.broadcast %mul3A_587 : f32 to vector<32x8x224xf32>
    %mul3A_589 = arith.mulf %tanh3A_586, %mul3A_588 : vector<32x8x224xf32>
    %round3A_590 = math.roundeven %mul3A_589 : vector<32x8x224xf32>
    %convert_element_type3A_591 = arith.fptosi %round3A_590 : vector<32x8x224xf32> to vector<32x8x224xi32>
    %ge3A_592 = arith.constant 0 : i32
    %ge3A_593 = vector.broadcast %ge3A_592 : i32 to vector<32x8x224xi32>
    %ge3A_594 = arith.cmpi sge, %convert_element_type3A_591, %ge3A_593 : vector<32x8x224xi32>
    %lt3A_595 = arith.constant 5 : i32
    %lt3A_596 = vector.broadcast %lt3A_595 : i32 to vector<32x8x224xi32>
    %lt3A_597 = arith.cmpi slt, %convert_element_type3A_591, %lt3A_596 : vector<32x8x224xi32>
    %and3A_598 = arith.andi %ge3A_594, %lt3A_597 : vector<32x8x224xi1>
    %ge3A_599 = arith.constant 5 : i32
    %ge3A_600 = vector.broadcast %ge3A_599 : i32 to vector<32x8x224xi32>
    %ge3A_601 = arith.cmpi sge, %convert_element_type3A_591, %ge3A_600 : vector<32x8x224xi32>
    %jit3A_602 = arith.constant 0 : i32
    %broadcast_in_dim3A_603 = vector.broadcast %jit3A_602 : i32 to vector<32x8x224xi32>
    %select_n3A_604 = arith.select %and3A_598, %convert_element_type3A_591, %broadcast_in_dim3A_603 : vector<32x8x224xi1>, vector<32x8x224xi32>
    %sub3A_605 = arith.constant 5 : i32
    %sub3A_606 = vector.broadcast %sub3A_605 : i32 to vector<32x8x224xi32>
    %sub3A_607 = arith.subi %convert_element_type3A_591, %sub3A_606 : vector<32x8x224xi32>
    %jit3A_608 = arith.constant 0 : i32
    %broadcast_in_dim3A_609 = vector.broadcast %jit3A_608 : i32 to vector<32x8x224xi32>
    %select_n3A_610 = arith.select %ge3A_601, %sub3A_607, %broadcast_in_dim3A_609 : vector<32x8x224xi1>, vector<32x8x224xi32>
    %mul3A_611 = arith.constant 6 : i32
    %mul3A_612 = vector.broadcast %mul3A_611 : i32 to vector<32x8x224xi32>
    %mul3A_613 = arith.muli %select_n3A_604, %mul3A_612 : vector<32x8x224xi32>
    %shift_left3A_614 = arith.shli %broadcast_in_dim3A_21, %mul3A_613 : vector<32x8x224xi32>
    %select_n3A_615 = arith.select %and3A_598, %shift_left3A_614, %broadcast_in_dim3A_23 : vector<32x8x224xi1>, vector<32x8x224xi32>
    %add3A_616 = arith.addi %add3A_578, %select_n3A_615 : vector<32x8x224xi32>
    %mul3A_617 = arith.constant 5 : i32
    %mul3A_618 = vector.broadcast %mul3A_617 : i32 to vector<32x8x224xi32>
    %mul3A_619 = arith.muli %select_n3A_610, %mul3A_618 : vector<32x8x224xi32>
    %shift_left3A_620 = arith.shli %broadcast_in_dim3A_21, %mul3A_619 : vector<32x8x224xi32>
    %select_n3A_621 = arith.select %ge3A_601, %shift_left3A_620, %broadcast_in_dim3A_23 : vector<32x8x224xi1>, vector<32x8x224xi32>
    %add3A_622 = arith.addi %add3A_584, %select_n3A_621 : vector<32x8x224xi32>
    %slice3A_623 = vector.extract_strided_slice %get3A_4 {offsets = [0, 128, 0], sizes = [32, 8, 224], strides = [1, 1, 1]} : vector<32x224x224xf32> to vector<32x8x224xf32>
    %tanh3A_624 = math.tanh %slice3A_623 : vector<32x8x224xf32>
    %mul3A_625 = arith.constant 1.000000e+01 : f32
    %mul3A_626 = vector.broadcast %mul3A_625 : f32 to vector<32x8x224xf32>
    %mul3A_627 = arith.mulf %tanh3A_624, %mul3A_626 : vector<32x8x224xf32>
    %round3A_628 = math.roundeven %mul3A_627 : vector<32x8x224xf32>
    %convert_element_type3A_629 = arith.fptosi %round3A_628 : vector<32x8x224xf32> to vector<32x8x224xi32>
    %ge3A_630 = arith.constant 0 : i32
    %ge3A_631 = vector.broadcast %ge3A_630 : i32 to vector<32x8x224xi32>
    %ge3A_632 = arith.cmpi sge, %convert_element_type3A_629, %ge3A_631 : vector<32x8x224xi32>
    %lt3A_633 = arith.constant 5 : i32
    %lt3A_634 = vector.broadcast %lt3A_633 : i32 to vector<32x8x224xi32>
    %lt3A_635 = arith.cmpi slt, %convert_element_type3A_629, %lt3A_634 : vector<32x8x224xi32>
    %and3A_636 = arith.andi %ge3A_632, %lt3A_635 : vector<32x8x224xi1>
    %ge3A_637 = arith.constant 5 : i32
    %ge3A_638 = vector.broadcast %ge3A_637 : i32 to vector<32x8x224xi32>
    %ge3A_639 = arith.cmpi sge, %convert_element_type3A_629, %ge3A_638 : vector<32x8x224xi32>
    %jit3A_640 = arith.constant 0 : i32
    %broadcast_in_dim3A_641 = vector.broadcast %jit3A_640 : i32 to vector<32x8x224xi32>
    %select_n3A_642 = arith.select %and3A_636, %convert_element_type3A_629, %broadcast_in_dim3A_641 : vector<32x8x224xi1>, vector<32x8x224xi32>
    %sub3A_643 = arith.constant 5 : i32
    %sub3A_644 = vector.broadcast %sub3A_643 : i32 to vector<32x8x224xi32>
    %sub3A_645 = arith.subi %convert_element_type3A_629, %sub3A_644 : vector<32x8x224xi32>
    %jit3A_646 = arith.constant 0 : i32
    %broadcast_in_dim3A_647 = vector.broadcast %jit3A_646 : i32 to vector<32x8x224xi32>
    %select_n3A_648 = arith.select %ge3A_639, %sub3A_645, %broadcast_in_dim3A_647 : vector<32x8x224xi1>, vector<32x8x224xi32>
    %mul3A_649 = arith.constant 6 : i32
    %mul3A_650 = vector.broadcast %mul3A_649 : i32 to vector<32x8x224xi32>
    %mul3A_651 = arith.muli %select_n3A_642, %mul3A_650 : vector<32x8x224xi32>
    %shift_left3A_652 = arith.shli %broadcast_in_dim3A_21, %mul3A_651 : vector<32x8x224xi32>
    %select_n3A_653 = arith.select %and3A_636, %shift_left3A_652, %broadcast_in_dim3A_23 : vector<32x8x224xi1>, vector<32x8x224xi32>
    %add3A_654 = arith.addi %add3A_616, %select_n3A_653 : vector<32x8x224xi32>
    %mul3A_655 = arith.constant 5 : i32
    %mul3A_656 = vector.broadcast %mul3A_655 : i32 to vector<32x8x224xi32>
    %mul3A_657 = arith.muli %select_n3A_648, %mul3A_656 : vector<32x8x224xi32>
    %shift_left3A_658 = arith.shli %broadcast_in_dim3A_21, %mul3A_657 : vector<32x8x224xi32>
    %select_n3A_659 = arith.select %ge3A_639, %shift_left3A_658, %broadcast_in_dim3A_23 : vector<32x8x224xi1>, vector<32x8x224xi32>
    %add3A_660 = arith.addi %add3A_622, %select_n3A_659 : vector<32x8x224xi32>
    %slice3A_661 = vector.extract_strided_slice %get3A_4 {offsets = [0, 136, 0], sizes = [32, 8, 224], strides = [1, 1, 1]} : vector<32x224x224xf32> to vector<32x8x224xf32>
    %tanh3A_662 = math.tanh %slice3A_661 : vector<32x8x224xf32>
    %mul3A_663 = arith.constant 1.000000e+01 : f32
    %mul3A_664 = vector.broadcast %mul3A_663 : f32 to vector<32x8x224xf32>
    %mul3A_665 = arith.mulf %tanh3A_662, %mul3A_664 : vector<32x8x224xf32>
    %round3A_666 = math.roundeven %mul3A_665 : vector<32x8x224xf32>
    %convert_element_type3A_667 = arith.fptosi %round3A_666 : vector<32x8x224xf32> to vector<32x8x224xi32>
    %ge3A_668 = arith.constant 0 : i32
    %ge3A_669 = vector.broadcast %ge3A_668 : i32 to vector<32x8x224xi32>
    %ge3A_670 = arith.cmpi sge, %convert_element_type3A_667, %ge3A_669 : vector<32x8x224xi32>
    %lt3A_671 = arith.constant 5 : i32
    %lt3A_672 = vector.broadcast %lt3A_671 : i32 to vector<32x8x224xi32>
    %lt3A_673 = arith.cmpi slt, %convert_element_type3A_667, %lt3A_672 : vector<32x8x224xi32>
    %and3A_674 = arith.andi %ge3A_670, %lt3A_673 : vector<32x8x224xi1>
    %ge3A_675 = arith.constant 5 : i32
    %ge3A_676 = vector.broadcast %ge3A_675 : i32 to vector<32x8x224xi32>
    %ge3A_677 = arith.cmpi sge, %convert_element_type3A_667, %ge3A_676 : vector<32x8x224xi32>
    %jit3A_678 = arith.constant 0 : i32
    %broadcast_in_dim3A_679 = vector.broadcast %jit3A_678 : i32 to vector<32x8x224xi32>
    %select_n3A_680 = arith.select %and3A_674, %convert_element_type3A_667, %broadcast_in_dim3A_679 : vector<32x8x224xi1>, vector<32x8x224xi32>
    %sub3A_681 = arith.constant 5 : i32
    %sub3A_682 = vector.broadcast %sub3A_681 : i32 to vector<32x8x224xi32>
    %sub3A_683 = arith.subi %convert_element_type3A_667, %sub3A_682 : vector<32x8x224xi32>
    %jit3A_684 = arith.constant 0 : i32
    %broadcast_in_dim3A_685 = vector.broadcast %jit3A_684 : i32 to vector<32x8x224xi32>
    %select_n3A_686 = arith.select %ge3A_677, %sub3A_683, %broadcast_in_dim3A_685 : vector<32x8x224xi1>, vector<32x8x224xi32>
    %mul3A_687 = arith.constant 6 : i32
    %mul3A_688 = vector.broadcast %mul3A_687 : i32 to vector<32x8x224xi32>
    %mul3A_689 = arith.muli %select_n3A_680, %mul3A_688 : vector<32x8x224xi32>
    %shift_left3A_690 = arith.shli %broadcast_in_dim3A_21, %mul3A_689 : vector<32x8x224xi32>
    %select_n3A_691 = arith.select %and3A_674, %shift_left3A_690, %broadcast_in_dim3A_23 : vector<32x8x224xi1>, vector<32x8x224xi32>
    %add3A_692 = arith.addi %add3A_654, %select_n3A_691 : vector<32x8x224xi32>
    %mul3A_693 = arith.constant 5 : i32
    %mul3A_694 = vector.broadcast %mul3A_693 : i32 to vector<32x8x224xi32>
    %mul3A_695 = arith.muli %select_n3A_686, %mul3A_694 : vector<32x8x224xi32>
    %shift_left3A_696 = arith.shli %broadcast_in_dim3A_21, %mul3A_695 : vector<32x8x224xi32>
    %select_n3A_697 = arith.select %ge3A_677, %shift_left3A_696, %broadcast_in_dim3A_23 : vector<32x8x224xi1>, vector<32x8x224xi32>
    %add3A_698 = arith.addi %add3A_660, %select_n3A_697 : vector<32x8x224xi32>
    %slice3A_699 = vector.extract_strided_slice %get3A_4 {offsets = [0, 144, 0], sizes = [32, 8, 224], strides = [1, 1, 1]} : vector<32x224x224xf32> to vector<32x8x224xf32>
    %tanh3A_700 = math.tanh %slice3A_699 : vector<32x8x224xf32>
    %mul3A_701 = arith.constant 1.000000e+01 : f32
    %mul3A_702 = vector.broadcast %mul3A_701 : f32 to vector<32x8x224xf32>
    %mul3A_703 = arith.mulf %tanh3A_700, %mul3A_702 : vector<32x8x224xf32>
    %round3A_704 = math.roundeven %mul3A_703 : vector<32x8x224xf32>
    %convert_element_type3A_705 = arith.fptosi %round3A_704 : vector<32x8x224xf32> to vector<32x8x224xi32>
    %ge3A_706 = arith.constant 0 : i32
    %ge3A_707 = vector.broadcast %ge3A_706 : i32 to vector<32x8x224xi32>
    %ge3A_708 = arith.cmpi sge, %convert_element_type3A_705, %ge3A_707 : vector<32x8x224xi32>
    %lt3A_709 = arith.constant 5 : i32
    %lt3A_710 = vector.broadcast %lt3A_709 : i32 to vector<32x8x224xi32>
    %lt3A_711 = arith.cmpi slt, %convert_element_type3A_705, %lt3A_710 : vector<32x8x224xi32>
    %and3A_712 = arith.andi %ge3A_708, %lt3A_711 : vector<32x8x224xi1>
    %ge3A_713 = arith.constant 5 : i32
    %ge3A_714 = vector.broadcast %ge3A_713 : i32 to vector<32x8x224xi32>
    %ge3A_715 = arith.cmpi sge, %convert_element_type3A_705, %ge3A_714 : vector<32x8x224xi32>
    %jit3A_716 = arith.constant 0 : i32
    %broadcast_in_dim3A_717 = vector.broadcast %jit3A_716 : i32 to vector<32x8x224xi32>
    %select_n3A_718 = arith.select %and3A_712, %convert_element_type3A_705, %broadcast_in_dim3A_717 : vector<32x8x224xi1>, vector<32x8x224xi32>
    %sub3A_719 = arith.constant 5 : i32
    %sub3A_720 = vector.broadcast %sub3A_719 : i32 to vector<32x8x224xi32>
    %sub3A_721 = arith.subi %convert_element_type3A_705, %sub3A_720 : vector<32x8x224xi32>
    %jit3A_722 = arith.constant 0 : i32
    %broadcast_in_dim3A_723 = vector.broadcast %jit3A_722 : i32 to vector<32x8x224xi32>
    %select_n3A_724 = arith.select %ge3A_715, %sub3A_721, %broadcast_in_dim3A_723 : vector<32x8x224xi1>, vector<32x8x224xi32>
    %mul3A_725 = arith.constant 6 : i32
    %mul3A_726 = vector.broadcast %mul3A_725 : i32 to vector<32x8x224xi32>
    %mul3A_727 = arith.muli %select_n3A_718, %mul3A_726 : vector<32x8x224xi32>
    %shift_left3A_728 = arith.shli %broadcast_in_dim3A_21, %mul3A_727 : vector<32x8x224xi32>
    %select_n3A_729 = arith.select %and3A_712, %shift_left3A_728, %broadcast_in_dim3A_23 : vector<32x8x224xi1>, vector<32x8x224xi32>
    %add3A_730 = arith.addi %add3A_692, %select_n3A_729 : vector<32x8x224xi32>
    %mul3A_731 = arith.constant 5 : i32
    %mul3A_732 = vector.broadcast %mul3A_731 : i32 to vector<32x8x224xi32>
    %mul3A_733 = arith.muli %select_n3A_724, %mul3A_732 : vector<32x8x224xi32>
    %shift_left3A_734 = arith.shli %broadcast_in_dim3A_21, %mul3A_733 : vector<32x8x224xi32>
    %select_n3A_735 = arith.select %ge3A_715, %shift_left3A_734, %broadcast_in_dim3A_23 : vector<32x8x224xi1>, vector<32x8x224xi32>
    %add3A_736 = arith.addi %add3A_698, %select_n3A_735 : vector<32x8x224xi32>
    %slice3A_737 = vector.extract_strided_slice %get3A_4 {offsets = [0, 152, 0], sizes = [32, 8, 224], strides = [1, 1, 1]} : vector<32x224x224xf32> to vector<32x8x224xf32>
    %tanh3A_738 = math.tanh %slice3A_737 : vector<32x8x224xf32>
    %mul3A_739 = arith.constant 1.000000e+01 : f32
    %mul3A_740 = vector.broadcast %mul3A_739 : f32 to vector<32x8x224xf32>
    %mul3A_741 = arith.mulf %tanh3A_738, %mul3A_740 : vector<32x8x224xf32>
    %round3A_742 = math.roundeven %mul3A_741 : vector<32x8x224xf32>
    %convert_element_type3A_743 = arith.fptosi %round3A_742 : vector<32x8x224xf32> to vector<32x8x224xi32>
    %ge3A_744 = arith.constant 0 : i32
    %ge3A_745 = vector.broadcast %ge3A_744 : i32 to vector<32x8x224xi32>
    %ge3A_746 = arith.cmpi sge, %convert_element_type3A_743, %ge3A_745 : vector<32x8x224xi32>
    %lt3A_747 = arith.constant 5 : i32
    %lt3A_748 = vector.broadcast %lt3A_747 : i32 to vector<32x8x224xi32>
    %lt3A_749 = arith.cmpi slt, %convert_element_type3A_743, %lt3A_748 : vector<32x8x224xi32>
    %and3A_750 = arith.andi %ge3A_746, %lt3A_749 : vector<32x8x224xi1>
    %ge3A_751 = arith.constant 5 : i32
    %ge3A_752 = vector.broadcast %ge3A_751 : i32 to vector<32x8x224xi32>
    %ge3A_753 = arith.cmpi sge, %convert_element_type3A_743, %ge3A_752 : vector<32x8x224xi32>
    %jit3A_754 = arith.constant 0 : i32
    %broadcast_in_dim3A_755 = vector.broadcast %jit3A_754 : i32 to vector<32x8x224xi32>
    %select_n3A_756 = arith.select %and3A_750, %convert_element_type3A_743, %broadcast_in_dim3A_755 : vector<32x8x224xi1>, vector<32x8x224xi32>
    %sub3A_757 = arith.constant 5 : i32
    %sub3A_758 = vector.broadcast %sub3A_757 : i32 to vector<32x8x224xi32>
    %sub3A_759 = arith.subi %convert_element_type3A_743, %sub3A_758 : vector<32x8x224xi32>
    %jit3A_760 = arith.constant 0 : i32
    %broadcast_in_dim3A_761 = vector.broadcast %jit3A_760 : i32 to vector<32x8x224xi32>
    %select_n3A_762 = arith.select %ge3A_753, %sub3A_759, %broadcast_in_dim3A_761 : vector<32x8x224xi1>, vector<32x8x224xi32>
    %mul3A_763 = arith.constant 6 : i32
    %mul3A_764 = vector.broadcast %mul3A_763 : i32 to vector<32x8x224xi32>
    %mul3A_765 = arith.muli %select_n3A_756, %mul3A_764 : vector<32x8x224xi32>
    %shift_left3A_766 = arith.shli %broadcast_in_dim3A_21, %mul3A_765 : vector<32x8x224xi32>
    %select_n3A_767 = arith.select %and3A_750, %shift_left3A_766, %broadcast_in_dim3A_23 : vector<32x8x224xi1>, vector<32x8x224xi32>
    %add3A_768 = arith.addi %add3A_730, %select_n3A_767 : vector<32x8x224xi32>
    %mul3A_769 = arith.constant 5 : i32
    %mul3A_770 = vector.broadcast %mul3A_769 : i32 to vector<32x8x224xi32>
    %mul3A_771 = arith.muli %select_n3A_762, %mul3A_770 : vector<32x8x224xi32>
    %shift_left3A_772 = arith.shli %broadcast_in_dim3A_21, %mul3A_771 : vector<32x8x224xi32>
    %select_n3A_773 = arith.select %ge3A_753, %shift_left3A_772, %broadcast_in_dim3A_23 : vector<32x8x224xi1>, vector<32x8x224xi32>
    %add3A_774 = arith.addi %add3A_736, %select_n3A_773 : vector<32x8x224xi32>
    %slice3A_775 = vector.extract_strided_slice %get3A_4 {offsets = [0, 160, 0], sizes = [32, 8, 224], strides = [1, 1, 1]} : vector<32x224x224xf32> to vector<32x8x224xf32>
    %tanh3A_776 = math.tanh %slice3A_775 : vector<32x8x224xf32>
    %mul3A_777 = arith.constant 1.000000e+01 : f32
    %mul3A_778 = vector.broadcast %mul3A_777 : f32 to vector<32x8x224xf32>
    %mul3A_779 = arith.mulf %tanh3A_776, %mul3A_778 : vector<32x8x224xf32>
    %round3A_780 = math.roundeven %mul3A_779 : vector<32x8x224xf32>
    %convert_element_type3A_781 = arith.fptosi %round3A_780 : vector<32x8x224xf32> to vector<32x8x224xi32>
    %ge3A_782 = arith.constant 0 : i32
    %ge3A_783 = vector.broadcast %ge3A_782 : i32 to vector<32x8x224xi32>
    %ge3A_784 = arith.cmpi sge, %convert_element_type3A_781, %ge3A_783 : vector<32x8x224xi32>
    %lt3A_785 = arith.constant 5 : i32
    %lt3A_786 = vector.broadcast %lt3A_785 : i32 to vector<32x8x224xi32>
    %lt3A_787 = arith.cmpi slt, %convert_element_type3A_781, %lt3A_786 : vector<32x8x224xi32>
    %and3A_788 = arith.andi %ge3A_784, %lt3A_787 : vector<32x8x224xi1>
    %ge3A_789 = arith.constant 5 : i32
    %ge3A_790 = vector.broadcast %ge3A_789 : i32 to vector<32x8x224xi32>
    %ge3A_791 = arith.cmpi sge, %convert_element_type3A_781, %ge3A_790 : vector<32x8x224xi32>
    %jit3A_792 = arith.constant 0 : i32
    %broadcast_in_dim3A_793 = vector.broadcast %jit3A_792 : i32 to vector<32x8x224xi32>
    %select_n3A_794 = arith.select %and3A_788, %convert_element_type3A_781, %broadcast_in_dim3A_793 : vector<32x8x224xi1>, vector<32x8x224xi32>
    %sub3A_795 = arith.constant 5 : i32
    %sub3A_796 = vector.broadcast %sub3A_795 : i32 to vector<32x8x224xi32>
    %sub3A_797 = arith.subi %convert_element_type3A_781, %sub3A_796 : vector<32x8x224xi32>
    %jit3A_798 = arith.constant 0 : i32
    %broadcast_in_dim3A_799 = vector.broadcast %jit3A_798 : i32 to vector<32x8x224xi32>
    %select_n3A_800 = arith.select %ge3A_791, %sub3A_797, %broadcast_in_dim3A_799 : vector<32x8x224xi1>, vector<32x8x224xi32>
    %mul3A_801 = arith.constant 6 : i32
    %mul3A_802 = vector.broadcast %mul3A_801 : i32 to vector<32x8x224xi32>
    %mul3A_803 = arith.muli %select_n3A_794, %mul3A_802 : vector<32x8x224xi32>
    %shift_left3A_804 = arith.shli %broadcast_in_dim3A_21, %mul3A_803 : vector<32x8x224xi32>
    %select_n3A_805 = arith.select %and3A_788, %shift_left3A_804, %broadcast_in_dim3A_23 : vector<32x8x224xi1>, vector<32x8x224xi32>
    %add3A_806 = arith.addi %add3A_768, %select_n3A_805 : vector<32x8x224xi32>
    %mul3A_807 = arith.constant 5 : i32
    %mul3A_808 = vector.broadcast %mul3A_807 : i32 to vector<32x8x224xi32>
    %mul3A_809 = arith.muli %select_n3A_800, %mul3A_808 : vector<32x8x224xi32>
    %shift_left3A_810 = arith.shli %broadcast_in_dim3A_21, %mul3A_809 : vector<32x8x224xi32>
    %select_n3A_811 = arith.select %ge3A_791, %shift_left3A_810, %broadcast_in_dim3A_23 : vector<32x8x224xi1>, vector<32x8x224xi32>
    %add3A_812 = arith.addi %add3A_774, %select_n3A_811 : vector<32x8x224xi32>
    %slice3A_813 = vector.extract_strided_slice %get3A_4 {offsets = [0, 168, 0], sizes = [32, 8, 224], strides = [1, 1, 1]} : vector<32x224x224xf32> to vector<32x8x224xf32>
    %tanh3A_814 = math.tanh %slice3A_813 : vector<32x8x224xf32>
    %mul3A_815 = arith.constant 1.000000e+01 : f32
    %mul3A_816 = vector.broadcast %mul3A_815 : f32 to vector<32x8x224xf32>
    %mul3A_817 = arith.mulf %tanh3A_814, %mul3A_816 : vector<32x8x224xf32>
    %round3A_818 = math.roundeven %mul3A_817 : vector<32x8x224xf32>
    %convert_element_type3A_819 = arith.fptosi %round3A_818 : vector<32x8x224xf32> to vector<32x8x224xi32>
    %ge3A_820 = arith.constant 0 : i32
    %ge3A_821 = vector.broadcast %ge3A_820 : i32 to vector<32x8x224xi32>
    %ge3A_822 = arith.cmpi sge, %convert_element_type3A_819, %ge3A_821 : vector<32x8x224xi32>
    %lt3A_823 = arith.constant 5 : i32
    %lt3A_824 = vector.broadcast %lt3A_823 : i32 to vector<32x8x224xi32>
    %lt3A_825 = arith.cmpi slt, %convert_element_type3A_819, %lt3A_824 : vector<32x8x224xi32>
    %and3A_826 = arith.andi %ge3A_822, %lt3A_825 : vector<32x8x224xi1>
    %ge3A_827 = arith.constant 5 : i32
    %ge3A_828 = vector.broadcast %ge3A_827 : i32 to vector<32x8x224xi32>
    %ge3A_829 = arith.cmpi sge, %convert_element_type3A_819, %ge3A_828 : vector<32x8x224xi32>
    %jit3A_830 = arith.constant 0 : i32
    %broadcast_in_dim3A_831 = vector.broadcast %jit3A_830 : i32 to vector<32x8x224xi32>
    %select_n3A_832 = arith.select %and3A_826, %convert_element_type3A_819, %broadcast_in_dim3A_831 : vector<32x8x224xi1>, vector<32x8x224xi32>
    %sub3A_833 = arith.constant 5 : i32
    %sub3A_834 = vector.broadcast %sub3A_833 : i32 to vector<32x8x224xi32>
    %sub3A_835 = arith.subi %convert_element_type3A_819, %sub3A_834 : vector<32x8x224xi32>
    %jit3A_836 = arith.constant 0 : i32
    %broadcast_in_dim3A_837 = vector.broadcast %jit3A_836 : i32 to vector<32x8x224xi32>
    %select_n3A_838 = arith.select %ge3A_829, %sub3A_835, %broadcast_in_dim3A_837 : vector<32x8x224xi1>, vector<32x8x224xi32>
    %mul3A_839 = arith.constant 6 : i32
    %mul3A_840 = vector.broadcast %mul3A_839 : i32 to vector<32x8x224xi32>
    %mul3A_841 = arith.muli %select_n3A_832, %mul3A_840 : vector<32x8x224xi32>
    %shift_left3A_842 = arith.shli %broadcast_in_dim3A_21, %mul3A_841 : vector<32x8x224xi32>
    %select_n3A_843 = arith.select %and3A_826, %shift_left3A_842, %broadcast_in_dim3A_23 : vector<32x8x224xi1>, vector<32x8x224xi32>
    %add3A_844 = arith.addi %add3A_806, %select_n3A_843 : vector<32x8x224xi32>
    %mul3A_845 = arith.constant 5 : i32
    %mul3A_846 = vector.broadcast %mul3A_845 : i32 to vector<32x8x224xi32>
    %mul3A_847 = arith.muli %select_n3A_838, %mul3A_846 : vector<32x8x224xi32>
    %shift_left3A_848 = arith.shli %broadcast_in_dim3A_21, %mul3A_847 : vector<32x8x224xi32>
    %select_n3A_849 = arith.select %ge3A_829, %shift_left3A_848, %broadcast_in_dim3A_23 : vector<32x8x224xi1>, vector<32x8x224xi32>
    %add3A_850 = arith.addi %add3A_812, %select_n3A_849 : vector<32x8x224xi32>
    %slice3A_851 = vector.extract_strided_slice %get3A_4 {offsets = [0, 176, 0], sizes = [32, 8, 224], strides = [1, 1, 1]} : vector<32x224x224xf32> to vector<32x8x224xf32>
    %tanh3A_852 = math.tanh %slice3A_851 : vector<32x8x224xf32>
    %mul3A_853 = arith.constant 1.000000e+01 : f32
    %mul3A_854 = vector.broadcast %mul3A_853 : f32 to vector<32x8x224xf32>
    %mul3A_855 = arith.mulf %tanh3A_852, %mul3A_854 : vector<32x8x224xf32>
    %round3A_856 = math.roundeven %mul3A_855 : vector<32x8x224xf32>
    %convert_element_type3A_857 = arith.fptosi %round3A_856 : vector<32x8x224xf32> to vector<32x8x224xi32>
    %ge3A_858 = arith.constant 0 : i32
    %ge3A_859 = vector.broadcast %ge3A_858 : i32 to vector<32x8x224xi32>
    %ge3A_860 = arith.cmpi sge, %convert_element_type3A_857, %ge3A_859 : vector<32x8x224xi32>
    %lt3A_861 = arith.constant 5 : i32
    %lt3A_862 = vector.broadcast %lt3A_861 : i32 to vector<32x8x224xi32>
    %lt3A_863 = arith.cmpi slt, %convert_element_type3A_857, %lt3A_862 : vector<32x8x224xi32>
    %and3A_864 = arith.andi %ge3A_860, %lt3A_863 : vector<32x8x224xi1>
    %ge3A_865 = arith.constant 5 : i32
    %ge3A_866 = vector.broadcast %ge3A_865 : i32 to vector<32x8x224xi32>
    %ge3A_867 = arith.cmpi sge, %convert_element_type3A_857, %ge3A_866 : vector<32x8x224xi32>
    %jit3A_868 = arith.constant 0 : i32
    %broadcast_in_dim3A_869 = vector.broadcast %jit3A_868 : i32 to vector<32x8x224xi32>
    %select_n3A_870 = arith.select %and3A_864, %convert_element_type3A_857, %broadcast_in_dim3A_869 : vector<32x8x224xi1>, vector<32x8x224xi32>
    %sub3A_871 = arith.constant 5 : i32
    %sub3A_872 = vector.broadcast %sub3A_871 : i32 to vector<32x8x224xi32>
    %sub3A_873 = arith.subi %convert_element_type3A_857, %sub3A_872 : vector<32x8x224xi32>
    %jit3A_874 = arith.constant 0 : i32
    %broadcast_in_dim3A_875 = vector.broadcast %jit3A_874 : i32 to vector<32x8x224xi32>
    %select_n3A_876 = arith.select %ge3A_867, %sub3A_873, %broadcast_in_dim3A_875 : vector<32x8x224xi1>, vector<32x8x224xi32>
    %mul3A_877 = arith.constant 6 : i32
    %mul3A_878 = vector.broadcast %mul3A_877 : i32 to vector<32x8x224xi32>
    %mul3A_879 = arith.muli %select_n3A_870, %mul3A_878 : vector<32x8x224xi32>
    %shift_left3A_880 = arith.shli %broadcast_in_dim3A_21, %mul3A_879 : vector<32x8x224xi32>
    %select_n3A_881 = arith.select %and3A_864, %shift_left3A_880, %broadcast_in_dim3A_23 : vector<32x8x224xi1>, vector<32x8x224xi32>
    %add3A_882 = arith.addi %add3A_844, %select_n3A_881 : vector<32x8x224xi32>
    %mul3A_883 = arith.constant 5 : i32
    %mul3A_884 = vector.broadcast %mul3A_883 : i32 to vector<32x8x224xi32>
    %mul3A_885 = arith.muli %select_n3A_876, %mul3A_884 : vector<32x8x224xi32>
    %shift_left3A_886 = arith.shli %broadcast_in_dim3A_21, %mul3A_885 : vector<32x8x224xi32>
    %select_n3A_887 = arith.select %ge3A_867, %shift_left3A_886, %broadcast_in_dim3A_23 : vector<32x8x224xi1>, vector<32x8x224xi32>
    %add3A_888 = arith.addi %add3A_850, %select_n3A_887 : vector<32x8x224xi32>
    %slice3A_889 = vector.extract_strided_slice %get3A_4 {offsets = [0, 184, 0], sizes = [32, 8, 224], strides = [1, 1, 1]} : vector<32x224x224xf32> to vector<32x8x224xf32>
    %tanh3A_890 = math.tanh %slice3A_889 : vector<32x8x224xf32>
    %mul3A_891 = arith.constant 1.000000e+01 : f32
    %mul3A_892 = vector.broadcast %mul3A_891 : f32 to vector<32x8x224xf32>
    %mul3A_893 = arith.mulf %tanh3A_890, %mul3A_892 : vector<32x8x224xf32>
    %round3A_894 = math.roundeven %mul3A_893 : vector<32x8x224xf32>
    %convert_element_type3A_895 = arith.fptosi %round3A_894 : vector<32x8x224xf32> to vector<32x8x224xi32>
    %ge3A_896 = arith.constant 0 : i32
    %ge3A_897 = vector.broadcast %ge3A_896 : i32 to vector<32x8x224xi32>
    %ge3A_898 = arith.cmpi sge, %convert_element_type3A_895, %ge3A_897 : vector<32x8x224xi32>
    %lt3A_899 = arith.constant 5 : i32
    %lt3A_900 = vector.broadcast %lt3A_899 : i32 to vector<32x8x224xi32>
    %lt3A_901 = arith.cmpi slt, %convert_element_type3A_895, %lt3A_900 : vector<32x8x224xi32>
    %and3A_902 = arith.andi %ge3A_898, %lt3A_901 : vector<32x8x224xi1>
    %ge3A_903 = arith.constant 5 : i32
    %ge3A_904 = vector.broadcast %ge3A_903 : i32 to vector<32x8x224xi32>
    %ge3A_905 = arith.cmpi sge, %convert_element_type3A_895, %ge3A_904 : vector<32x8x224xi32>
    %jit3A_906 = arith.constant 0 : i32
    %broadcast_in_dim3A_907 = vector.broadcast %jit3A_906 : i32 to vector<32x8x224xi32>
    %select_n3A_908 = arith.select %and3A_902, %convert_element_type3A_895, %broadcast_in_dim3A_907 : vector<32x8x224xi1>, vector<32x8x224xi32>
    %sub3A_909 = arith.constant 5 : i32
    %sub3A_910 = vector.broadcast %sub3A_909 : i32 to vector<32x8x224xi32>
    %sub3A_911 = arith.subi %convert_element_type3A_895, %sub3A_910 : vector<32x8x224xi32>
    %jit3A_912 = arith.constant 0 : i32
    %broadcast_in_dim3A_913 = vector.broadcast %jit3A_912 : i32 to vector<32x8x224xi32>
    %select_n3A_914 = arith.select %ge3A_905, %sub3A_911, %broadcast_in_dim3A_913 : vector<32x8x224xi1>, vector<32x8x224xi32>
    %mul3A_915 = arith.constant 6 : i32
    %mul3A_916 = vector.broadcast %mul3A_915 : i32 to vector<32x8x224xi32>
    %mul3A_917 = arith.muli %select_n3A_908, %mul3A_916 : vector<32x8x224xi32>
    %shift_left3A_918 = arith.shli %broadcast_in_dim3A_21, %mul3A_917 : vector<32x8x224xi32>
    %select_n3A_919 = arith.select %and3A_902, %shift_left3A_918, %broadcast_in_dim3A_23 : vector<32x8x224xi1>, vector<32x8x224xi32>
    %add3A_920 = arith.addi %add3A_882, %select_n3A_919 : vector<32x8x224xi32>
    %mul3A_921 = arith.constant 5 : i32
    %mul3A_922 = vector.broadcast %mul3A_921 : i32 to vector<32x8x224xi32>
    %mul3A_923 = arith.muli %select_n3A_914, %mul3A_922 : vector<32x8x224xi32>
    %shift_left3A_924 = arith.shli %broadcast_in_dim3A_21, %mul3A_923 : vector<32x8x224xi32>
    %select_n3A_925 = arith.select %ge3A_905, %shift_left3A_924, %broadcast_in_dim3A_23 : vector<32x8x224xi1>, vector<32x8x224xi32>
    %add3A_926 = arith.addi %add3A_888, %select_n3A_925 : vector<32x8x224xi32>
    %slice3A_927 = vector.extract_strided_slice %get3A_4 {offsets = [0, 192, 0], sizes = [32, 8, 224], strides = [1, 1, 1]} : vector<32x224x224xf32> to vector<32x8x224xf32>
    %tanh3A_928 = math.tanh %slice3A_927 : vector<32x8x224xf32>
    %mul3A_929 = arith.constant 1.000000e+01 : f32
    %mul3A_930 = vector.broadcast %mul3A_929 : f32 to vector<32x8x224xf32>
    %mul3A_931 = arith.mulf %tanh3A_928, %mul3A_930 : vector<32x8x224xf32>
    %round3A_932 = math.roundeven %mul3A_931 : vector<32x8x224xf32>
    %convert_element_type3A_933 = arith.fptosi %round3A_932 : vector<32x8x224xf32> to vector<32x8x224xi32>
    %ge3A_934 = arith.constant 0 : i32
    %ge3A_935 = vector.broadcast %ge3A_934 : i32 to vector<32x8x224xi32>
    %ge3A_936 = arith.cmpi sge, %convert_element_type3A_933, %ge3A_935 : vector<32x8x224xi32>
    %lt3A_937 = arith.constant 5 : i32
    %lt3A_938 = vector.broadcast %lt3A_937 : i32 to vector<32x8x224xi32>
    %lt3A_939 = arith.cmpi slt, %convert_element_type3A_933, %lt3A_938 : vector<32x8x224xi32>
    %and3A_940 = arith.andi %ge3A_936, %lt3A_939 : vector<32x8x224xi1>
    %ge3A_941 = arith.constant 5 : i32
    %ge3A_942 = vector.broadcast %ge3A_941 : i32 to vector<32x8x224xi32>
    %ge3A_943 = arith.cmpi sge, %convert_element_type3A_933, %ge3A_942 : vector<32x8x224xi32>
    %jit3A_944 = arith.constant 0 : i32
    %broadcast_in_dim3A_945 = vector.broadcast %jit3A_944 : i32 to vector<32x8x224xi32>
    %select_n3A_946 = arith.select %and3A_940, %convert_element_type3A_933, %broadcast_in_dim3A_945 : vector<32x8x224xi1>, vector<32x8x224xi32>
    %sub3A_947 = arith.constant 5 : i32
    %sub3A_948 = vector.broadcast %sub3A_947 : i32 to vector<32x8x224xi32>
    %sub3A_949 = arith.subi %convert_element_type3A_933, %sub3A_948 : vector<32x8x224xi32>
    %jit3A_950 = arith.constant 0 : i32
    %broadcast_in_dim3A_951 = vector.broadcast %jit3A_950 : i32 to vector<32x8x224xi32>
    %select_n3A_952 = arith.select %ge3A_943, %sub3A_949, %broadcast_in_dim3A_951 : vector<32x8x224xi1>, vector<32x8x224xi32>
    %mul3A_953 = arith.constant 6 : i32
    %mul3A_954 = vector.broadcast %mul3A_953 : i32 to vector<32x8x224xi32>
    %mul3A_955 = arith.muli %select_n3A_946, %mul3A_954 : vector<32x8x224xi32>
    %shift_left3A_956 = arith.shli %broadcast_in_dim3A_21, %mul3A_955 : vector<32x8x224xi32>
    %select_n3A_957 = arith.select %and3A_940, %shift_left3A_956, %broadcast_in_dim3A_23 : vector<32x8x224xi1>, vector<32x8x224xi32>
    %add3A_958 = arith.addi %add3A_920, %select_n3A_957 : vector<32x8x224xi32>
    %mul3A_959 = arith.constant 5 : i32
    %mul3A_960 = vector.broadcast %mul3A_959 : i32 to vector<32x8x224xi32>
    %mul3A_961 = arith.muli %select_n3A_952, %mul3A_960 : vector<32x8x224xi32>
    %shift_left3A_962 = arith.shli %broadcast_in_dim3A_21, %mul3A_961 : vector<32x8x224xi32>
    %select_n3A_963 = arith.select %ge3A_943, %shift_left3A_962, %broadcast_in_dim3A_23 : vector<32x8x224xi1>, vector<32x8x224xi32>
    %add3A_964 = arith.addi %add3A_926, %select_n3A_963 : vector<32x8x224xi32>
    %slice3A_965 = vector.extract_strided_slice %get3A_4 {offsets = [0, 200, 0], sizes = [32, 8, 224], strides = [1, 1, 1]} : vector<32x224x224xf32> to vector<32x8x224xf32>
    %tanh3A_966 = math.tanh %slice3A_965 : vector<32x8x224xf32>
    %mul3A_967 = arith.constant 1.000000e+01 : f32
    %mul3A_968 = vector.broadcast %mul3A_967 : f32 to vector<32x8x224xf32>
    %mul3A_969 = arith.mulf %tanh3A_966, %mul3A_968 : vector<32x8x224xf32>
    %round3A_970 = math.roundeven %mul3A_969 : vector<32x8x224xf32>
    %convert_element_type3A_971 = arith.fptosi %round3A_970 : vector<32x8x224xf32> to vector<32x8x224xi32>
    %ge3A_972 = arith.constant 0 : i32
    %ge3A_973 = vector.broadcast %ge3A_972 : i32 to vector<32x8x224xi32>
    %ge3A_974 = arith.cmpi sge, %convert_element_type3A_971, %ge3A_973 : vector<32x8x224xi32>
    %lt3A_975 = arith.constant 5 : i32
    %lt3A_976 = vector.broadcast %lt3A_975 : i32 to vector<32x8x224xi32>
    %lt3A_977 = arith.cmpi slt, %convert_element_type3A_971, %lt3A_976 : vector<32x8x224xi32>
    %and3A_978 = arith.andi %ge3A_974, %lt3A_977 : vector<32x8x224xi1>
    %ge3A_979 = arith.constant 5 : i32
    %ge3A_980 = vector.broadcast %ge3A_979 : i32 to vector<32x8x224xi32>
    %ge3A_981 = arith.cmpi sge, %convert_element_type3A_971, %ge3A_980 : vector<32x8x224xi32>
    %jit3A_982 = arith.constant 0 : i32
    %broadcast_in_dim3A_983 = vector.broadcast %jit3A_982 : i32 to vector<32x8x224xi32>
    %select_n3A_984 = arith.select %and3A_978, %convert_element_type3A_971, %broadcast_in_dim3A_983 : vector<32x8x224xi1>, vector<32x8x224xi32>
    %sub3A_985 = arith.constant 5 : i32
    %sub3A_986 = vector.broadcast %sub3A_985 : i32 to vector<32x8x224xi32>
    %sub3A_987 = arith.subi %convert_element_type3A_971, %sub3A_986 : vector<32x8x224xi32>
    %jit3A_988 = arith.constant 0 : i32
    %broadcast_in_dim3A_989 = vector.broadcast %jit3A_988 : i32 to vector<32x8x224xi32>
    %select_n3A_990 = arith.select %ge3A_981, %sub3A_987, %broadcast_in_dim3A_989 : vector<32x8x224xi1>, vector<32x8x224xi32>
    %mul3A_991 = arith.constant 6 : i32
    %mul3A_992 = vector.broadcast %mul3A_991 : i32 to vector<32x8x224xi32>
    %mul3A_993 = arith.muli %select_n3A_984, %mul3A_992 : vector<32x8x224xi32>
    %shift_left3A_994 = arith.shli %broadcast_in_dim3A_21, %mul3A_993 : vector<32x8x224xi32>
    %select_n3A_995 = arith.select %and3A_978, %shift_left3A_994, %broadcast_in_dim3A_23 : vector<32x8x224xi1>, vector<32x8x224xi32>
    %add3A_996 = arith.addi %add3A_958, %select_n3A_995 : vector<32x8x224xi32>
    %mul3A_997 = arith.constant 5 : i32
    %mul3A_998 = vector.broadcast %mul3A_997 : i32 to vector<32x8x224xi32>
    %mul3A_999 = arith.muli %select_n3A_990, %mul3A_998 : vector<32x8x224xi32>
    %shift_left3A_1000 = arith.shli %broadcast_in_dim3A_21, %mul3A_999 : vector<32x8x224xi32>
    %select_n3A_1001 = arith.select %ge3A_981, %shift_left3A_1000, %broadcast_in_dim3A_23 : vector<32x8x224xi1>, vector<32x8x224xi32>
    %add3A_1002 = arith.addi %add3A_964, %select_n3A_1001 : vector<32x8x224xi32>
    %slice3A_1003 = vector.extract_strided_slice %get3A_4 {offsets = [0, 208, 0], sizes = [32, 8, 224], strides = [1, 1, 1]} : vector<32x224x224xf32> to vector<32x8x224xf32>
    %tanh3A_1004 = math.tanh %slice3A_1003 : vector<32x8x224xf32>
    %mul3A_1005 = arith.constant 1.000000e+01 : f32
    %mul3A_1006 = vector.broadcast %mul3A_1005 : f32 to vector<32x8x224xf32>
    %mul3A_1007 = arith.mulf %tanh3A_1004, %mul3A_1006 : vector<32x8x224xf32>
    %round3A_1008 = math.roundeven %mul3A_1007 : vector<32x8x224xf32>
    %convert_element_type3A_1009 = arith.fptosi %round3A_1008 : vector<32x8x224xf32> to vector<32x8x224xi32>
    %ge3A_1010 = arith.constant 0 : i32
    %ge3A_1011 = vector.broadcast %ge3A_1010 : i32 to vector<32x8x224xi32>
    %ge3A_1012 = arith.cmpi sge, %convert_element_type3A_1009, %ge3A_1011 : vector<32x8x224xi32>
    %lt3A_1013 = arith.constant 5 : i32
    %lt3A_1014 = vector.broadcast %lt3A_1013 : i32 to vector<32x8x224xi32>
    %lt3A_1015 = arith.cmpi slt, %convert_element_type3A_1009, %lt3A_1014 : vector<32x8x224xi32>
    %and3A_1016 = arith.andi %ge3A_1012, %lt3A_1015 : vector<32x8x224xi1>
    %ge3A_1017 = arith.constant 5 : i32
    %ge3A_1018 = vector.broadcast %ge3A_1017 : i32 to vector<32x8x224xi32>
    %ge3A_1019 = arith.cmpi sge, %convert_element_type3A_1009, %ge3A_1018 : vector<32x8x224xi32>
    %jit3A_1020 = arith.constant 0 : i32
    %broadcast_in_dim3A_1021 = vector.broadcast %jit3A_1020 : i32 to vector<32x8x224xi32>
    %select_n3A_1022 = arith.select %and3A_1016, %convert_element_type3A_1009, %broadcast_in_dim3A_1021 : vector<32x8x224xi1>, vector<32x8x224xi32>
    %sub3A_1023 = arith.constant 5 : i32
    %sub3A_1024 = vector.broadcast %sub3A_1023 : i32 to vector<32x8x224xi32>
    %sub3A_1025 = arith.subi %convert_element_type3A_1009, %sub3A_1024 : vector<32x8x224xi32>
    %jit3A_1026 = arith.constant 0 : i32
    %broadcast_in_dim3A_1027 = vector.broadcast %jit3A_1026 : i32 to vector<32x8x224xi32>
    %select_n3A_1028 = arith.select %ge3A_1019, %sub3A_1025, %broadcast_in_dim3A_1027 : vector<32x8x224xi1>, vector<32x8x224xi32>
    %mul3A_1029 = arith.constant 6 : i32
    %mul3A_1030 = vector.broadcast %mul3A_1029 : i32 to vector<32x8x224xi32>
    %mul3A_1031 = arith.muli %select_n3A_1022, %mul3A_1030 : vector<32x8x224xi32>
    %shift_left3A_1032 = arith.shli %broadcast_in_dim3A_21, %mul3A_1031 : vector<32x8x224xi32>
    %select_n3A_1033 = arith.select %and3A_1016, %shift_left3A_1032, %broadcast_in_dim3A_23 : vector<32x8x224xi1>, vector<32x8x224xi32>
    %add3A_1034 = arith.addi %add3A_996, %select_n3A_1033 : vector<32x8x224xi32>
    %mul3A_1035 = arith.constant 5 : i32
    %mul3A_1036 = vector.broadcast %mul3A_1035 : i32 to vector<32x8x224xi32>
    %mul3A_1037 = arith.muli %select_n3A_1028, %mul3A_1036 : vector<32x8x224xi32>
    %shift_left3A_1038 = arith.shli %broadcast_in_dim3A_21, %mul3A_1037 : vector<32x8x224xi32>
    %select_n3A_1039 = arith.select %ge3A_1019, %shift_left3A_1038, %broadcast_in_dim3A_23 : vector<32x8x224xi1>, vector<32x8x224xi32>
    %add3A_1040 = arith.addi %add3A_1002, %select_n3A_1039 : vector<32x8x224xi32>
    %slice3A_1041 = vector.extract_strided_slice %get3A_4 {offsets = [0, 216, 0], sizes = [32, 8, 224], strides = [1, 1, 1]} : vector<32x224x224xf32> to vector<32x8x224xf32>
    %tanh3A_1042 = math.tanh %slice3A_1041 : vector<32x8x224xf32>
    %mul3A_1043 = arith.constant 1.000000e+01 : f32
    %mul3A_1044 = vector.broadcast %mul3A_1043 : f32 to vector<32x8x224xf32>
    %mul3A_1045 = arith.mulf %tanh3A_1042, %mul3A_1044 : vector<32x8x224xf32>
    %round3A_1046 = math.roundeven %mul3A_1045 : vector<32x8x224xf32>
    %convert_element_type3A_1047 = arith.fptosi %round3A_1046 : vector<32x8x224xf32> to vector<32x8x224xi32>
    %ge3A_1048 = arith.constant 0 : i32
    %ge3A_1049 = vector.broadcast %ge3A_1048 : i32 to vector<32x8x224xi32>
    %ge3A_1050 = arith.cmpi sge, %convert_element_type3A_1047, %ge3A_1049 : vector<32x8x224xi32>
    %lt3A_1051 = arith.constant 5 : i32
    %lt3A_1052 = vector.broadcast %lt3A_1051 : i32 to vector<32x8x224xi32>
    %lt3A_1053 = arith.cmpi slt, %convert_element_type3A_1047, %lt3A_1052 : vector<32x8x224xi32>
    %and3A_1054 = arith.andi %ge3A_1050, %lt3A_1053 : vector<32x8x224xi1>
    %ge3A_1055 = arith.constant 5 : i32
    %ge3A_1056 = vector.broadcast %ge3A_1055 : i32 to vector<32x8x224xi32>
    %ge3A_1057 = arith.cmpi sge, %convert_element_type3A_1047, %ge3A_1056 : vector<32x8x224xi32>
    %jit3A_1058 = arith.constant 0 : i32
    %broadcast_in_dim3A_1059 = vector.broadcast %jit3A_1058 : i32 to vector<32x8x224xi32>
    %select_n3A_1060 = arith.select %and3A_1054, %convert_element_type3A_1047, %broadcast_in_dim3A_1059 : vector<32x8x224xi1>, vector<32x8x224xi32>
    %sub3A_1061 = arith.constant 5 : i32
    %sub3A_1062 = vector.broadcast %sub3A_1061 : i32 to vector<32x8x224xi32>
    %sub3A_1063 = arith.subi %convert_element_type3A_1047, %sub3A_1062 : vector<32x8x224xi32>
    %jit3A_1064 = arith.constant 0 : i32
    %broadcast_in_dim3A_1065 = vector.broadcast %jit3A_1064 : i32 to vector<32x8x224xi32>
    %select_n3A_1066 = arith.select %ge3A_1057, %sub3A_1063, %broadcast_in_dim3A_1065 : vector<32x8x224xi1>, vector<32x8x224xi32>
    %mul3A_1067 = arith.constant 6 : i32
    %mul3A_1068 = vector.broadcast %mul3A_1067 : i32 to vector<32x8x224xi32>
    %mul3A_1069 = arith.muli %select_n3A_1060, %mul3A_1068 : vector<32x8x224xi32>
    %shift_left3A_1070 = arith.shli %broadcast_in_dim3A_21, %mul3A_1069 : vector<32x8x224xi32>
    %select_n3A_1071 = arith.select %and3A_1054, %shift_left3A_1070, %broadcast_in_dim3A_23 : vector<32x8x224xi1>, vector<32x8x224xi32>
    %add3A_1072 = arith.addi %add3A_1034, %select_n3A_1071 : vector<32x8x224xi32>
    %mul3A_1073 = arith.constant 5 : i32
    %mul3A_1074 = vector.broadcast %mul3A_1073 : i32 to vector<32x8x224xi32>
    %mul3A_1075 = arith.muli %select_n3A_1066, %mul3A_1074 : vector<32x8x224xi32>
    %shift_left3A_1076 = arith.shli %broadcast_in_dim3A_21, %mul3A_1075 : vector<32x8x224xi32>
    %select_n3A_1077 = arith.select %ge3A_1057, %shift_left3A_1076, %broadcast_in_dim3A_23 : vector<32x8x224xi1>, vector<32x8x224xi32>
    %add3A_1078 = arith.addi %add3A_1040, %select_n3A_1077 : vector<32x8x224xi32>
    %shift_right_arithmetic3A = arith.constant 0 : i32
    %shift_right_arithmetic3A_1079 = vector.broadcast %shift_right_arithmetic3A : i32 to vector<32x8x224xi32>
    %shift_right_arithmetic3A_1080 = arith.shrsi %add3A_1072, %shift_right_arithmetic3A_1079 : vector<32x8x224xi32>
    %and3A_1081 = arith.constant 63 : i32
    %and3A_1082 = vector.broadcast %and3A_1081 : i32 to vector<32x8x224xi32>
    %and3A_1083 = arith.andi %shift_right_arithmetic3A_1080, %and3A_1082 : vector<32x8x224xi32>
    %convert_element_type3A_1084 = arith.sitofp %and3A_1083 : vector<32x8x224xi32> to vector<32x8x224xf32>
    %reduce_sum3A_1085 = arith.constant dense<0.000000e+00> : vector<32xf32>
    %reduce_sum3A_1086 = vector.multi_reduction <add>, %convert_element_type3A_1084, %reduce_sum3A_1085 [1, 2] : vector<32x8x224xf32> to vector<32xf32>
    %eq3A_1087 = arith.constant 1 : i32
    %eq3A_1088 = vector.broadcast %eq3A_1087 : i32 to vector<32x16xi32>
    %eq3A_1089 = arith.cmpi eq, %iota3A, %eq3A_1088 : vector<32x16xi32>
    %broadcast_in_dim3A_1090 = vector.shape_cast %reduce_sum3A_1086 : vector<32xf32> to vector<32x1xf32>
    %broadcast_in_dim3A_1091 = vector.shape_cast %broadcast_in_dim3A_1090 : vector<32x1xf32> to vector<32x1xf32>
    %broadcast_in_dim3A_1092 = vector.broadcast %broadcast_in_dim3A_1091 : vector<32x1xf32> to vector<32x16xf32>
    %select_n3A_1093 = arith.select %eq3A_1089, %broadcast_in_dim3A_1092, %select_n3A : vector<32x16xi1>, vector<32x16xf32>
    %shift_right_arithmetic3A_1094 = arith.constant 6 : i32
    %shift_right_arithmetic3A_1095 = vector.broadcast %shift_right_arithmetic3A_1094 : i32 to vector<32x8x224xi32>
    %shift_right_arithmetic3A_1096 = arith.shrsi %add3A_1072, %shift_right_arithmetic3A_1095 : vector<32x8x224xi32>
    %and3A_1097 = arith.constant 63 : i32
    %and3A_1098 = vector.broadcast %and3A_1097 : i32 to vector<32x8x224xi32>
    %and3A_1099 = arith.andi %shift_right_arithmetic3A_1096, %and3A_1098 : vector<32x8x224xi32>
    %convert_element_type3A_1100 = arith.sitofp %and3A_1099 : vector<32x8x224xi32> to vector<32x8x224xf32>
    %reduce_sum3A_1101 = arith.constant dense<0.000000e+00> : vector<32xf32>
    %reduce_sum3A_1102 = vector.multi_reduction <add>, %convert_element_type3A_1100, %reduce_sum3A_1101 [1, 2] : vector<32x8x224xf32> to vector<32xf32>
    %eq3A_1103 = arith.constant 2 : i32
    %eq3A_1104 = vector.broadcast %eq3A_1103 : i32 to vector<32x16xi32>
    %eq3A_1105 = arith.cmpi eq, %iota3A, %eq3A_1104 : vector<32x16xi32>
    %broadcast_in_dim3A_1106 = vector.shape_cast %reduce_sum3A_1102 : vector<32xf32> to vector<32x1xf32>
    %broadcast_in_dim3A_1107 = vector.shape_cast %broadcast_in_dim3A_1106 : vector<32x1xf32> to vector<32x1xf32>
    %broadcast_in_dim3A_1108 = vector.broadcast %broadcast_in_dim3A_1107 : vector<32x1xf32> to vector<32x16xf32>
    %select_n3A_1109 = arith.select %eq3A_1105, %broadcast_in_dim3A_1108, %select_n3A_1093 : vector<32x16xi1>, vector<32x16xf32>
    %shift_right_arithmetic3A_1110 = arith.constant 12 : i32
    %shift_right_arithmetic3A_1111 = vector.broadcast %shift_right_arithmetic3A_1110 : i32 to vector<32x8x224xi32>
    %shift_right_arithmetic3A_1112 = arith.shrsi %add3A_1072, %shift_right_arithmetic3A_1111 : vector<32x8x224xi32>
    %and3A_1113 = arith.constant 63 : i32
    %and3A_1114 = vector.broadcast %and3A_1113 : i32 to vector<32x8x224xi32>
    %and3A_1115 = arith.andi %shift_right_arithmetic3A_1112, %and3A_1114 : vector<32x8x224xi32>
    %convert_element_type3A_1116 = arith.sitofp %and3A_1115 : vector<32x8x224xi32> to vector<32x8x224xf32>
    %reduce_sum3A_1117 = arith.constant dense<0.000000e+00> : vector<32xf32>
    %reduce_sum3A_1118 = vector.multi_reduction <add>, %convert_element_type3A_1116, %reduce_sum3A_1117 [1, 2] : vector<32x8x224xf32> to vector<32xf32>
    %eq3A_1119 = arith.constant 3 : i32
    %eq3A_1120 = vector.broadcast %eq3A_1119 : i32 to vector<32x16xi32>
    %eq3A_1121 = arith.cmpi eq, %iota3A, %eq3A_1120 : vector<32x16xi32>
    %broadcast_in_dim3A_1122 = vector.shape_cast %reduce_sum3A_1118 : vector<32xf32> to vector<32x1xf32>
    %broadcast_in_dim3A_1123 = vector.shape_cast %broadcast_in_dim3A_1122 : vector<32x1xf32> to vector<32x1xf32>
    %broadcast_in_dim3A_1124 = vector.broadcast %broadcast_in_dim3A_1123 : vector<32x1xf32> to vector<32x16xf32>
    %select_n3A_1125 = arith.select %eq3A_1121, %broadcast_in_dim3A_1124, %select_n3A_1109 : vector<32x16xi1>, vector<32x16xf32>
    %shift_right_arithmetic3A_1126 = arith.constant 18 : i32
    %shift_right_arithmetic3A_1127 = vector.broadcast %shift_right_arithmetic3A_1126 : i32 to vector<32x8x224xi32>
    %shift_right_arithmetic3A_1128 = arith.shrsi %add3A_1072, %shift_right_arithmetic3A_1127 : vector<32x8x224xi32>
    %and3A_1129 = arith.constant 63 : i32
    %and3A_1130 = vector.broadcast %and3A_1129 : i32 to vector<32x8x224xi32>
    %and3A_1131 = arith.andi %shift_right_arithmetic3A_1128, %and3A_1130 : vector<32x8x224xi32>
    %convert_element_type3A_1132 = arith.sitofp %and3A_1131 : vector<32x8x224xi32> to vector<32x8x224xf32>
    %reduce_sum3A_1133 = arith.constant dense<0.000000e+00> : vector<32xf32>
    %reduce_sum3A_1134 = vector.multi_reduction <add>, %convert_element_type3A_1132, %reduce_sum3A_1133 [1, 2] : vector<32x8x224xf32> to vector<32xf32>
    %eq3A_1135 = arith.constant 4 : i32
    %eq3A_1136 = vector.broadcast %eq3A_1135 : i32 to vector<32x16xi32>
    %eq3A_1137 = arith.cmpi eq, %iota3A, %eq3A_1136 : vector<32x16xi32>
    %broadcast_in_dim3A_1138 = vector.shape_cast %reduce_sum3A_1134 : vector<32xf32> to vector<32x1xf32>
    %broadcast_in_dim3A_1139 = vector.shape_cast %broadcast_in_dim3A_1138 : vector<32x1xf32> to vector<32x1xf32>
    %broadcast_in_dim3A_1140 = vector.broadcast %broadcast_in_dim3A_1139 : vector<32x1xf32> to vector<32x16xf32>
    %select_n3A_1141 = arith.select %eq3A_1137, %broadcast_in_dim3A_1140, %select_n3A_1125 : vector<32x16xi1>, vector<32x16xf32>
    %shift_right_arithmetic3A_1142 = arith.constant 24 : i32
    %shift_right_arithmetic3A_1143 = vector.broadcast %shift_right_arithmetic3A_1142 : i32 to vector<32x8x224xi32>
    %shift_right_arithmetic3A_1144 = arith.shrsi %add3A_1072, %shift_right_arithmetic3A_1143 : vector<32x8x224xi32>
    %and3A_1145 = arith.constant 63 : i32
    %and3A_1146 = vector.broadcast %and3A_1145 : i32 to vector<32x8x224xi32>
    %and3A_1147 = arith.andi %shift_right_arithmetic3A_1144, %and3A_1146 : vector<32x8x224xi32>
    %convert_element_type3A_1148 = arith.sitofp %and3A_1147 : vector<32x8x224xi32> to vector<32x8x224xf32>
    %reduce_sum3A_1149 = arith.constant dense<0.000000e+00> : vector<32xf32>
    %reduce_sum3A_1150 = vector.multi_reduction <add>, %convert_element_type3A_1148, %reduce_sum3A_1149 [1, 2] : vector<32x8x224xf32> to vector<32xf32>
    %eq3A_1151 = arith.constant 5 : i32
    %eq3A_1152 = vector.broadcast %eq3A_1151 : i32 to vector<32x16xi32>
    %eq3A_1153 = arith.cmpi eq, %iota3A, %eq3A_1152 : vector<32x16xi32>
    %broadcast_in_dim3A_1154 = vector.shape_cast %reduce_sum3A_1150 : vector<32xf32> to vector<32x1xf32>
    %broadcast_in_dim3A_1155 = vector.shape_cast %broadcast_in_dim3A_1154 : vector<32x1xf32> to vector<32x1xf32>
    %broadcast_in_dim3A_1156 = vector.broadcast %broadcast_in_dim3A_1155 : vector<32x1xf32> to vector<32x16xf32>
    %select_n3A_1157 = arith.select %eq3A_1153, %broadcast_in_dim3A_1156, %select_n3A_1141 : vector<32x16xi1>, vector<32x16xf32>
    %shift_right_arithmetic3A_1158 = arith.constant 0 : i32
    %shift_right_arithmetic3A_1159 = vector.broadcast %shift_right_arithmetic3A_1158 : i32 to vector<32x8x224xi32>
    %shift_right_arithmetic3A_1160 = arith.shrsi %add3A_1078, %shift_right_arithmetic3A_1159 : vector<32x8x224xi32>
    %and3A_1161 = arith.constant 31 : i32
    %and3A_1162 = vector.broadcast %and3A_1161 : i32 to vector<32x8x224xi32>
    %and3A_1163 = arith.andi %shift_right_arithmetic3A_1160, %and3A_1162 : vector<32x8x224xi32>
    %convert_element_type3A_1164 = arith.sitofp %and3A_1163 : vector<32x8x224xi32> to vector<32x8x224xf32>
    %reduce_sum3A_1165 = arith.constant dense<0.000000e+00> : vector<32xf32>
    %reduce_sum3A_1166 = vector.multi_reduction <add>, %convert_element_type3A_1164, %reduce_sum3A_1165 [1, 2] : vector<32x8x224xf32> to vector<32xf32>
    %eq3A_1167 = arith.constant 6 : i32
    %eq3A_1168 = vector.broadcast %eq3A_1167 : i32 to vector<32x16xi32>
    %eq3A_1169 = arith.cmpi eq, %iota3A, %eq3A_1168 : vector<32x16xi32>
    %broadcast_in_dim3A_1170 = vector.shape_cast %reduce_sum3A_1166 : vector<32xf32> to vector<32x1xf32>
    %broadcast_in_dim3A_1171 = vector.shape_cast %broadcast_in_dim3A_1170 : vector<32x1xf32> to vector<32x1xf32>
    %broadcast_in_dim3A_1172 = vector.broadcast %broadcast_in_dim3A_1171 : vector<32x1xf32> to vector<32x16xf32>
    %select_n3A_1173 = arith.select %eq3A_1169, %broadcast_in_dim3A_1172, %select_n3A_1157 : vector<32x16xi1>, vector<32x16xf32>
    %shift_right_arithmetic3A_1174 = arith.constant 5 : i32
    %shift_right_arithmetic3A_1175 = vector.broadcast %shift_right_arithmetic3A_1174 : i32 to vector<32x8x224xi32>
    %shift_right_arithmetic3A_1176 = arith.shrsi %add3A_1078, %shift_right_arithmetic3A_1175 : vector<32x8x224xi32>
    %and3A_1177 = arith.constant 31 : i32
    %and3A_1178 = vector.broadcast %and3A_1177 : i32 to vector<32x8x224xi32>
    %and3A_1179 = arith.andi %shift_right_arithmetic3A_1176, %and3A_1178 : vector<32x8x224xi32>
    %convert_element_type3A_1180 = arith.sitofp %and3A_1179 : vector<32x8x224xi32> to vector<32x8x224xf32>
    %reduce_sum3A_1181 = arith.constant dense<0.000000e+00> : vector<32xf32>
    %reduce_sum3A_1182 = vector.multi_reduction <add>, %convert_element_type3A_1180, %reduce_sum3A_1181 [1, 2] : vector<32x8x224xf32> to vector<32xf32>
    %eq3A_1183 = arith.constant 7 : i32
    %eq3A_1184 = vector.broadcast %eq3A_1183 : i32 to vector<32x16xi32>
    %eq3A_1185 = arith.cmpi eq, %iota3A, %eq3A_1184 : vector<32x16xi32>
    %broadcast_in_dim3A_1186 = vector.shape_cast %reduce_sum3A_1182 : vector<32xf32> to vector<32x1xf32>
    %broadcast_in_dim3A_1187 = vector.shape_cast %broadcast_in_dim3A_1186 : vector<32x1xf32> to vector<32x1xf32>
    %broadcast_in_dim3A_1188 = vector.broadcast %broadcast_in_dim3A_1187 : vector<32x1xf32> to vector<32x16xf32>
    %select_n3A_1189 = arith.select %eq3A_1185, %broadcast_in_dim3A_1188, %select_n3A_1173 : vector<32x16xi1>, vector<32x16xf32>
    %shift_right_arithmetic3A_1190 = arith.constant 10 : i32
    %shift_right_arithmetic3A_1191 = vector.broadcast %shift_right_arithmetic3A_1190 : i32 to vector<32x8x224xi32>
    %shift_right_arithmetic3A_1192 = arith.shrsi %add3A_1078, %shift_right_arithmetic3A_1191 : vector<32x8x224xi32>
    %and3A_1193 = arith.constant 31 : i32
    %and3A_1194 = vector.broadcast %and3A_1193 : i32 to vector<32x8x224xi32>
    %and3A_1195 = arith.andi %shift_right_arithmetic3A_1192, %and3A_1194 : vector<32x8x224xi32>
    %convert_element_type3A_1196 = arith.sitofp %and3A_1195 : vector<32x8x224xi32> to vector<32x8x224xf32>
    %reduce_sum3A_1197 = arith.constant dense<0.000000e+00> : vector<32xf32>
    %reduce_sum3A_1198 = vector.multi_reduction <add>, %convert_element_type3A_1196, %reduce_sum3A_1197 [1, 2] : vector<32x8x224xf32> to vector<32xf32>
    %eq3A_1199 = arith.constant 8 : i32
    %eq3A_1200 = vector.broadcast %eq3A_1199 : i32 to vector<32x16xi32>
    %eq3A_1201 = arith.cmpi eq, %iota3A, %eq3A_1200 : vector<32x16xi32>
    %broadcast_in_dim3A_1202 = vector.shape_cast %reduce_sum3A_1198 : vector<32xf32> to vector<32x1xf32>
    %broadcast_in_dim3A_1203 = vector.shape_cast %broadcast_in_dim3A_1202 : vector<32x1xf32> to vector<32x1xf32>
    %broadcast_in_dim3A_1204 = vector.broadcast %broadcast_in_dim3A_1203 : vector<32x1xf32> to vector<32x16xf32>
    %select_n3A_1205 = arith.select %eq3A_1201, %broadcast_in_dim3A_1204, %select_n3A_1189 : vector<32x16xi1>, vector<32x16xf32>
    %shift_right_arithmetic3A_1206 = arith.constant 15 : i32
    %shift_right_arithmetic3A_1207 = vector.broadcast %shift_right_arithmetic3A_1206 : i32 to vector<32x8x224xi32>
    %shift_right_arithmetic3A_1208 = arith.shrsi %add3A_1078, %shift_right_arithmetic3A_1207 : vector<32x8x224xi32>
    %and3A_1209 = arith.constant 31 : i32
    %and3A_1210 = vector.broadcast %and3A_1209 : i32 to vector<32x8x224xi32>
    %and3A_1211 = arith.andi %shift_right_arithmetic3A_1208, %and3A_1210 : vector<32x8x224xi32>
    %convert_element_type3A_1212 = arith.sitofp %and3A_1211 : vector<32x8x224xi32> to vector<32x8x224xf32>
    %reduce_sum3A_1213 = arith.constant dense<0.000000e+00> : vector<32xf32>
    %reduce_sum3A_1214 = vector.multi_reduction <add>, %convert_element_type3A_1212, %reduce_sum3A_1213 [1, 2] : vector<32x8x224xf32> to vector<32xf32>
    %eq3A_1215 = arith.constant 9 : i32
    %eq3A_1216 = vector.broadcast %eq3A_1215 : i32 to vector<32x16xi32>
    %eq3A_1217 = arith.cmpi eq, %iota3A, %eq3A_1216 : vector<32x16xi32>
    %broadcast_in_dim3A_1218 = vector.shape_cast %reduce_sum3A_1214 : vector<32xf32> to vector<32x1xf32>
    %broadcast_in_dim3A_1219 = vector.shape_cast %broadcast_in_dim3A_1218 : vector<32x1xf32> to vector<32x1xf32>
    %broadcast_in_dim3A_1220 = vector.broadcast %broadcast_in_dim3A_1219 : vector<32x1xf32> to vector<32x16xf32>
    %select_n3A_1221 = arith.select %eq3A_1217, %broadcast_in_dim3A_1220, %select_n3A_1205 : vector<32x16xi1>, vector<32x16xf32>
    %shift_right_arithmetic3A_1222 = arith.constant 20 : i32
    %shift_right_arithmetic3A_1223 = vector.broadcast %shift_right_arithmetic3A_1222 : i32 to vector<32x8x224xi32>
    %shift_right_arithmetic3A_1224 = arith.shrsi %add3A_1078, %shift_right_arithmetic3A_1223 : vector<32x8x224xi32>
    %and3A_1225 = arith.constant 31 : i32
    %and3A_1226 = vector.broadcast %and3A_1225 : i32 to vector<32x8x224xi32>
    %and3A_1227 = arith.andi %shift_right_arithmetic3A_1224, %and3A_1226 : vector<32x8x224xi32>
    %convert_element_type3A_1228 = arith.sitofp %and3A_1227 : vector<32x8x224xi32> to vector<32x8x224xf32>
    %reduce_sum3A_1229 = arith.constant dense<0.000000e+00> : vector<32xf32>
    %reduce_sum3A_1230 = vector.multi_reduction <add>, %convert_element_type3A_1228, %reduce_sum3A_1229 [1, 2] : vector<32x8x224xf32> to vector<32xf32>
    %eq3A_1231 = arith.constant 10 : i32
    %eq3A_1232 = vector.broadcast %eq3A_1231 : i32 to vector<32x16xi32>
    %eq3A_1233 = arith.cmpi eq, %iota3A, %eq3A_1232 : vector<32x16xi32>
    %broadcast_in_dim3A_1234 = vector.shape_cast %reduce_sum3A_1230 : vector<32xf32> to vector<32x1xf32>
    %broadcast_in_dim3A_1235 = vector.shape_cast %broadcast_in_dim3A_1234 : vector<32x1xf32> to vector<32x1xf32>
    %broadcast_in_dim3A_1236 = vector.broadcast %broadcast_in_dim3A_1235 : vector<32x1xf32> to vector<32x16xf32>
    %select_n3A_1237 = arith.select %eq3A_1233, %broadcast_in_dim3A_1236, %select_n3A_1221 : vector<32x16xi1>, vector<32x16xf32>
    %shift_right_arithmetic3A_1238 = arith.constant 25 : i32
    %shift_right_arithmetic3A_1239 = vector.broadcast %shift_right_arithmetic3A_1238 : i32 to vector<32x8x224xi32>
    %shift_right_arithmetic3A_1240 = arith.shrsi %add3A_1078, %shift_right_arithmetic3A_1239 : vector<32x8x224xi32>
    %and3A_1241 = arith.constant 31 : i32
    %and3A_1242 = vector.broadcast %and3A_1241 : i32 to vector<32x8x224xi32>
    %and3A_1243 = arith.andi %shift_right_arithmetic3A_1240, %and3A_1242 : vector<32x8x224xi32>
    %convert_element_type3A_1244 = arith.sitofp %and3A_1243 : vector<32x8x224xi32> to vector<32x8x224xf32>
    %reduce_sum3A_1245 = arith.constant dense<0.000000e+00> : vector<32xf32>
    %reduce_sum3A_1246 = vector.multi_reduction <add>, %convert_element_type3A_1244, %reduce_sum3A_1245 [1, 2] : vector<32x8x224xf32> to vector<32xf32>
    %eq3A_1247 = arith.constant 11 : i32
    %eq3A_1248 = vector.broadcast %eq3A_1247 : i32 to vector<32x16xi32>
    %eq3A_1249 = arith.cmpi eq, %iota3A, %eq3A_1248 : vector<32x16xi32>
    %broadcast_in_dim3A_1250 = vector.shape_cast %reduce_sum3A_1246 : vector<32xf32> to vector<32x1xf32>
    %broadcast_in_dim3A_1251 = vector.shape_cast %broadcast_in_dim3A_1250 : vector<32x1xf32> to vector<32x1xf32>
    %broadcast_in_dim3A_1252 = vector.broadcast %broadcast_in_dim3A_1251 : vector<32x1xf32> to vector<32x16xf32>
    %select_n3A_1253 = arith.select %eq3A_1249, %broadcast_in_dim3A_1252, %select_n3A_1237 : vector<32x16xi1>, vector<32x16xf32>
    %swap3A = arith.constant 0 : index
    %swap3A_1254 = arith.constant 0 : index
    %swap3A_1255 = arith.constant 0 : index
    %swap3A_1256 = vector.load %arg2[%swap3A, %swap3A_1254, %swap3A_1255] : memref<1x32x16xf32, #tpu.memory_space<vmem>>, vector<1x32x16xf32>
    %swap3A_1257 = vector.shape_cast %swap3A_1256 : vector<1x32x16xf32> to vector<32x16xf32>
    %swap3A_1258 = vector.shape_cast %select_n3A_1253 : vector<32x16xf32> to vector<1x32x16xf32>
    tpu.vector_store %arg2[%swap3A, %swap3A_1254, %swap3A_1255], %swap3A_1258 {strides = array<i32>} : memref<1x32x16xf32, #tpu.memory_space<vmem>>, vector<1x32x16xf32>,
    return
  }
  func.func @transform_0(%arg0: i32) -> (i32, i32, i32, i32) {
    %c0_i32 = arith.constant 0 : i32
    %c0_i32_0 = arith.constant 0 : i32
    %c0_i32_1 = arith.constant 0 : i32
    %c0_i32_2 = arith.constant 0 : i32
    return %arg0, %c0_i32, %c0_i32_0, %c0_i32_1 : i32, i32, i32, i32
  }
  func.func @transform_1(%arg0: i32) -> (i32, i32, i32) {
    %c0_i32 = arith.constant 0 : i32
    %c0_i32_0 = arith.constant 0 : i32
    %c0_i32_1 = arith.constant 0 : i32
    return %arg0, %c0_i32, %c0_i32_0 : i32, i32, i32
  }
}

module attributes {stable_mosaic.version = 14 : i64} {
  func.func @_conv_body(%arg0: i32, %arg1: memref<40xi32, #tpu.memory_space<smem>>, %arg2: memref<1x224x224xf32, #tpu.memory_space<vmem>>, %arg3: memref<384x224x224xf32, #tpu.memory_space<any>>, %arg4: memref<1x224x224xf32, #tpu.memory_space<vmem>>) attributes {dimension_semantics = [#tpu.dimension_semantics<arbitrary>], iteration_bounds = array<i64: 40>, scalar_prefetch = 1 : i64, scratch_operands = 0 : i64, tpu.core_type = #tpu.core_type<tc>, window_params = [{transform_indices = @transform_0, window_bounds = array<i64: 1, 224, 224>}, {}, {transform_indices = @transform_2, window_bounds = array<i64: 1, 224, 224>}]} {
    %get3A = arith.constant 0 : index
    %get3A_0 = arith.constant 0 : index
    %get3A_1 = arith.constant 0 : index
    %get3A_2 = vector.load %arg2[%get3A, %get3A_0, %get3A_1] : memref<1x224x224xf32, #tpu.memory_space<vmem>>, vector<1x224x224xf32>
    %get3A_3 = vector.shape_cast %get3A_2 : vector<1x224x224xf32> to vector<224x224xf32>
    %broadcast_in_dim3A = arith.constant 0.000000e+00 : f32
    %broadcast_in_dim3A_4 = vector.broadcast %broadcast_in_dim3A : f32 to vector<224x1xf32>
    %slice3A = vector.extract_strided_slice %get3A_3 {offsets = [0, 1], sizes = [224, 223], strides = [1, 1]} : vector<224x224xf32> to vector<224x223xf32>
    %concatenate3A = tpu.concatenate %slice3A, %broadcast_in_dim3A_4 in 1 : vector<224x223xf32>, vector<224x1xf32> -> vector<224x224xf32>
    %add3A = arith.addf %get3A_3, %concatenate3A : vector<224x224xf32>
    %slice3A_5 = vector.extract_strided_slice %get3A_3 {offsets = [0, 0], sizes = [224, 223], strides = [1, 1]} : vector<224x224xf32> to vector<224x223xf32>
    %concatenate3A_6 = tpu.concatenate %broadcast_in_dim3A_4, %slice3A_5 in 1 : vector<224x1xf32>, vector<224x223xf32> -> vector<224x224xf32>
    %add3A_7 = arith.addf %add3A, %concatenate3A_6 : vector<224x224xf32>
    %broadcast_in_dim3A_8 = arith.constant 0.000000e+00 : f32
    %broadcast_in_dim3A_9 = vector.broadcast %broadcast_in_dim3A_8 : f32 to vector<1x224xf32>
    %slice3A_10 = vector.extract_strided_slice %add3A_7 {offsets = [1, 0], sizes = [223, 224], strides = [1, 1]} : vector<224x224xf32> to vector<223x224xf32>
    %concatenate3A_11 = tpu.concatenate %slice3A_10, %broadcast_in_dim3A_9 in 0 : vector<223x224xf32>, vector<1x224xf32> -> vector<224x224xf32>
    %add3A_12 = arith.addf %add3A_7, %concatenate3A_11 : vector<224x224xf32>
    %slice3A_13 = vector.extract_strided_slice %add3A_7 {offsets = [0, 0], sizes = [223, 224], strides = [1, 1]} : vector<224x224xf32> to vector<223x224xf32>
    %concatenate3A_14 = tpu.concatenate %broadcast_in_dim3A_9, %slice3A_13 in 0 : vector<1x224xf32>, vector<223x224xf32> -> vector<224x224xf32>
    %add3A_15 = arith.addf %add3A_12, %concatenate3A_14 : vector<224x224xf32>
    %mul3A = arith.constant 9.000000e+00 : f32
    %mul3A_16 = vector.broadcast %mul3A : f32 to vector<224x224xf32>
    %mul3A_17 = arith.mulf %mul3A_16, %get3A_3 : vector<224x224xf32>
    %sub3A = arith.subf %mul3A_17, %add3A_15 : vector<224x224xf32>
    %swap3A = arith.constant 0 : index
    %swap3A_18 = arith.constant 0 : index
    %swap3A_19 = arith.constant 0 : index
    %swap3A_20 = vector.load %arg4[%swap3A, %swap3A_18, %swap3A_19] : memref<1x224x224xf32, #tpu.memory_space<vmem>>, vector<1x224x224xf32>
    %swap3A_21 = vector.shape_cast %swap3A_20 : vector<1x224x224xf32> to vector<224x224xf32>
    %swap3A_22 = vector.shape_cast %sub3A : vector<224x224xf32> to vector<1x224x224xf32>
    tpu.vector_store %arg4[%swap3A, %swap3A_18, %swap3A_19], %swap3A_22 {strides = array<i32>} : memref<1x224x224xf32, #tpu.memory_space<vmem>>, vector<1x224x224xf32>,
    return
  }
  func.func @transform_0(%arg0: i32, %arg1: memref<40xi32, #tpu.memory_space<smem>>) -> (i32, i32, i32) {
    %get3A = arith.index_cast %arg0 : i32 to index
    %get3A_0 = memref.load %arg1[%get3A] : memref<40xi32, #tpu.memory_space<smem>>
    %c0_i32 = arith.constant 0 : i32
    %c0_i32_1 = arith.constant 0 : i32
    %c0_i32_2 = arith.constant 0 : i32
    return %get3A_0, %c0_i32, %c0_i32_1 : i32, i32, i32
  }
  func.func @transform_2(%arg0: i32, %arg1: memref<40xi32, #tpu.memory_space<smem>>) -> (i32, i32, i32) {
    %get3A = arith.index_cast %arg0 : i32 to index
    %get3A_0 = memref.load %arg1[%get3A] : memref<40xi32, #tpu.memory_space<smem>>
    %c0_i32 = arith.constant 0 : i32
    %c0_i32_1 = arith.constant 0 : i32
    %c0_i32_2 = arith.constant 0 : i32
    return %get3A_0, %c0_i32, %c0_i32_1 : i32, i32, i32
  }
}

</mosaic_0001>

<sc_bundles>
// kernel: kernel.6.cloned.1.call-start
scs
__scs_entry_jumppad:
0x0: {  	(pc) =	sbr.rel $0x88, $3  }
0x1: {  	(tag) =	ssettag $0x0;
	lr =	simm.s32 $0x1  }
0x2: {  	[smem:$0x3FA0] =	sst lr;
	_ =	strace $0xD0000000  }
0x3: {  	_ = 	snop  }
0x4: {  	_ = 	snop  }
0x5: {  	_ = 	snop  }
0x6: {  	_ = 	snop  }
0x7: {  	_ = 	snop  }
__scs_overlays_trampoline_lowered:
0x8: {  	[smem:$0x3FAF] =	sst s0  }
0x9: {  	[smem:$0x3FB0] =	sst s1  }
0xa: {  	[smem:$0x3FB1] =	sst s2  }
0xb: {  	[smem:$0x3FB2] =	sst s3  }
0xc: {  	[smem:$0x3FB3] =	sst s4  }
0xd: {  	[smem:$0x3FB4] =	sst s5  }
0xe: {  	[smem:$0x3FB5] =	sst s6  }
0xf: {  	[smem:$0x3FB6] =	sst s7  }
0x10: {  	[smem:$0x3FB7] =	sst s8  }
0x11: {  	[smem:$0x3FB8] =	sst s9;
	s0 =	simm.s32 @!p0 $0x0  }
0x12: {  	s1 =	sld [smem:$0x3F9E];
	s0 =	simm.s32 @p0 $0x1  }
0x13: {  	[smem:$0x3FB9] =	sst s0;
	s0 =	simm.s32 @!p1 $0x0  }
0x14: {  	s2 =	sld [smem:$0x3F9D];
	s0 =	simm.s32 @p1 $0x1  }
0x15: {  	[smem:$0x3FBA] =	sst s0;
	s0 =	simm.s32 @!p2 $0x0  }
0x16: {  	s3 =	sld [smem:$0x3FDB];
	s0 =	simm.s32 @p2 $0x1  }
0x17: {  	s4 =	simm.s32 $0x1BF5;
	[smem:$0x3FBC] =	sst s0  }
0x18: {  	s0 =	sld [smem:$0x3F9F];
	_ =	swait.ge [sflag:s4], $0x0  }
0x19: {  	s7 =	sld [smem:$0x3FA0]  }
0x1a: {  	s8 =	sadd.s32 $0xFFFFE003, lr  }
0x1b: {  	s9 =	sadd.s32 $0xFFFFFEF7, lr;
	s5 =	simm.s32 $0xFFFFFFFF;
	p2 =	slt.u32 s8, $0xFFFFF086  }
0x1c: {  	p1 =	slt.u32 s9, $0xF7A;
	s5 =	simm.s32 @!p2 $0x0  }
0x1d: {  	s5 =	simm.s32 @p1 $0x1;
	p0 =	seq.s32 s7, s2  }
0x1e: {  	s7 =	smul.u32 @!p0 $0xF7A, s2;
	p2 =	seq.s32 @!p0 s5, $0x0  }
0x1f: {  	s9 =	smul.u32 $0xF7A, s1;
	s8 =	simm.s32 @!p0 $0x1BF5;
	p2 =	por !p2, p0  }
0x20: {  	[sflag:s8] =	ssyncset.s32 @!p0 $0xFFFFF086;
	s6 =	sadd.s32 @!p0 s3, s7;
	s7 =	simm.s32 @!p0 $0x108  }
0x21: {  	s3 =	sadd.s32 s3, s9;
	s6 =	sadd.s32 @!p0 $0x88, s6;
	s7 =	simm.s32 @p2 $0x1082  }
0x22: {  	[simem:s7], [sflag:s8] =	dma.local @!p0 [hbm:s6], $0xF7A  }
0x23: {  	s9 =	sor.u32 $0xD0000000, s2;
	s6 =	simm.s32 $0x108;
	_ =	swait.ge @!p0 [sflag:s8], $0x0  }
0x24: {  	s3 =	sadd.s32 $0x88, s3;
	s6 =	simm.s32 @!p1 $0x1082;
	[sflag:s4] =	ssyncset.s32 $0xFFFFF086  }
0x25: {  	[simem:s6], [sflag:s4] =	dma.local [hbm:s3], $0xF7A  }
0x26: {  	[smem:$0x3FA0] =	sst s1;
	(tag) =	ssettag s2;
	_ =	strace s9  }
0x27: {  	s1 =	sld [smem:$0x3FB0]  }
0x28: {  	s2 =	sld [smem:$0x3FB1]  }
0x29: {  	s4 =	sld [smem:$0x3FB3]  }
0x2a: {  	p0 =	seq.s32 s5, $0x0;
	s5 =	sld [smem:$0x3FB4]  }
0x2b: {  	s6 =	sld [smem:$0x3FB5]  }
0x2c: {  	s7 =	sld [smem:$0x3FB6]  }
0x2d: {  	s3 =	simm.s32 $0x108;
	s8 =	sld [smem:$0x3FB7]  }
0x2e: {  	s3 =	simm.s32 @!p0 $0x1082;
	s9 =	sld [smem:$0x3FB8]  }
0x2f: {  	lr =	sadd.s32 s0, s3;
	s0 =	sld [smem:$0x3FAF]  }
0x30: {  	s3 =	sld [smem:$0x3FB2]  }
0x31: {  	[smem:$0x3FBB] =	sst s10  }
0x32: {  	s10 =	sld [smem:$0x3FB9];
	_ =	sdelay $0x3  }
0x33: {  	p0 =	seq.s32 s10, $0x1;
	s10 =	sld [smem:$0x3FBB];
	_ =	sdelay $0x3  }
0x34: {  	[smem:$0x3FBB] =	sst s10  }
0x35: {  	s10 =	sld [smem:$0x3FBA];
	_ =	sdelay $0x3  }
0x36: {  	p1 =	seq.s32 s10, $0x1;
	s10 =	sld [smem:$0x3FBB];
	_ =	sdelay $0x3  }
0x37: {  	[smem:$0x3FBB] =	sst s10  }
0x38: {  	s10 =	sld [smem:$0x3FBC]  }
0x39: {  	_ = 	snop;
	(pc) =	sbr.ind lr, $3  }
0x3a: {  	_ = 	snop  }
0x3b: {  	_ = 	snop  }
0x3c: {  	p2 =	seq.s32 s10, $0x1;
	s10 =	sld [smem:$0x3FBB]  }
0x3d: {  	_ =	shalt  }
0x3e: {  	_ =	shalt  }
0x3f: {  	_ =	shalt  }
0x40: {  	_ =	shalt  }
0x41: {  	_ =	shalt  }
0x42: {  	_ =	shalt  }
0x43: {  	_ =	shalt  }
0x44: {  	_ =	shalt  }
0x45: {  	_ =	shalt  }
0x46: {  	_ =	shalt  }
0x47: {  	_ =	shalt  }
0x48: {  	_ =	shalt  }
0x49: {  	_ =	shalt  }
0x4a: {  	_ =	shalt  }
0x4b: {  	_ =	shalt  }
0x4c: {  	_ =	shalt  }
0x4d: {  	_ =	shalt  }
0x4e: {  	_ =	shalt  }
0x4f: {  	_ =	shalt  }
0x50: {  	_ =	shalt  }
0x51: {  	_ =	shalt  }
0x52: {  	_ =	shalt  }
0x53: {  	_ =	shalt  }
0x54: {  	_ =	shalt  }
0x55: {  	_ =	shalt  }
0x56: {  	_ =	shalt  }
0x57: {  	_ =	shalt  }
0x58: {  	_ =	shalt  }
0x59: {  	_ =	shalt  }
0x5a: {  	_ =	shalt  }
0x5b: {  	_ =	shalt  }
0x5c: {  	_ =	shalt  }
0x5d: {  	_ =	shalt  }
0x5e: {  	_ =	shalt  }
0x5f: {  	_ =	shalt  }
0x60: {  	_ =	shalt  }
0x61: {  	_ =	shalt  }
0x62: {  	_ =	shalt  }
0x63: {  	_ =	shalt  }
0x64: {  	_ =	shalt  }
0x65: {  	_ =	shalt  }
0x66: {  	_ =	shalt  }
0x67: {  	_ =	shalt  }
0x68: {  	_ =	shalt  }
0x69: {  	_ =	shalt  }
0x6a: {  	_ =	shalt  }
0x6b: {  	_ =	shalt  }
0x6c: {  	_ =	shalt  }
0x6d: {  	_ =	shalt  }
0x6e: {  	_ =	shalt  }
0x6f: {  	_ =	shalt  }
0x70: {  	_ =	shalt  }
0x71: {  	_ =	shalt  }
0x72: {  	_ =	shalt  }
0x73: {  	_ =	shalt  }
0x74: {  	_ =	shalt  }
0x75: {  	_ =	shalt  }
0x76: {  	_ =	shalt  }
0x77: {  	_ =	shalt  }
0x78: {  	_ =	shalt  }
0x79: {  	_ =	shalt  }
0x7a: {  	_ =	shalt  }
0x7b: {  	_ =	shalt  }
0x7c: {  	_ =	shalt  }
0x7d: {  	_ =	shalt  }
0x7e: {  	_ =	shalt  }
0x7f: {  	_ =	shalt  }
0x80: {  	_ =	shalt  }
0x81: {  	_ =	shalt  }
0x82: {  	_ =	shalt  }
0x83: {  	_ =	shalt  }
0x84: {  	_ =	shalt  }
0x85: {  	_ =	shalt  }
0x86: {  	_ =	shalt  }
0x87: {  	_ =	shalt  }
.Lfunc_end0:
.L_simem_size_0:
called_computation_lowered:
.L_overlay_start_0:
0x88: {  	s2 =	sld [smem:$0x3FD9]  }
0x89: {  	s3 =	sld [smem:$0x3FFE];
	_ =	sdelay $0x1  }
0x8a: {  	s1 =	srdreg.scid  }
0x8b: {  	s0 =	sand.u32 $0x1, s1  }
0x8c: {  	s17 =	sshll.u32 s0, $0xA;
	s2 =	sadd.s32 s3, s2  }
0x8d: {  	s2 =	sadd.s32 s2, s17  }
0x8e: {  	[smem:$0x3FC7] =	sst s2  }
0x8f: {  	_ = 	snop  }
0x90: {  	s2 =	sld [smem:$0x3FD0];
	(tm) =	ssettm $0x1  }
0x91: {  	s18 =	sld [smem:$0x3FFB];
	_ =	sdelay $0x3  }
0x92: {  	_ =	strace s18  }
0x93: {  	s3 =	sld [smem:$0x3FFC];
	_ =	sdelay $0x3  }
0x94: {  	_ =	strace s3  }
0x95: {  	s3 =	sld [smem:$0x3FFD];
	_ =	sdelay $0x3  }
0x96: {  	_ =	strace s3  }
0x97: {  	_ =	strace $0x8FFFFFFF  }
0x98: {  	s19 =	sld [smem:$0x3FDB];
	_ =	sdelay $0x1  }
0x99: {  	s4 =	simm.s32 $_scs_section_size  }
0x9a: {  	s5 =	simm.s32 $_size__tile_overlayer_lowered;
	s6 =	simm.s32 $_tile_overlayer_lowered  }
0x9b: {  	s22 =	simm.s32 $0x1BFF;
	s21 =	sshll.u32 s6, $0x1;
	s3 =	sadd.s32 s4, s19  }
0x9c: {  	s7 =	simm.s32 $0x0;
	s20 =	sshll.u32 s5, $0x1;
	s5 =	sadd.s32 s21, s3  }
0x9d: {  	[timem:s7], [sflag:s22] =	dma.local [hbm:s5], s20  }
0x9e: {  	_ =	swait.ge [sflag:s22], s20  }
0x9f: {  	s4 =	ssub.s32 $0x0, s20;
	[sflag:s22] =	ssyncset.done $0x0  }
0xa0: {  	[sflag:s22] =	ssyncadd.s32 s4;
	_ =	sdelay $0x1  }
0xa1: {  	s23 =	simm.s32 $0x1B8B  }
0xa2: {  	_ =	swait.ge [sflag:s23], $0x1  }
0xa3: {  	[sflag:s23] =	ssyncset.done $0x0  }
0xa4: {  	s25 =	simm.s32 $0x1B8E;
	s24 =	sld [smem:$0x3FFE];
	[sflag:s23] =	ssyncadd.s32 $0xFFFFFFFF  }
0xa5: {  	s26 =	simm.s32 $execute0_lowered;
	[smem:$0x3FD2] =	sst s25  }
0xa6: {  	s5 =	sshll.u32 s26, $0x1;
	_ =	strace $0x80000046;
	[dreg:$0x1] =	wrdreg $0xFFFFFFFF  }
0xa7: {  	s28 =	simm.s32 $_size_execute0_lowered;
	s3 =	sadd.s32 s3, s5;
	[dreg:$0x0] =	wrdreg $0x0  }
0xa8: {  	s5 =	sshll.u32 s28, $0x1;
	[dreg:$0x2] =	wrdreg s3  }
0xa9: {  	[dreg:$0x3] =	wrdreg s5  }
0xaa: {  	[dreg:$0x4] =	wrdreg $0xC0  }
0xab: {  	_ =	task [dreg:s7], $0x5FFFF  }
0xac: {  	[dreg:$0x1] =	wrdreg $0xFFFFFFFF  }
0xad: {  	[dreg:$0x0] =	wrdreg $0x60  }
0xae: {  	[dreg:$0x2] =	wrdreg s2  }
0xaf: {  	[dreg:$0x3] =	wrdreg s24  }
0xb0: {  	[dreg:$0x4] =	wrdreg $0x9  }
0xb1: {  	_ =	task.clear_ibuf [dreg:s7], $0x5FFFF;
	_ =	strace $0x90000046  }
0xb2: {  	s29 =	simm.s32 $0x9;
	_ =	strace $0x80000048  }
0xb3: {  	_ =	swait.ge [sflag:s29], $0x1  }
0xb4: {  	[sflag:s29] =	ssyncadd.s32 $0xFFFFFFFF  }
0xb5: {  	_ =	strace $0x90000048  }
0xb6: {  	_ =	sfence  }
0xb7: {  	s30 =	sld [smem:$0x0];
	_ =	sdelay $0x2  }
0xb8: {  	s31 =	sshll.u32 s1, $0xD;
	s1 =	sshrl.u32 s1, $0x2  }
0xb9: {  	s3 =	sand.u32 $0x4000, s31;
	s1 =	sadd.s32 s1, s30  }
0xba: {  	s0 =	sor.u32 s3, s0;
	s1 =	sshll.u32 s1, $0x11  }
0xbb: {  	s0 =	sor.u32 s1, s0  }
0xbc: {  	s0 =	sadd.s32 $0x8F2B, s0  }
0xbd: {  	[sflag:s0] =	ssyncadd.remote.s32 $0x1  }
0xbe: {  	_ =	sfence.sel $0xFFFF  }
0xbf: {  	[dreg:$0x0] =	wrdreg $0xFFFFFFFF;
	(pc) =	sbr.abs _section_cstart, $3  }
0xc0: {  	[dreg:$0x1] =	wrdreg $0xFFFFFFFF  }
0xc1: {  	_ =	task.clear_ibuf [dreg:s7], $0x2FFFF;
	_ =	strace $0x9FFFFFFF  }
0xc2: {  	(tm) =	ssettm $0x7FFFFFFF  }
0xc3: {  	_ =	shalt  }
tec
execute0_lowered:
.L_overlay_start_1:
0x0: {  	(tag) =	ssettag $0x1  }
0x1: {  	s1 =	srdreg.scid;
	s0 =	stileid.u32  }
0x2: {  	s1 =	sand.u32 $0x1, s1;
	s2 =	sshll.u32 s0, $0x1  }
0x3: {  	s2 =	sor.u32 s1, s2  }
0x4: {  	s29 =	rddreg [dreg:$0x0];
	s3 =	smul.u32 $0x93000, s2  }
0x5: {  	s6 =	rddreg [dreg:$0x1]  }
0x6: {  	[dreg:$0x4] =	wrdreg s1;
	s2 =	simm.s32 $0x0;
	s30 =	sshrl.u32 s3, $0x3  }
0x7: {  	[smem:$0x7FF] =	sst s2;
	s3 =	sadd.s32 s29, s30  }
0x8: {  	_ =	strace $0x80000047;
	[dreg:$0x3] =	wrdreg s3  }
0x9: {  	s10 =	sadd.s32 $0x1880, s30;
	s3 =	rddreg [dreg:$0x3]  }
0xa: {  	[tilespmem:s2], [sflag:$0x1] =	stream.linear.gather [hbm4b:s3+s2], $0xC400, $0x38;
	[tilespmem:$0x18800] =	vst v63  }
0xb: {  	s4 =	simm.s32 $0xC400;
	s5 =	simm.s32 $0x1;
	s3 =	sadd.s32 s29, s10  }
0xc: {  	[tilespmem:s4], [sflag:$0x2] =	stream.linear.gather [hbm4b:s3+s2], $0xC400, $0x38;
	[tilespmem:$0x18800] =	vst v63  }
0xd: {  	_ =	swait.ge [sflag:s5], $0xC400  }
0xe: {  	s31 =	sadd.s32 $0x400, s6;
	[sflag:s5] =	ssyncset.done $0x0  }
0xf: {  	s7 =	simm.s32 $0x3;
	s6 =	sadd.s32 s31, s30;
	[sflag:s5] =	ssyncadd.s32 $0xFFFF3C00  }
0x10: {  	[hbm4b:s6+s2] =	stream.linear.scatter [tilespmem:s2], [sflag:$0x3], $0xC400, $0x38;
	[tilespmem:$0x18800] =	vst v63  }
0x11: {  	_ =	swait.ge [sflag:s7], $0xC400  }
0x12: {  	s13 =	sadd.s32 $0x3100, s30;
	[sflag:s7] =	ssyncset.done $0x0  }
0x13: {  	s9 =	simm.s32 $0x2;
	s8 =	sadd.s32 s29, s13;
	[sflag:s7] =	ssyncadd.s32 $0xFFFF3C00  }
0x14: {  	[tilespmem:s2], [sflag:$0x1] =	stream.linear.gather [hbm4b:s8+s2], $0xC400, $0x38;
	[tilespmem:$0x18800] =	vst v63  }
0x15: {  	_ =	swait.ge [sflag:s9], $0xC400  }
0x16: {  	[sflag:s9] =	ssyncset.done $0x0  }
0x17: {  	s11 =	sadd.s32 s31, s10;
	s10 =	simm.s32 $0x4;
	[sflag:s9] =	ssyncadd.s32 $0xFFFF3C00  }
0x18: {  	[hbm4b:s11+s2] =	stream.linear.scatter [tilespmem:s4], [sflag:$0x4], $0xC400, $0x38;
	[tilespmem:$0x18800] =	vst v63  }
0x19: {  	_ =	swait.ge [sflag:s10], $0xC400  }
0x1a: {  	s15 =	sadd.s32 $0x4980, s30;
	[sflag:s10] =	ssyncset.done $0x0  }
0x1b: {  	s12 =	sadd.s32 s29, s15;
	[sflag:s10] =	ssyncadd.s32 $0xFFFF3C00  }
0x1c: {  	[tilespmem:s4], [sflag:$0x2] =	stream.linear.gather [hbm4b:s12+s2], $0xC400, $0x38;
	[tilespmem:$0x18800] =	vst v63  }
0x1d: {  	_ =	swait.ge [sflag:s5], $0xC400  }
0x1e: {  	[sflag:s5] =	ssyncset.done $0x0  }
0x1f: {  	s13 =	sadd.s32 s31, s13;
	[sflag:s5] =	ssyncadd.s32 $0xFFFF3C00  }
0x20: {  	[hbm4b:s13+s2] =	stream.linear.scatter [tilespmem:s2], [sflag:$0x3], $0xC400, $0x38;
	[tilespmem:$0x18800] =	vst v63  }
0x21: {  	_ =	swait.ge [sflag:s7], $0xC400  }
0x22: {  	s17 =	sadd.s32 $0x6200, s30;
	[sflag:s7] =	ssyncset.done $0x0  }
0x23: {  	s14 =	sadd.s32 s29, s17;
	[sflag:s7] =	ssyncadd.s32 $0xFFFF3C00  }
0x24: {  	[tilespmem:s2], [sflag:$0x1] =	stream.linear.gather [hbm4b:s14+s2], $0xC400, $0x38;
	[tilespmem:$0x18800] =	vst v63  }
0x25: {  	_ =	swait.ge [sflag:s9], $0xC400  }
0x26: {  	[sflag:s9] =	ssyncset.done $0x0  }
0x27: {  	s15 =	sadd.s32 s31, s15;
	[sflag:s9] =	ssyncadd.s32 $0xFFFF3C00  }
0x28: {  	[hbm4b:s15+s2] =	stream.linear.scatter [tilespmem:s4], [sflag:$0x4], $0xC400, $0x38;
	[tilespmem:$0x18800] =	vst v63  }
0x29: {  	_ =	swait.ge [sflag:s10], $0xC400  }
0x2a: {  	s19 =	sadd.s32 $0x7A80, s30;
	[sflag:s10] =	ssyncset.done $0x0  }
0x2b: {  	s16 =	sadd.s32 s29, s19;
	[sflag:s10] =	ssyncadd.s32 $0xFFFF3C00  }
0x2c: {  	[tilespmem:s4], [sflag:$0x2] =	stream.linear.gather [hbm4b:s16+s2], $0xC400, $0x38;
	[tilespmem:$0x18800] =	vst v63  }
0x2d: {  	_ =	swait.ge [sflag:s5], $0xC400  }
0x2e: {  	[sflag:s5] =	ssyncset.done $0x0  }
0x2f: {  	s17 =	sadd.s32 s31, s17;
	[sflag:s5] =	ssyncadd.s32 $0xFFFF3C00  }
0x30: {  	[hbm4b:s17+s2] =	stream.linear.scatter [tilespmem:s2], [sflag:$0x3], $0xC400, $0x38;
	[tilespmem:$0x18800] =	vst v63  }
0x31: {  	_ =	swait.ge [sflag:s7], $0xC400  }
0x32: {  	s21 =	sadd.s32 $0x9300, s30;
	[sflag:s7] =	ssyncset.done $0x0  }
0x33: {  	s18 =	sadd.s32 s29, s21;
	[sflag:s7] =	ssyncadd.s32 $0xFFFF3C00  }
0x34: {  	[tilespmem:s2], [sflag:$0x1] =	stream.linear.gather [hbm4b:s18+s2], $0xC400, $0x38;
	[tilespmem:$0x18800] =	vst v63  }
0x35: {  	_ =	swait.ge [sflag:s9], $0xC400  }
0x36: {  	[sflag:s9] =	ssyncset.done $0x0  }
0x37: {  	s19 =	sadd.s32 s31, s19;
	[sflag:s9] =	ssyncadd.s32 $0xFFFF3C00  }
0x38: {  	[hbm4b:s19+s2] =	stream.linear.scatter [tilespmem:s4], [sflag:$0x4], $0xC400, $0x38;
	[tilespmem:$0x18800] =	vst v63  }
0x39: {  	_ =	swait.ge [sflag:s10], $0xC400  }
0x3a: {  	s23 =	sadd.s32 $0xAB80, s30;
	[sflag:s10] =	ssyncset.done $0x0  }
0x3b: {  	s20 =	sadd.s32 s29, s23;
	[sflag:s10] =	ssyncadd.s32 $0xFFFF3C00  }
0x3c: {  	[tilespmem:s4], [sflag:$0x2] =	stream.linear.gather [hbm4b:s20+s2], $0xC400, $0x38;
	[tilespmem:$0x18800] =	vst v63  }
0x3d: {  	_ =	swait.ge [sflag:s5], $0xC400  }
0x3e: {  	[sflag:s5] =	ssyncset.done $0x0  }
0x3f: {  	s21 =	sadd.s32 s31, s21;
	[sflag:s5] =	ssyncadd.s32 $0xFFFF3C00  }
0x40: {  	[hbm4b:s21+s2] =	stream.linear.scatter [tilespmem:s2], [sflag:$0x3], $0xC400, $0x38;
	[tilespmem:$0x18800] =	vst v63  }
0x41: {  	_ =	swait.ge [sflag:s7], $0xC400  }
0x42: {  	s25 =	sadd.s32 $0xC400, s30;
	[sflag:s7] =	ssyncset.done $0x0  }
0x43: {  	s22 =	sadd.s32 s29, s25;
	[sflag:s7] =	ssyncadd.s32 $0xFFFF3C00  }
0x44: {  	[tilespmem:s2], [sflag:$0x1] =	stream.linear.gather [hbm4b:s22+s2], $0xC400, $0x38;
	[tilespmem:$0x18800] =	vst v63  }
0x45: {  	_ =	swait.ge [sflag:s9], $0xC400  }
0x46: {  	[sflag:s9] =	ssyncset.done $0x0  }
0x47: {  	s23 =	sadd.s32 s31, s23;
	[sflag:s9] =	ssyncadd.s32 $0xFFFF3C00  }
0x48: {  	[hbm4b:s23+s2] =	stream.linear.scatter [tilespmem:s4], [sflag:$0x4], $0xC400, $0x38;
	[tilespmem:$0x18800] =	vst v63  }
0x49: {  	_ =	swait.ge [sflag:s10], $0xC400  }
0x4a: {  	s28 =	sadd.s32 $0xDC80, s30;
	[sflag:s10] =	ssyncset.done $0x0  }
0x4b: {  	s24 =	sadd.s32 s29, s28;
	[sflag:s10] =	ssyncadd.s32 $0xFFFF3C00  }
0x4c: {  	[tilespmem:s4], [sflag:$0x2] =	stream.linear.gather [hbm4b:s24+s2], $0xC400, $0x38;
	[tilespmem:$0x18800] =	vst v63  }
0x4d: {  	_ =	swait.ge [sflag:s5], $0xC400  }
0x4e: {  	[sflag:s5] =	ssyncset.done $0x0  }
0x4f: {  	s25 =	sadd.s32 s31, s25;
	[sflag:s5] =	ssyncadd.s32 $0xFFFF3C00  }
0x50: {  	[hbm4b:s25+s2] =	stream.linear.scatter [tilespmem:s2], [sflag:$0x3], $0xC400, $0x38;
	[tilespmem:$0x18800] =	vst v63  }
0x51: {  	_ =	swait.ge [sflag:s7], $0xC400  }
0x52: {  	s1 =	sadd.s32 $0xF500, s30;
	[sflag:s7] =	ssyncset.done $0x0  }
0x53: {  	s26 =	sadd.s32 s29, s1;
	[sflag:s7] =	ssyncadd.s32 $0xFFFF3C00  }
0x54: {  	[tilespmem:s2], [sflag:$0x1] =	stream.linear.gather [hbm4b:s26+s2], $0xC400, $0x38;
	[tilespmem:$0x18800] =	vst v63  }
0x55: {  	_ =	swait.ge [sflag:s9], $0xC400  }
0x56: {  	[sflag:s9] =	ssyncset.done $0x0  }
0x57: {  	s28 =	sadd.s32 s31, s28;
	[sflag:s9] =	ssyncadd.s32 $0xFFFF3C00  }
0x58: {  	[hbm4b:s28+s2] =	stream.linear.scatter [tilespmem:s4], [sflag:$0x4], $0xC400, $0x38;
	[tilespmem:$0x18800] =	vst v63  }
0x59: {  	_ =	swait.ge [sflag:s10], $0xC400  }
0x5a: {  	s0 =	sadd.s32 $0x10D80, s30;
	[sflag:s10] =	ssyncset.done $0x0  }
0x5b: {  	s29 =	sadd.s32 s29, s0;
	[sflag:s10] =	ssyncadd.s32 $0xFFFF3C00  }
0x5c: {  	[tilespmem:s4], [sflag:$0x2] =	stream.linear.gather [hbm4b:s29+s2], $0xC400, $0x38;
	[tilespmem:$0x18800] =	vst v63  }
0x5d: {  	_ =	swait.ge [sflag:s5], $0xC400  }
0x5e: {  	[sflag:s5] =	ssyncset.done $0x0  }
0x5f: {  	s30 =	sadd.s32 s31, s1;
	[sflag:s5] =	ssyncadd.s32 $0xFFFF3C00  }
0x60: {  	[hbm4b:s30+s2] =	stream.linear.scatter [tilespmem:s2], [sflag:$0x3], $0xC400, $0x38;
	[tilespmem:$0x18800] =	vst v63  }
0x61: {  	_ =	swait.ge [sflag:s9], $0xC400  }
0x62: {  	[sflag:s9] =	ssyncset.done $0x0;
	s1 =	rddreg [dreg:$0x4]  }
0x63: {  	s31 =	sadd.s32 s31, s0;
	s0 =	ssub.s32 $0x2, s1;
	[sflag:s9] =	ssyncadd.s32 $0xFFFF3C00  }
0x64: {  	[hbm4b:s31+s2] =	stream.linear.scatter [tilespmem:s4], [sflag:$0x4], $0xC400, $0x38;
	[tilespmem:$0x18800] =	vst v63  }
0x65: {  	s1 =	sshrl.u32 s0, $0x1  }
0x66: {  	s0 =	ssub.s32 s0, s1  }
0x67: {  	s0 =	smax.u32 s0, $0x1  }
0x68: {  	p0 =	sne.s32 s0, $0x1  }
.Ltmp0:
0x69: {  	_ =	swait.ge [sflag:s7], $0xC400;
	(pc) =	sbr.rel @!p0 .LBB2_2-.Ltmp0, $4  }
0x6a: {  	[sflag:s7] =	ssyncset.done $0x0  }
0x6b: {  	[sflag:s7] =	ssyncadd.s32 $0xFFFF3C00  }
0x6c: {  	_ =	swait.ge [sflag:s10], $0xC400  }
0x6d: {  	s1 =	sadd.s32 $0xFFFFFFFF, s0;
	[sflag:s10] =	ssyncset.done $0x0  }
.LBB2_1:
0x6e: {  	s0 =	rddreg [dreg:$0x3];
	[sflag:s10] =	ssyncadd.s32 $0xFFFF3C00  }
0x6f: {  	[tilespmem:s2], [sflag:$0x1] =	stream.linear.gather [hbm4b:s0+s2], $0xC400, $0x38;
	[tilespmem:$0x18800] =	vst v63  }
0x70: {  	_ = 	snop  }
0x71: {  	[tilespmem:s4], [sflag:$0x2] =	stream.linear.gather [hbm4b:s3+s2], $0xC400, $0x38;
	[tilespmem:$0x18800] =	vst v63  }
0x72: {  	_ =	swait.ge [sflag:s5], $0xC400  }
0x73: {  	[sflag:s5] =	ssyncset.done $0x0  }
0x74: {  	[sflag:s5] =	ssyncadd.s32 $0xFFFF3C00  }
0x75: {  	[hbm4b:s6+s2] =	stream.linear.scatter [tilespmem:s2], [sflag:$0x3], $0xC400, $0x38;
	[tilespmem:$0x18800] =	vst v63  }
0x76: {  	_ =	swait.ge [sflag:s7], $0xC400  }
0x77: {  	[sflag:s7] =	ssyncset.done $0x0  }
0x78: {  	[sflag:s7] =	ssyncadd.s32 $0xFFFF3C00  }
0x79: {  	[tilespmem:s2], [sflag:$0x1] =	stream.linear.gather [hbm4b:s8+s2], $0xC400, $0x38;
	[tilespmem:$0x18800] =	vst v63  }
0x7a: {  	_ =	swait.ge [sflag:s9], $0xC400  }
0x7b: {  	[sflag:s9] =	ssyncset.done $0x0  }
0x7c: {  	[sflag:s9] =	ssyncadd.s32 $0xFFFF3C00  }
0x7d: {  	[hbm4b:s11+s2] =	stream.linear.scatter [tilespmem:s4], [sflag:$0x4], $0xC400, $0x38;
	[tilespmem:$0x18800] =	vst v63  }
0x7e: {  	_ =	swait.ge [sflag:s10], $0xC400  }
0x7f: {  	[sflag:s10] =	ssyncset.done $0x0  }
0x80: {  	[sflag:s10] =	ssyncadd.s32 $0xFFFF3C00  }
0x81: {  	[tilespmem:s4], [sflag:$0x2] =	stream.linear.gather [hbm4b:s12+s2], $0xC400, $0x38;
	[tilespmem:$0x18800] =	vst v63  }
0x82: {  	_ =	swait.ge [sflag:s5], $0xC400  }
0x83: {  	[sflag:s5] =	ssyncset.done $0x0  }
0x84: {  	[sflag:s5] =	ssyncadd.s32 $0xFFFF3C00  }
0x85: {  	[hbm4b:s13+s2] =	stream.linear.scatter [tilespmem:s2], [sflag:$0x3], $0xC400, $0x38;
	[tilespmem:$0x18800] =	vst v63  }
0x86: {  	_ =	swait.ge [sflag:s7], $0xC400  }
0x87: {  	[sflag:s7] =	ssyncset.done $0x0  }
0x88: {  	[sflag:s7] =	ssyncadd.s32 $0xFFFF3C00  }
0x89: {  	[tilespmem:s2], [sflag:$0x1] =	stream.linear.gather [hbm4b:s14+s2], $0xC400, $0x38;
	[tilespmem:$0x18800] =	vst v63  }
0x8a: {  	_ =	swait.ge [sflag:s9], $0xC400  }
0x8b: {  	[sflag:s9] =	ssyncset.done $0x0  }
0x8c: {  	[sflag:s9] =	ssyncadd.s32 $0xFFFF3C00  }
0x8d: {  	[hbm4b:s15+s2] =	stream.linear.scatter [tilespmem:s4], [sflag:$0x4], $0xC400, $0x38;
	[tilespmem:$0x18800] =	vst v63  }
0x8e: {  	_ =	swait.ge [sflag:s10], $0xC400  }
0x8f: {  	[sflag:s10] =	ssyncset.done $0x0  }
0x90: {  	[sflag:s10] =	ssyncadd.s32 $0xFFFF3C00  }
0x91: {  	[tilespmem:s4], [sflag:$0x2] =	stream.linear.gather [hbm4b:s16+s2], $0xC400, $0x38;
	[tilespmem:$0x18800] =	vst v63  }
0x92: {  	_ =	swait.ge [sflag:s5], $0xC400  }
0x93: {  	[sflag:s5] =	ssyncset.done $0x0  }
0x94: {  	[sflag:s5] =	ssyncadd.s32 $0xFFFF3C00  }
0x95: {  	[hbm4b:s17+s2] =	stream.linear.scatter [tilespmem:s2], [sflag:$0x3], $0xC400, $0x38;
	[tilespmem:$0x18800] =	vst v63  }
0x96: {  	_ =	swait.ge [sflag:s7], $0xC400  }
0x97: {  	[sflag:s7] =	ssyncset.done $0x0  }
0x98: {  	[sflag:s7] =	ssyncadd.s32 $0xFFFF3C00  }
0x99: {  	[tilespmem:s2], [sflag:$0x1] =	stream.linear.gather [hbm4b:s18+s2], $0xC400, $0x38;
	[tilespmem:$0x18800] =	vst v63  }
0x9a: {  	_ =	swait.ge [sflag:s9], $0xC400  }
0x9b: {  	[sflag:s9] =	ssyncset.done $0x0  }
0x9c: {  	[sflag:s9] =	ssyncadd.s32 $0xFFFF3C00  }
0x9d: {  	[hbm4b:s19+s2] =	stream.linear.scatter [tilespmem:s4], [sflag:$0x4], $0xC400, $0x38;
	[tilespmem:$0x18800] =	vst v63  }
0x9e: {  	_ =	swait.ge [sflag:s10], $0xC400  }
0x9f: {  	[sflag:s10] =	ssyncset.done $0x0  }
0xa0: {  	[sflag:s10] =	ssyncadd.s32 $0xFFFF3C00  }
0xa1: {  	[tilespmem:s4], [sflag:$0x2] =	stream.linear.gather [hbm4b:s20+s2], $0xC400, $0x38;
	[tilespmem:$0x18800] =	vst v63  }
0xa2: {  	_ =	swait.ge [sflag:s5], $0xC400  }
0xa3: {  	[sflag:s5] =	ssyncset.done $0x0  }
0xa4: {  	[sflag:s5] =	ssyncadd.s32 $0xFFFF3C00  }
0xa5: {  	[hbm4b:s21+s2] =	stream.linear.scatter [tilespmem:s2], [sflag:$0x3], $0xC400, $0x38;
	[tilespmem:$0x18800] =	vst v63  }
0xa6: {  	_ =	swait.ge [sflag:s7], $0xC400  }
0xa7: {  	[sflag:s7] =	ssyncset.done $0x0  }
0xa8: {  	[sflag:s7] =	ssyncadd.s32 $0xFFFF3C00  }
0xa9: {  	[tilespmem:s2], [sflag:$0x1] =	stream.linear.gather [hbm4b:s22+s2], $0xC400, $0x38;
	[tilespmem:$0x18800] =	vst v63  }
0xaa: {  	_ =	swait.ge [sflag:s9], $0xC400  }
0xab: {  	[sflag:s9] =	ssyncset.done $0x0  }
0xac: {  	[sflag:s9] =	ssyncadd.s32 $0xFFFF3C00  }
0xad: {  	[hbm4b:s23+s2] =	stream.linear.scatter [tilespmem:s4], [sflag:$0x4], $0xC400, $0x38;
	[tilespmem:$0x18800] =	vst v63  }
0xae: {  	_ =	swait.ge [sflag:s10], $0xC400  }
0xaf: {  	[sflag:s10] =	ssyncset.done $0x0  }
0xb0: {  	[sflag:s10] =	ssyncadd.s32 $0xFFFF3C00  }
0xb1: {  	[tilespmem:s4], [sflag:$0x2] =	stream.linear.gather [hbm4b:s24+s2], $0xC400, $0x38;
	[tilespmem:$0x18800] =	vst v63  }
0xb2: {  	_ =	swait.ge [sflag:s5], $0xC400  }
0xb3: {  	[sflag:s5] =	ssyncset.done $0x0  }
0xb4: {  	[sflag:s5] =	ssyncadd.s32 $0xFFFF3C00  }
0xb5: {  	[hbm4b:s25+s2] =	stream.linear.scatter [tilespmem:s2], [sflag:$0x3], $0xC400, $0x38;
	[tilespmem:$0x18800] =	vst v63  }
0xb6: {  	_ =	swait.ge [sflag:s7], $0xC400  }
0xb7: {  	[sflag:s7] =	ssyncset.done $0x0  }
0xb8: {  	[sflag:s7] =	ssyncadd.s32 $0xFFFF3C00  }
0xb9: {  	[tilespmem:s2], [sflag:$0x1] =	stream.linear.gather [hbm4b:s26+s2], $0xC400, $0x38;
	[tilespmem:$0x18800] =	vst v63  }
0xba: {  	_ =	swait.ge [sflag:s9], $0xC400  }
0xbb: {  	[sflag:s9] =	ssyncset.done $0x0  }
0xbc: {  	[sflag:s9] =	ssyncadd.s32 $0xFFFF3C00  }
0xbd: {  	[hbm4b:s28+s2] =	stream.linear.scatter [tilespmem:s4], [sflag:$0x4], $0xC400, $0x38;
	[tilespmem:$0x18800] =	vst v63  }
0xbe: {  	_ =	swait.ge [sflag:s10], $0xC400  }
0xbf: {  	[sflag:s10] =	ssyncset.done $0x0  }
0xc0: {  	[sflag:s10] =	ssyncadd.s32 $0xFFFF3C00  }
0xc1: {  	[tilespmem:s4], [sflag:$0x2] =	stream.linear.gather [hbm4b:s29+s2], $0xC400, $0x38;
	[tilespmem:$0x18800] =	vst v63  }
0xc2: {  	_ =	swait.ge [sflag:s5], $0xC400  }
0xc3: {  	[sflag:s5] =	ssyncset.done $0x0  }
0xc4: {  	[sflag:s5] =	ssyncadd.s32 $0xFFFF3C00  }
0xc5: {  	[hbm4b:s30+s2] =	stream.linear.scatter [tilespmem:s2], [sflag:$0x3], $0xC400, $0x38;
	[tilespmem:$0x18800] =	vst v63  }
0xc6: {  	_ =	swait.ge [sflag:s9], $0xC400  }
0xc7: {  	[sflag:s9] =	ssyncset.done $0x0  }
0xc8: {  	p0 =	sne.s32 s1, $0x1;
	[sflag:s9] =	ssyncadd.s32 $0xFFFF3C00  }
0xc9: {  	[hbm4b:s31+s2] =	stream.linear.scatter [tilespmem:s4], [sflag:$0x4], $0xC400, $0x38;
	[tilespmem:$0x18800] =	vst v63  }
.Ltmp1:
0xca: {  	_ =	swait.ge [sflag:s7], $0xC400;
	(pc) =	sbr.rel @p0 .LBB2_1-.Ltmp1, $4  }
0xcb: {  	[sflag:s7] =	ssyncset.done $0x0  }
0xcc: {  	[sflag:s7] =	ssyncadd.s32 $0xFFFF3C00  }
0xcd: {  	_ =	swait.ge [sflag:s10], $0xC400  }
0xce: {  	s1 =	sadd.s32 $0xFFFFFFFF, s1;
	[sflag:s10] =	ssyncset.done $0x0  }
.LBB2_2:
0xcf: {  	[sflag:s10] =	ssyncadd.s32 $0xFFFF3C00  }
0xd0: {  	_ =	sfence.sel $0x180000  }
0xd1: {  	[bflag:$0x0] =	sbarrier.arrive $0xFFFF  }
0xd2: {  	_ =	strace $0x90000047  }
0xd3: {  	s0 =	stileid.u32;
	[bflag:$0x2] =	sbarrier.arrive $0xFFFF  }
0xd4: {  	p0 =	sne.s32 s0, $0x0;
	s0 =	rddreg [dreg:$0x2]  }
0xd5: {  	s0 =	sadd.s32 @!p0 $0x100000, s0  }
0xd6: {  	[sflag:s0] =	ssyncadd.tile.s32 @!p0 $0x1;
	_ =	shalt  }
.Lfunc_end2:
_tile_overlayer_lowered:
.L_overlay_start_2:
0xd7: {  	(tag) =	ssettag $0x2  }
0xd8: {  	s0 =	rddreg [dreg:$0x0];
	s2 =	stileid.u32  }
0xd9: {  	s1 =	rddreg [dreg:$0x1];
	p0 =	sne.s32 s2, $0x0  }
0xda: {  	s3 =	rddreg [dreg:$0x2];
	[bflag:$0x3] =	sbarrier.arrive $0xFFFF;
	s2 =	simm.s32 @!p0 $0x1C05  }
0xdb: {  	[timem:s3], [sflag:s2] =	dma.local @!p0 [hbm:s0], s1  }
0xdc: {  	s0 =	simm.s32 @!p0 $0x5  }
0xdd: {  	_ =	swait.ge @!p0 [sflag:s0], s1  }
0xde: {  	s1 =	ssub.s32 @!p0 $0x0, s1;
	[sflag:s0] =	ssyncset.done @!p0 $0x0  }
0xdf: {  	[sflag:s0] =	ssyncadd.s32 @!p0 s1  }
0xe0: {  	[bflag:$0x3] =	sbarrier.arrive $0xFFFF  }
0xe1: {  	_ =	shalt  }

</sc_bundles>
